<compile_context>
chip_gen: v7x
topology: tpu7x:2x2x1
jax: 0.10.2.dev20260603
libtpu: 0.0.44.dev20260713+nightly
codegen_flags: <defaults>
</compile_context>

<pallas_src>
import jax
import jax.numpy as jnp
from jax import lax
from jax.experimental import pallas as pl
from jax.experimental.pallas import tpu as pltpu
from jax.experimental.pallas import tpu_sc as plsc

_NUM_SAMPLES = 100
_SIGMA = 0.05
_K_FRAC = 0.01

_B = 8
_T = 2048
_K = 20
_ST = 17
_NCH = 64
_CHL = _T // _NCH
_LOC = _K * _T
_GROUPS = ((0, 16), (16, 9))


def _sc_body(x_hbm, noise_hbm, out_hbm, xbuf, nbuf, tbuf, cmax, wbuf, local,
             shared):
    c = lax.axis_index("c")
    s = lax.axis_index("s")
    b_local = s // 4
    b = 4 * c + b_local
    g0 = (b * _NUM_SAMPLES + (s % 4) * 25) * _T

    lanes = lax.iota(jnp.int32, 16)
    zeros16 = jnp.zeros((16,), jnp.float32)
    ones16 = jnp.ones((16,), jnp.float32)
    neginf16 = jnp.full((16,), -jnp.inf, jnp.float32)
    izeros16 = jnp.zeros((16,), jnp.int32)

    @pl.loop(0, _LOC // 16, unroll=8)
    def _zero(i):
        local[pl.ds(i * 16, 16)] = zeros16

    pltpu.sync_copy(x_hbm.at[pl.ds(b * _T, _T)], xbuf)

    for rbase, rows in _GROUPS:
        @pl.loop(0, 16)
        def _build(r):
            src = jnp.minimum(r, rows - 1)
            pltpu.sync_copy(
                noise_hbm.at[pl.ds(g0 + (rbase + src) * _T, _T)], nbuf)
            addr0 = lanes * _ST + r

            @pl.loop(0, _T // 16, init_carry=addr0, unroll=8)
            def _cols(i, addr):
                off = i * 16
                v = xbuf[pl.ds(off, 16)] + _SIGMA * nbuf[pl.ds(off, 16)]
                plsc.store_scatter(tbuf, [addr], v)
                return addr + 16 * _ST

        @pl.loop(0, _NCH)
        def _chunk(ch):
            addr0 = ch * (_CHL * _ST) + lanes

            @pl.loop(0, _CHL, init_carry=(neginf16, addr0), unroll=8)
            def _cm(i, carry):
                acc, addr = carry
                v = plsc.load_gather(tbuf, [addr])
                return jnp.maximum(acc, v), addr + _ST

            acc, _ = _cm
            cmax[pl.ds(ch * 16, 16)] = acc

        @pl.loop(0, _K)
        def _round(j):
            @pl.loop(0, _NCH, init_carry=(neginf16, izeros16), unroll=8)
            def _argch(i, carry):
                cm, ci = carry
                v = cmax[pl.ds(i * 16, 16)]
                gt = v > cm
                return (jnp.where(gt, v, cm), jnp.where(gt, i, ci))

            _, ci = _argch
            base_t = ci * _CHL
            addr0 = ci * (_CHL * _ST) + lanes

            @pl.loop(0, _CHL,
                     init_carry=(neginf16, izeros16, neginf16, addr0),
                     unroll=8)
            def _scan(i, carry):
                m1, i1, m2, addr = carry
                v = plsc.load_gather(tbuf, [addr])
                gt = v > m1
                m2n = jnp.maximum(m2, jnp.where(gt, m1, v))
                return (jnp.where(gt, v, m1),
                        jnp.where(gt, base_t + i, i1),
                        m2n, addr + _ST)

            _, i1, m2, _ = _scan
            wbuf[pl.ds(j * 16, 16)] = i1
            plsc.store_scatter(tbuf, [i1 * _ST + lanes], neginf16)
            plsc.store_scatter(cmax, [ci * 16 + lanes], m2)

        @pl.loop(0, rows)
        def _counts(r):
            w0 = plsc.load_gather(wbuf, [lanes * 16 + r])
            w1 = plsc.load_gather(wbuf, [(lanes + 16) * 16 + r])
            plsc.addupdate_scatter(local, [lanes * _T + w0], ones16)
            plsc.addupdate_scatter(local, [(lanes + 16) * _T + w1], ones16,
                                   mask=lanes < 4)

    pltpu.sync_copy(local, shared.at[s])
    plsc.subcore_barrier()

    b_l = s // 4
    r0 = (s % 4) * 5
    seg = 5 * _T
    inv = jnp.float32(1.0 / _NUM_SAMPLES)
    pltpu.sync_copy(shared.at[4 * b_l, pl.ds(r0 * _T, seg)],
                    local.at[pl.ds(0, seg)])
    for p in range(1, 4):
        pltpu.sync_copy(shared.at[4 * b_l + p, pl.ds(r0 * _T, seg)],
                        local.at[pl.ds(seg, seg)])

        @pl.loop(0, seg // 16, unroll=8)
        def _acc(i):
            off = i * 16
            local[pl.ds(off, 16)] = (
                local[pl.ds(off, 16)] + local[pl.ds(seg + off, 16)])

    @pl.loop(0, seg // 16, unroll=8)
    def _scale(i):
        off = i * 16
        local[pl.ds(off, 16)] = local[pl.ds(off, 16)] * inv

    pltpu.sync_copy(
        local.at[pl.ds(0, seg)],
        out_hbm.at[pl.ds(((4 * c + b_l) * _K + r0) * _T, seg)])


def _sc_topk_means(x, noise2d):
    mesh = plsc.VectorSubcoreMesh(
        core_axis_name="c", subcore_axis_name="s", num_cores=2,
        num_subcores=16)
    fn = pl.kernel(
        _sc_body,
        out_type=jax.ShapeDtypeStruct((_B * _K * _T,), jnp.float32),
        mesh=mesh,
        scratch_types=[
            pltpu.VMEM((_T,), jnp.float32),
            pltpu.VMEM((_T,), jnp.float32),
            pltpu.VMEM((_T * _ST,), jnp.float32),
            pltpu.VMEM((_NCH * 16,), jnp.float32),
            pltpu.VMEM((32 * 16,), jnp.int32),
            pltpu.VMEM((_LOC,), jnp.float32),
            pltpu.VMEM_SHARED((16, _LOC), jnp.float32),
        ],
        compiler_params=pltpu.CompilerParams(needs_layout_passes=False),
    )
    return fn(x, noise2d)


def kernel(x, train_mode):
    b, t = x.shape
    del train_mode
    noise = jax.random.normal(
        jax.random.key(1), (b, _NUM_SAMPLES, t), dtype=jnp.float32
    )
    flat = _sc_topk_means(
        x.reshape(b * t), noise.reshape(b * _NUM_SAMPLES * t)
    )
    return flat.reshape(_B, _K, _T)

# --- scband reference (transcript-rebuilt; emitter-appended) ---
"""Pipeline reference for scband-perturbed-top-k-24988119728670 (READ-ONLY COPY).

The authoritative reference and input builder live on the scoring server;
editing this copy changes nothing except your own understanding.
"""

import jax, jax.numpy as jnp
import numpy as np

K_FRAC = 0.01
NUM_SAMPLES = 100
SIGMA = 0.05


def setup_inputs(seed: int = 0) -> dict:
    key = jax.random.key(seed)
    x = jax.random.normal(key, (8, 2048), dtype=jnp.float32)
    return {"x": x, "train_mode": True}


def reference(x, train_mode):
    b, t = x.shape
    k = int(t * K_FRAC)
    # noise generated inside forward (fixed key for reproducibility, mirrors torch.normal)
    noise = jax.random.normal(jax.random.key(1), (b, NUM_SAMPLES, t), dtype=jnp.float32)
    perturbed_x = x[:, None, :] + noise * SIGMA
    if k > perturbed_x.shape[-1]:
        k = perturbed_x.shape[-1]
    elif k == 0:
        k = 1
    k_eval = min(1000, k)
    topk_indices = jax.lax.cond(
        train_mode,
        lambda px: jax.lax.top_k(px, k)[1],
        lambda px: jax.lax.top_k(px, k_eval)[1],
        perturbed_x,
    )  # sorted top-k indices, dim=-1
    perturbed_output = jax.nn.one_hot(topk_indices, t, dtype=jnp.float32)  # [b, n, k, t]
    indicators = perturbed_output.mean(axis=1)  # [b, k, t]
    return indicators

if __name__ == "__main__":
    import jax
    _d = setup_inputs()
    print(jax.jit(kernel)(*tuple(_d.values())))

</pallas_src>

<mosaic_0001>
#map = affine_map<(d0, d1) -> (0)>
module attributes {stable_mosaic.version = 14 : i64} {
  func.func @_sc_body(%arg0: i32, %arg1: i32, %arg2: memref<16384xf32, #tpu.memory_space<hbm>>, %arg3: memref<1638400xf32, #tpu.memory_space<hbm>>, %arg4: memref<327680xf32, #tpu.memory_space<hbm>>, %arg5: memref<2048xf32, #tpu.memory_space<vmem>>, %arg6: memref<2048xf32, #tpu.memory_space<vmem>>, %arg7: memref<34816xf32, #tpu.memory_space<vmem>>, %arg8: memref<1024xf32, #tpu.memory_space<vmem>>, %arg9: memref<512xi32, #tpu.memory_space<vmem>>, %arg10: memref<40960xf32, #tpu.memory_space<vmem>>, %arg11: memref<16x40960xf32, #tpu.memory_space<vmem_shared>>) attributes {dimension_semantics = [#tpu.dimension_semantics<core_parallel>, #tpu.dimension_semantics<subcore_parallel>], iteration_bounds = array<i64: 2, 16>, scalar_prefetch = 0 : i64, scratch_operands = 7 : i64, tpu.core_type = #tpu.core_type<sc_vector_subcore>, window_params = [{transform_indices = #map}, {transform_indices = #map}, {transform_indices = #map}]} {
    %jit3A = arith.constant 4 : i32
    %div3A = arith.divsi %arg1, %jit3A : i32
    %sign3A = arith.constant 0 : i32
    %sign3A_0 = arith.cmpi sgt, %arg1, %sign3A : i32
    %sign3A_1 = arith.extui %sign3A_0 : i1 to i32
    %sign3A_2 = arith.constant 0 : i32
    %sign3A_3 = arith.cmpi slt, %arg1, %sign3A_2 : i32
    %sign3A_4 = arith.extui %sign3A_3 : i1 to i32
    %sign3A_5 = arith.subi %sign3A_1, %sign3A_4 : i32
    %sign3A_6 = arith.constant 0 : i32
    %sign3A_7 = arith.cmpi sgt, %jit3A, %sign3A_6 : i32
    %sign3A_8 = arith.extui %sign3A_7 : i1 to i32
    %sign3A_9 = arith.constant 0 : i32
    %sign3A_10 = arith.cmpi slt, %jit3A, %sign3A_9 : i32
    %sign3A_11 = arith.extui %sign3A_10 : i1 to i32
    %sign3A_12 = arith.subi %sign3A_8, %sign3A_11 : i32
    %ne3A = arith.cmpi ne, %sign3A_5, %sign3A_12 : i32
    %rem3A = arith.remsi %arg1, %jit3A : i32
    %ne3A_13 = arith.constant 0 : i32
    %ne3A_14 = arith.cmpi ne, %rem3A, %ne3A_13 : i32
    %and3A = arith.andi %ne3A, %ne3A_14 : i1
    %sub3A = arith.constant 1 : i32
    %sub3A_15 = arith.subi %div3A, %sub3A : i32
    %select_n3A = arith.select %and3A, %sub3A_15, %div3A : i32
    %mul3A = arith.constant 4 : i32
    %mul3A_16 = arith.muli %mul3A, %arg0 : i32
    %add3A = arith.addi %mul3A_16, %select_n3A : i32
    %mul3A_17 = arith.constant 100 : i32
    %mul3A_18 = arith.muli %add3A, %mul3A_17 : i32
    %jit3A_19 = arith.constant 4 : i32
    %eq3A = arith.constant 0 : i32
    %eq3A_20 = arith.cmpi eq, %jit3A_19, %eq3A : i32
    %jit3A_21 = arith.constant 1 : i32
    %select_n3A_22 = arith.select %eq3A_20, %jit3A_21, %jit3A_19 : i32
    %rem3A_23 = arith.remsi %arg1, %select_n3A_22 : i32
    %ne3A_24 = arith.constant 0 : i32
    %ne3A_25 = arith.cmpi ne, %rem3A_23, %ne3A_24 : i32
    %lt3A = arith.constant 0 : i32
    %lt3A_26 = arith.cmpi slt, %rem3A_23, %lt3A : i32
    %lt3A_27 = arith.constant 0 : i32
    %lt3A_28 = arith.cmpi slt, %select_n3A_22, %lt3A_27 : i32
    %ne3A_29 = arith.xori %lt3A_26, %lt3A_28 : i1
    %and3A_30 = arith.andi %ne3A_29, %ne3A_25 : i1
    %add3A_31 = arith.addi %rem3A_23, %select_n3A_22 : i32
    %select_n3A_32 = arith.select %and3A_30, %add3A_31, %rem3A_23 : i32
    %mul3A_33 = arith.constant 25 : i32
    %mul3A_34 = arith.muli %select_n3A_32, %mul3A_33 : i32
    %add3A_35 = arith.addi %mul3A_18, %mul3A_34 : i32
    %mul3A_36 = arith.constant 2048 : i32
    %mul3A_37 = arith.muli %add3A_35, %mul3A_36 : i32
    %iota3A = tpu.iota {dimensions = array<i32: 0>} : vector<16xi32>
    %broadcast_in_dim3A = arith.constant 0.000000e+00 : f32
    %broadcast_in_dim3A_38 = vector.broadcast %broadcast_in_dim3A : f32 to vector<16xf32>
    %broadcast_in_dim3A_39 = arith.constant 1.000000e+00 : f32
    %broadcast_in_dim3A_40 = vector.broadcast %broadcast_in_dim3A_39 : f32 to vector<16xf32>
    %broadcast_in_dim3A_41 = arith.constant 0xFF800000 : f32
    %broadcast_in_dim3A_42 = vector.broadcast %broadcast_in_dim3A_41 : f32 to vector<16xf32>
    %broadcast_in_dim3A_43 = arith.constant 0 : i32
    %broadcast_in_dim3A_44 = vector.broadcast %broadcast_in_dim3A_43 : i32 to vector<16xi32>
    %scan3A = arith.constant 0 : i32
    %scan3A_45 = arith.constant 2560 : i32
    %scan3A_46 = arith.addi %scan3A, %scan3A_45 : i32
    %scan3A_47 = arith.constant 8 : i32
    scf.for %scan3A_184 = %scan3A to %scan3A_46 step %scan3A_47  : i32 {
      %mul3A_185 = arith.constant 1 : i32
      %mul3A_186 = arith.muli %scan3A_184, %mul3A_185 : i32
      %add3A_187 = arith.constant 0 : i32
      %add3A_188 = arith.addi %add3A_187, %mul3A_186 : i32
      %mul3A_189 = arith.constant 16 : i32
      %mul3A_190 = arith.muli %add3A_188, %mul3A_189 : i32
      %swap3A = arith.index_cast %mul3A_190 : i32 to index
      %swap3A_191 = tpu.vector_load %arg10[%swap3A] {strides = array<i32>} : memref<40960xf32, #tpu.memory_space<vmem>>, vector<16xf32>,
      tpu.vector_store %arg10[%swap3A], %broadcast_in_dim3A_38 {strides = array<i32>} : memref<40960xf32, #tpu.memory_space<vmem>>, vector<16xf32>,
      %scan3A_192 = arith.constant 1 : i32
      %scan3A_193 = arith.addi %scan3A_184, %scan3A_192 : i32
      %mul3A_194 = arith.constant 1 : i32
      %mul3A_195 = arith.muli %scan3A_193, %mul3A_194 : i32
      %add3A_196 = arith.constant 0 : i32
      %add3A_197 = arith.addi %add3A_196, %mul3A_195 : i32
      %mul3A_198 = arith.constant 16 : i32
      %mul3A_199 = arith.muli %add3A_197, %mul3A_198 : i32
      %swap3A_200 = arith.index_cast %mul3A_199 : i32 to index
      %swap3A_201 = tpu.vector_load %arg10[%swap3A_200] {strides = array<i32>} : memref<40960xf32, #tpu.memory_space<vmem>>, vector<16xf32>,
      tpu.vector_store %arg10[%swap3A_200], %broadcast_in_dim3A_38 {strides = array<i32>} : memref<40960xf32, #tpu.memory_space<vmem>>, vector<16xf32>,
      %scan3A_202 = arith.constant 2 : i32
      %scan3A_203 = arith.addi %scan3A_184, %scan3A_202 : i32
      %mul3A_204 = arith.constant 1 : i32
      %mul3A_205 = arith.muli %scan3A_203, %mul3A_204 : i32
      %add3A_206 = arith.constant 0 : i32
      %add3A_207 = arith.addi %add3A_206, %mul3A_205 : i32
      %mul3A_208 = arith.constant 16 : i32
      %mul3A_209 = arith.muli %add3A_207, %mul3A_208 : i32
      %swap3A_210 = arith.index_cast %mul3A_209 : i32 to index
      %swap3A_211 = tpu.vector_load %arg10[%swap3A_210] {strides = array<i32>} : memref<40960xf32, #tpu.memory_space<vmem>>, vector<16xf32>,
      tpu.vector_store %arg10[%swap3A_210], %broadcast_in_dim3A_38 {strides = array<i32>} : memref<40960xf32, #tpu.memory_space<vmem>>, vector<16xf32>,
      %scan3A_212 = arith.constant 3 : i32
      %scan3A_213 = arith.addi %scan3A_184, %scan3A_212 : i32
      %mul3A_214 = arith.constant 1 : i32
      %mul3A_215 = arith.muli %scan3A_213, %mul3A_214 : i32
      %add3A_216 = arith.constant 0 : i32
      %add3A_217 = arith.addi %add3A_216, %mul3A_215 : i32
      %mul3A_218 = arith.constant 16 : i32
      %mul3A_219 = arith.muli %add3A_217, %mul3A_218 : i32
      %swap3A_220 = arith.index_cast %mul3A_219 : i32 to index
      %swap3A_221 = tpu.vector_load %arg10[%swap3A_220] {strides = array<i32>} : memref<40960xf32, #tpu.memory_space<vmem>>, vector<16xf32>,
      tpu.vector_store %arg10[%swap3A_220], %broadcast_in_dim3A_38 {strides = array<i32>} : memref<40960xf32, #tpu.memory_space<vmem>>, vector<16xf32>,
      %scan3A_222 = arith.constant 4 : i32
      %scan3A_223 = arith.addi %scan3A_184, %scan3A_222 : i32
      %mul3A_224 = arith.constant 1 : i32
      %mul3A_225 = arith.muli %scan3A_223, %mul3A_224 : i32
      %add3A_226 = arith.constant 0 : i32
      %add3A_227 = arith.addi %add3A_226, %mul3A_225 : i32
      %mul3A_228 = arith.constant 16 : i32
      %mul3A_229 = arith.muli %add3A_227, %mul3A_228 : i32
      %swap3A_230 = arith.index_cast %mul3A_229 : i32 to index
      %swap3A_231 = tpu.vector_load %arg10[%swap3A_230] {strides = array<i32>} : memref<40960xf32, #tpu.memory_space<vmem>>, vector<16xf32>,
      tpu.vector_store %arg10[%swap3A_230], %broadcast_in_dim3A_38 {strides = array<i32>} : memref<40960xf32, #tpu.memory_space<vmem>>, vector<16xf32>,
      %scan3A_232 = arith.constant 5 : i32
      %scan3A_233 = arith.addi %scan3A_184, %scan3A_232 : i32
      %mul3A_234 = arith.constant 1 : i32
      %mul3A_235 = arith.muli %scan3A_233, %mul3A_234 : i32
      %add3A_236 = arith.constant 0 : i32
      %add3A_237 = arith.addi %add3A_236, %mul3A_235 : i32
      %mul3A_238 = arith.constant 16 : i32
      %mul3A_239 = arith.muli %add3A_237, %mul3A_238 : i32
      %swap3A_240 = arith.index_cast %mul3A_239 : i32 to index
      %swap3A_241 = tpu.vector_load %arg10[%swap3A_240] {strides = array<i32>} : memref<40960xf32, #tpu.memory_space<vmem>>, vector<16xf32>,
      tpu.vector_store %arg10[%swap3A_240], %broadcast_in_dim3A_38 {strides = array<i32>} : memref<40960xf32, #tpu.memory_space<vmem>>, vector<16xf32>,
      %scan3A_242 = arith.constant 6 : i32
      %scan3A_243 = arith.addi %scan3A_184, %scan3A_242 : i32
      %mul3A_244 = arith.constant 1 : i32
      %mul3A_245 = arith.muli %scan3A_243, %mul3A_244 : i32
      %add3A_246 = arith.constant 0 : i32
      %add3A_247 = arith.addi %add3A_246, %mul3A_245 : i32
      %mul3A_248 = arith.constant 16 : i32
      %mul3A_249 = arith.muli %add3A_247, %mul3A_248 : i32
      %swap3A_250 = arith.index_cast %mul3A_249 : i32 to index
      %swap3A_251 = tpu.vector_load %arg10[%swap3A_250] {strides = array<i32>} : memref<40960xf32, #tpu.memory_space<vmem>>, vector<16xf32>,
      tpu.vector_store %arg10[%swap3A_250], %broadcast_in_dim3A_38 {strides = array<i32>} : memref<40960xf32, #tpu.memory_space<vmem>>, vector<16xf32>,
      %scan3A_252 = arith.constant 7 : i32
      %scan3A_253 = arith.addi %scan3A_184, %scan3A_252 : i32
      %mul3A_254 = arith.constant 1 : i32
      %mul3A_255 = arith.muli %scan3A_253, %mul3A_254 : i32
      %add3A_256 = arith.constant 0 : i32
      %add3A_257 = arith.addi %add3A_256, %mul3A_255 : i32
      %mul3A_258 = arith.constant 16 : i32
      %mul3A_259 = arith.muli %add3A_257, %mul3A_258 : i32
      %swap3A_260 = arith.index_cast %mul3A_259 : i32 to index
      %swap3A_261 = tpu.vector_load %arg10[%swap3A_260] {strides = array<i32>} : memref<40960xf32, #tpu.memory_space<vmem>>, vector<16xf32>,
      tpu.vector_store %arg10[%swap3A_260], %broadcast_in_dim3A_38 {strides = array<i32>} : memref<40960xf32, #tpu.memory_space<vmem>>, vector<16xf32>,
    }
    %scan3A_48 = arith.constant 2560 : i32
    %mul3A_49 = arith.constant 2048 : i32
    %mul3A_50 = arith.muli %add3A, %mul3A_49 : i32
    "tpu.region"() ({
      %run_scoped3A = tpu.sem_alloc : memref<!tpu.dma_semaphore, #tpu.memory_space<semaphore_mem>>
      %dma_start3A = tpu.memref_slice %arg2[%mul3A_50] : memref<16384xf32, #tpu.memory_space<hbm>> -> memref<2048xf32, #tpu.memory_space<hbm>>
      %dma_start3A_184 = tpu.memref_slice %arg2[%mul3A_50] : memref<16384xf32, #tpu.memory_space<hbm>> -> memref<2048xf32, #tpu.memory_space<hbm>>
      tpu.enqueue_dma source(%dma_start3A_184 : memref<2048xf32, #tpu.memory_space<hbm>>) target(%arg5 : memref<2048xf32, #tpu.memory_space<vmem>>) target_semaphore(%run_scoped3A : memref<!tpu.dma_semaphore, #tpu.memory_space<semaphore_mem>>)
      %dma_wait3A = tpu.memref_slice %arg2[%mul3A_50] : memref<16384xf32, #tpu.memory_space<hbm>> -> memref<2048xf32, #tpu.memory_space<hbm>>
      %dma_wait3A_185 = tpu.memref_slice %arg2[%mul3A_50] : memref<16384xf32, #tpu.memory_space<hbm>> -> memref<2048xf32, #tpu.memory_space<hbm>>
      tpu.wait_dma2 semaphore(%run_scoped3A : memref<!tpu.dma_semaphore, #tpu.memory_space<semaphore_mem>>) src(%dma_wait3A_185 : memref<2048xf32, #tpu.memory_space<hbm>>) dst(%arg5 : memref<2048xf32, #tpu.memory_space<vmem>>)
      tpu.yield
    }) : () -> ()
    %scan3A_51 = arith.constant 0 : i32
    %scan3A_52 = arith.constant 16 : i32
    %scan3A_53 = arith.addi %scan3A_51, %scan3A_52 : i32
    %scan3A_54 = arith.constant 1 : i32
    scf.for %scan3A_184 = %scan3A_51 to %scan3A_53 step %scan3A_54  : i32 {
      %mul3A_185 = arith.constant 1 : i32
      %mul3A_186 = arith.muli %scan3A_184, %mul3A_185 : i32
      %add3A_187 = arith.constant 0 : i32
      %add3A_188 = arith.addi %add3A_187, %mul3A_186 : i32
      %min3A = arith.constant 15 : i32
      %min3A_189 = arith.minsi %add3A_188, %min3A : i32
      %add3A_190 = arith.constant 0 : i32
      %add3A_191 = arith.addi %add3A_190, %min3A_189 : i32
      %mul3A_192 = arith.constant 2048 : i32
      %mul3A_193 = arith.muli %add3A_191, %mul3A_192 : i32
      %add3A_194 = arith.addi %mul3A_37, %mul3A_193 : i32
      "tpu.region"() ({
        %run_scoped3A = tpu.sem_alloc : memref<!tpu.dma_semaphore, #tpu.memory_space<semaphore_mem>>
        %dma_start3A = tpu.memref_slice %arg3[%add3A_194] : memref<1638400xf32, #tpu.memory_space<hbm>> -> memref<2048xf32, #tpu.memory_space<hbm>>
        %dma_start3A_206 = tpu.memref_slice %arg3[%add3A_194] : memref<1638400xf32, #tpu.memory_space<hbm>> -> memref<2048xf32, #tpu.memory_space<hbm>>
        tpu.enqueue_dma source(%dma_start3A_206 : memref<2048xf32, #tpu.memory_space<hbm>>) target(%arg6 : memref<2048xf32, #tpu.memory_space<vmem>>) target_semaphore(%run_scoped3A : memref<!tpu.dma_semaphore, #tpu.memory_space<semaphore_mem>>)
        %dma_wait3A = tpu.memref_slice %arg3[%add3A_194] : memref<1638400xf32, #tpu.memory_space<hbm>> -> memref<2048xf32, #tpu.memory_space<hbm>>
        %dma_wait3A_207 = tpu.memref_slice %arg3[%add3A_194] : memref<1638400xf32, #tpu.memory_space<hbm>> -> memref<2048xf32, #tpu.memory_space<hbm>>
        tpu.wait_dma2 semaphore(%run_scoped3A : memref<!tpu.dma_semaphore, #tpu.memory_space<semaphore_mem>>) src(%dma_wait3A_207 : memref<2048xf32, #tpu.memory_space<hbm>>) dst(%arg6 : memref<2048xf32, #tpu.memory_space<vmem>>)
        tpu.yield
      }) : () -> ()
      %mul3A_195 = arith.constant 17 : i32
      %mul3A_196 = vector.broadcast %mul3A_195 : i32 to vector<16xi32>
      %mul3A_197 = arith.muli %iota3A, %mul3A_196 : vector<16xi32>
      %add3A_198 = vector.broadcast %add3A_188 : i32 to vector<16xi32>
      %add3A_199 = arith.addi %mul3A_197, %add3A_198 : vector<16xi32>
      %scan3A_200 = arith.constant 0 : i32
      %scan3A_201 = arith.constant 128 : i32
      %scan3A_202 = arith.addi %scan3A_200, %scan3A_201 : i32
      %scan3A_203 = arith.constant 8 : i32
      %scan3A_204 = scf.for %scan3A_206 = %scan3A_200 to %scan3A_202 step %scan3A_203 iter_args(%scan3A_207 = %add3A_199) -> (vector<16xi32>)  : i32 {
        %mul3A_208 = arith.constant 1 : i32
        %mul3A_209 = arith.muli %scan3A_206, %mul3A_208 : i32
        %add3A_210 = arith.constant 0 : i32
        %add3A_211 = arith.addi %add3A_210, %mul3A_209 : i32
        %mul3A_212 = arith.constant 16 : i32
        %mul3A_213 = arith.muli %add3A_211, %mul3A_212 : i32
        %get3A = arith.index_cast %mul3A_213 : i32 to index
        %get3A_214 = tpu.vector_load %arg5[%get3A] {strides = array<i32>} : memref<2048xf32, #tpu.memory_space<vmem>>, vector<16xf32>,
        %get3A_215 = arith.index_cast %mul3A_213 : i32 to index
        %get3A_216 = tpu.vector_load %arg6[%get3A_215] {strides = array<i32>} : memref<2048xf32, #tpu.memory_space<vmem>>, vector<16xf32>,
        %mul3A_217 = arith.constant 5.000000e-02 : f32
        %mul3A_218 = vector.broadcast %mul3A_217 : f32 to vector<16xf32>
        %mul3A_219 = arith.mulf %mul3A_218, %get3A_216 : vector<16xf32>
        %add3A_220 = arith.addf %get3A_214, %mul3A_219 : vector<16xf32>
        tpu.vector_store_idx %arg7[%scan3A_207], %add3A_220 : memref<34816xf32, #tpu.memory_space<vmem>>[vector<16xi32>], vector<16xf32>,
        %add3A_221 = arith.constant 272 : i32
        %add3A_222 = vector.broadcast %add3A_221 : i32 to vector<16xi32>
        %add3A_223 = arith.addi %scan3A_207, %add3A_222 : vector<16xi32>
        %scan3A_224 = arith.constant 1 : i32
        %scan3A_225 = arith.addi %scan3A_206, %scan3A_224 : i32
        %mul3A_226 = arith.constant 1 : i32
        %mul3A_227 = arith.muli %scan3A_225, %mul3A_226 : i32
        %add3A_228 = arith.constant 0 : i32
        %add3A_229 = arith.addi %add3A_228, %mul3A_227 : i32
        %mul3A_230 = arith.constant 16 : i32
        %mul3A_231 = arith.muli %add3A_229, %mul3A_230 : i32
        %get3A_232 = arith.index_cast %mul3A_231 : i32 to index
        %get3A_233 = tpu.vector_load %arg5[%get3A_232] {strides = array<i32>} : memref<2048xf32, #tpu.memory_space<vmem>>, vector<16xf32>,
        %get3A_234 = arith.index_cast %mul3A_231 : i32 to index
        %get3A_235 = tpu.vector_load %arg6[%get3A_234] {strides = array<i32>} : memref<2048xf32, #tpu.memory_space<vmem>>, vector<16xf32>,
        %mul3A_236 = arith.constant 5.000000e-02 : f32
        %mul3A_237 = vector.broadcast %mul3A_236 : f32 to vector<16xf32>
        %mul3A_238 = arith.mulf %mul3A_237, %get3A_235 : vector<16xf32>
        %add3A_239 = arith.addf %get3A_233, %mul3A_238 : vector<16xf32>
        tpu.vector_store_idx %arg7[%add3A_223], %add3A_239 : memref<34816xf32, #tpu.memory_space<vmem>>[vector<16xi32>], vector<16xf32>,
        %add3A_240 = arith.constant 272 : i32
        %add3A_241 = vector.broadcast %add3A_240 : i32 to vector<16xi32>
        %add3A_242 = arith.addi %add3A_223, %add3A_241 : vector<16xi32>
        %scan3A_243 = arith.constant 2 : i32
        %scan3A_244 = arith.addi %scan3A_206, %scan3A_243 : i32
        %mul3A_245 = arith.constant 1 : i32
        %mul3A_246 = arith.muli %scan3A_244, %mul3A_245 : i32
        %add3A_247 = arith.constant 0 : i32
        %add3A_248 = arith.addi %add3A_247, %mul3A_246 : i32
        %mul3A_249 = arith.constant 16 : i32
        %mul3A_250 = arith.muli %add3A_248, %mul3A_249 : i32
        %get3A_251 = arith.index_cast %mul3A_250 : i32 to index
        %get3A_252 = tpu.vector_load %arg5[%get3A_251] {strides = array<i32>} : memref<2048xf32, #tpu.memory_space<vmem>>, vector<16xf32>,
        %get3A_253 = arith.index_cast %mul3A_250 : i32 to index
        %get3A_254 = tpu.vector_load %arg6[%get3A_253] {strides = array<i32>} : memref<2048xf32, #tpu.memory_space<vmem>>, vector<16xf32>,
        %mul3A_255 = arith.constant 5.000000e-02 : f32
        %mul3A_256 = vector.broadcast %mul3A_255 : f32 to vector<16xf32>
        %mul3A_257 = arith.mulf %mul3A_256, %get3A_254 : vector<16xf32>
        %add3A_258 = arith.addf %get3A_252, %mul3A_257 : vector<16xf32>
        tpu.vector_store_idx %arg7[%add3A_242], %add3A_258 : memref<34816xf32, #tpu.memory_space<vmem>>[vector<16xi32>], vector<16xf32>,
        %add3A_259 = arith.constant 272 : i32
        %add3A_260 = vector.broadcast %add3A_259 : i32 to vector<16xi32>
        %add3A_261 = arith.addi %add3A_242, %add3A_260 : vector<16xi32>
        %scan3A_262 = arith.constant 3 : i32
        %scan3A_263 = arith.addi %scan3A_206, %scan3A_262 : i32
        %mul3A_264 = arith.constant 1 : i32
        %mul3A_265 = arith.muli %scan3A_263, %mul3A_264 : i32
        %add3A_266 = arith.constant 0 : i32
        %add3A_267 = arith.addi %add3A_266, %mul3A_265 : i32
        %mul3A_268 = arith.constant 16 : i32
        %mul3A_269 = arith.muli %add3A_267, %mul3A_268 : i32
        %get3A_270 = arith.index_cast %mul3A_269 : i32 to index
        %get3A_271 = tpu.vector_load %arg5[%get3A_270] {strides = array<i32>} : memref<2048xf32, #tpu.memory_space<vmem>>, vector<16xf32>,
        %get3A_272 = arith.index_cast %mul3A_269 : i32 to index
        %get3A_273 = tpu.vector_load %arg6[%get3A_272] {strides = array<i32>} : memref<2048xf32, #tpu.memory_space<vmem>>, vector<16xf32>,
        %mul3A_274 = arith.constant 5.000000e-02 : f32
        %mul3A_275 = vector.broadcast %mul3A_274 : f32 to vector<16xf32>
        %mul3A_276 = arith.mulf %mul3A_275, %get3A_273 : vector<16xf32>
        %add3A_277 = arith.addf %get3A_271, %mul3A_276 : vector<16xf32>
        tpu.vector_store_idx %arg7[%add3A_261], %add3A_277 : memref<34816xf32, #tpu.memory_space<vmem>>[vector<16xi32>], vector<16xf32>,
        %add3A_278 = arith.constant 272 : i32
        %add3A_279 = vector.broadcast %add3A_278 : i32 to vector<16xi32>
        %add3A_280 = arith.addi %add3A_261, %add3A_279 : vector<16xi32>
        %scan3A_281 = arith.constant 4 : i32
        %scan3A_282 = arith.addi %scan3A_206, %scan3A_281 : i32
        %mul3A_283 = arith.constant 1 : i32
        %mul3A_284 = arith.muli %scan3A_282, %mul3A_283 : i32
        %add3A_285 = arith.constant 0 : i32
        %add3A_286 = arith.addi %add3A_285, %mul3A_284 : i32
        %mul3A_287 = arith.constant 16 : i32
        %mul3A_288 = arith.muli %add3A_286, %mul3A_287 : i32
        %get3A_289 = arith.index_cast %mul3A_288 : i32 to index
        %get3A_290 = tpu.vector_load %arg5[%get3A_289] {strides = array<i32>} : memref<2048xf32, #tpu.memory_space<vmem>>, vector<16xf32>,
        %get3A_291 = arith.index_cast %mul3A_288 : i32 to index
        %get3A_292 = tpu.vector_load %arg6[%get3A_291] {strides = array<i32>} : memref<2048xf32, #tpu.memory_space<vmem>>, vector<16xf32>,
        %mul3A_293 = arith.constant 5.000000e-02 : f32
        %mul3A_294 = vector.broadcast %mul3A_293 : f32 to vector<16xf32>
        %mul3A_295 = arith.mulf %mul3A_294, %get3A_292 : vector<16xf32>
        %add3A_296 = arith.addf %get3A_290, %mul3A_295 : vector<16xf32>
        tpu.vector_store_idx %arg7[%add3A_280], %add3A_296 : memref<34816xf32, #tpu.memory_space<vmem>>[vector<16xi32>], vector<16xf32>,
        %add3A_297 = arith.constant 272 : i32
        %add3A_298 = vector.broadcast %add3A_297 : i32 to vector<16xi32>
        %add3A_299 = arith.addi %add3A_280, %add3A_298 : vector<16xi32>
        %scan3A_300 = arith.constant 5 : i32
        %scan3A_301 = arith.addi %scan3A_206, %scan3A_300 : i32
        %mul3A_302 = arith.constant 1 : i32
        %mul3A_303 = arith.muli %scan3A_301, %mul3A_302 : i32
        %add3A_304 = arith.constant 0 : i32
        %add3A_305 = arith.addi %add3A_304, %mul3A_303 : i32
        %mul3A_306 = arith.constant 16 : i32
        %mul3A_307 = arith.muli %add3A_305, %mul3A_306 : i32
        %get3A_308 = arith.index_cast %mul3A_307 : i32 to index
        %get3A_309 = tpu.vector_load %arg5[%get3A_308] {strides = array<i32>} : memref<2048xf32, #tpu.memory_space<vmem>>, vector<16xf32>,
        %get3A_310 = arith.index_cast %mul3A_307 : i32 to index
        %get3A_311 = tpu.vector_load %arg6[%get3A_310] {strides = array<i32>} : memref<2048xf32, #tpu.memory_space<vmem>>, vector<16xf32>,
        %mul3A_312 = arith.constant 5.000000e-02 : f32
        %mul3A_313 = vector.broadcast %mul3A_312 : f32 to vector<16xf32>
        %mul3A_314 = arith.mulf %mul3A_313, %get3A_311 : vector<16xf32>
        %add3A_315 = arith.addf %get3A_309, %mul3A_314 : vector<16xf32>
        tpu.vector_store_idx %arg7[%add3A_299], %add3A_315 : memref<34816xf32, #tpu.memory_space<vmem>>[vector<16xi32>], vector<16xf32>,
        %add3A_316 = arith.constant 272 : i32
        %add3A_317 = vector.broadcast %add3A_316 : i32 to vector<16xi32>
        %add3A_318 = arith.addi %add3A_299, %add3A_317 : vector<16xi32>
        %scan3A_319 = arith.constant 6 : i32
        %scan3A_320 = arith.addi %scan3A_206, %scan3A_319 : i32
        %mul3A_321 = arith.constant 1 : i32
        %mul3A_322 = arith.muli %scan3A_320, %mul3A_321 : i32
        %add3A_323 = arith.constant 0 : i32
        %add3A_324 = arith.addi %add3A_323, %mul3A_322 : i32
        %mul3A_325 = arith.constant 16 : i32
        %mul3A_326 = arith.muli %add3A_324, %mul3A_325 : i32
        %get3A_327 = arith.index_cast %mul3A_326 : i32 to index
        %get3A_328 = tpu.vector_load %arg5[%get3A_327] {strides = array<i32>} : memref<2048xf32, #tpu.memory_space<vmem>>, vector<16xf32>,
        %get3A_329 = arith.index_cast %mul3A_326 : i32 to index
        %get3A_330 = tpu.vector_load %arg6[%get3A_329] {strides = array<i32>} : memref<2048xf32, #tpu.memory_space<vmem>>, vector<16xf32>,
        %mul3A_331 = arith.constant 5.000000e-02 : f32
        %mul3A_332 = vector.broadcast %mul3A_331 : f32 to vector<16xf32>
        %mul3A_333 = arith.mulf %mul3A_332, %get3A_330 : vector<16xf32>
        %add3A_334 = arith.addf %get3A_328, %mul3A_333 : vector<16xf32>
        tpu.vector_store_idx %arg7[%add3A_318], %add3A_334 : memref<34816xf32, #tpu.memory_space<vmem>>[vector<16xi32>], vector<16xf32>,
        %add3A_335 = arith.constant 272 : i32
        %add3A_336 = vector.broadcast %add3A_335 : i32 to vector<16xi32>
        %add3A_337 = arith.addi %add3A_318, %add3A_336 : vector<16xi32>
        %scan3A_338 = arith.constant 7 : i32
        %scan3A_339 = arith.addi %scan3A_206, %scan3A_338 : i32
        %mul3A_340 = arith.constant 1 : i32
        %mul3A_341 = arith.muli %scan3A_339, %mul3A_340 : i32
        %add3A_342 = arith.constant 0 : i32
        %add3A_343 = arith.addi %add3A_342, %mul3A_341 : i32
        %mul3A_344 = arith.constant 16 : i32
        %mul3A_345 = arith.muli %add3A_343, %mul3A_344 : i32
        %get3A_346 = arith.index_cast %mul3A_345 : i32 to index
        %get3A_347 = tpu.vector_load %arg5[%get3A_346] {strides = array<i32>} : memref<2048xf32, #tpu.memory_space<vmem>>, vector<16xf32>,
        %get3A_348 = arith.index_cast %mul3A_345 : i32 to index
        %get3A_349 = tpu.vector_load %arg6[%get3A_348] {strides = array<i32>} : memref<2048xf32, #tpu.memory_space<vmem>>, vector<16xf32>,
        %mul3A_350 = arith.constant 5.000000e-02 : f32
        %mul3A_351 = vector.broadcast %mul3A_350 : f32 to vector<16xf32>
        %mul3A_352 = arith.mulf %mul3A_351, %get3A_349 : vector<16xf32>
        %add3A_353 = arith.addf %get3A_347, %mul3A_352 : vector<16xf32>
        tpu.vector_store_idx %arg7[%add3A_337], %add3A_353 : memref<34816xf32, #tpu.memory_space<vmem>>[vector<16xi32>], vector<16xf32>,
        %add3A_354 = arith.constant 272 : i32
        %add3A_355 = vector.broadcast %add3A_354 : i32 to vector<16xi32>
        %add3A_356 = arith.addi %add3A_337, %add3A_355 : vector<16xi32>
        scf.yield %add3A_356 : vector<16xi32>
      }
      %scan3A_205 = arith.constant 128 : i32
    }
    %scan3A_55 = arith.constant 16 : i32
    %scan3A_56 = arith.constant 0 : i32
    %scan3A_57 = arith.constant 64 : i32
    %scan3A_58 = arith.addi %scan3A_56, %scan3A_57 : i32
    %scan3A_59 = arith.constant 1 : i32
    scf.for %scan3A_184 = %scan3A_56 to %scan3A_58 step %scan3A_59  : i32 {
      %mul3A_185 = arith.constant 1 : i32
      %mul3A_186 = arith.muli %scan3A_184, %mul3A_185 : i32
      %add3A_187 = arith.constant 0 : i32
      %add3A_188 = arith.addi %add3A_187, %mul3A_186 : i32
      %mul3A_189 = arith.constant 544 : i32
      %mul3A_190 = arith.muli %add3A_188, %mul3A_189 : i32
      %add3A_191 = vector.broadcast %mul3A_190 : i32 to vector<16xi32>
      %add3A_192 = arith.addi %add3A_191, %iota3A : vector<16xi32>
      %scan3A_193 = arith.constant 0 : i32
      %scan3A_194 = arith.constant 32 : i32
      %scan3A_195 = arith.addi %scan3A_193, %scan3A_194 : i32
      %scan3A_196 = arith.constant 8 : i32
      %scan3A_197:2 = scf.for %scan3A_202 = %scan3A_193 to %scan3A_195 step %scan3A_196 iter_args(%scan3A_203 = %broadcast_in_dim3A_42, %scan3A_204 = %add3A_192) -> (vector<16xf32>, vector<16xi32>)  : i32 {
        %mul3A_205 = arith.constant 1 : i32
        %mul3A_206 = arith.muli %scan3A_202, %mul3A_205 : i32
        %add3A_207 = arith.constant 0 : i32
        %add3A_208 = arith.addi %add3A_207, %mul3A_206 : i32
        %gather3A = tpu.vector_load_idx %arg7[%scan3A_204] : memref<34816xf32, #tpu.memory_space<vmem>>[vector<16xi32>], vector<16xf32>,
        %max3A = arith.maximumf %scan3A_203, %gather3A : vector<16xf32>
        %add3A_209 = arith.constant 17 : i32
        %add3A_210 = vector.broadcast %add3A_209 : i32 to vector<16xi32>
        %add3A_211 = arith.addi %scan3A_204, %add3A_210 : vector<16xi32>
        %scan3A_212 = arith.constant 1 : i32
        %scan3A_213 = arith.addi %scan3A_202, %scan3A_212 : i32
        %mul3A_214 = arith.constant 1 : i32
        %mul3A_215 = arith.muli %scan3A_213, %mul3A_214 : i32
        %add3A_216 = arith.constant 0 : i32
        %add3A_217 = arith.addi %add3A_216, %mul3A_215 : i32
        %gather3A_218 = tpu.vector_load_idx %arg7[%add3A_211] : memref<34816xf32, #tpu.memory_space<vmem>>[vector<16xi32>], vector<16xf32>,
        %max3A_219 = arith.maximumf %max3A, %gather3A_218 : vector<16xf32>
        %add3A_220 = arith.constant 17 : i32
        %add3A_221 = vector.broadcast %add3A_220 : i32 to vector<16xi32>
        %add3A_222 = arith.addi %add3A_211, %add3A_221 : vector<16xi32>
        %scan3A_223 = arith.constant 2 : i32
        %scan3A_224 = arith.addi %scan3A_202, %scan3A_223 : i32
        %mul3A_225 = arith.constant 1 : i32
        %mul3A_226 = arith.muli %scan3A_224, %mul3A_225 : i32
        %add3A_227 = arith.constant 0 : i32
        %add3A_228 = arith.addi %add3A_227, %mul3A_226 : i32
        %gather3A_229 = tpu.vector_load_idx %arg7[%add3A_222] : memref<34816xf32, #tpu.memory_space<vmem>>[vector<16xi32>], vector<16xf32>,
        %max3A_230 = arith.maximumf %max3A_219, %gather3A_229 : vector<16xf32>
        %add3A_231 = arith.constant 17 : i32
        %add3A_232 = vector.broadcast %add3A_231 : i32 to vector<16xi32>
        %add3A_233 = arith.addi %add3A_222, %add3A_232 : vector<16xi32>
        %scan3A_234 = arith.constant 3 : i32
        %scan3A_235 = arith.addi %scan3A_202, %scan3A_234 : i32
        %mul3A_236 = arith.constant 1 : i32
        %mul3A_237 = arith.muli %scan3A_235, %mul3A_236 : i32
        %add3A_238 = arith.constant 0 : i32
        %add3A_239 = arith.addi %add3A_238, %mul3A_237 : i32
        %gather3A_240 = tpu.vector_load_idx %arg7[%add3A_233] : memref<34816xf32, #tpu.memory_space<vmem>>[vector<16xi32>], vector<16xf32>,
        %max3A_241 = arith.maximumf %max3A_230, %gather3A_240 : vector<16xf32>
        %add3A_242 = arith.constant 17 : i32
        %add3A_243 = vector.broadcast %add3A_242 : i32 to vector<16xi32>
        %add3A_244 = arith.addi %add3A_233, %add3A_243 : vector<16xi32>
        %scan3A_245 = arith.constant 4 : i32
        %scan3A_246 = arith.addi %scan3A_202, %scan3A_245 : i32
        %mul3A_247 = arith.constant 1 : i32
        %mul3A_248 = arith.muli %scan3A_246, %mul3A_247 : i32
        %add3A_249 = arith.constant 0 : i32
        %add3A_250 = arith.addi %add3A_249, %mul3A_248 : i32
        %gather3A_251 = tpu.vector_load_idx %arg7[%add3A_244] : memref<34816xf32, #tpu.memory_space<vmem>>[vector<16xi32>], vector<16xf32>,
        %max3A_252 = arith.maximumf %max3A_241, %gather3A_251 : vector<16xf32>
        %add3A_253 = arith.constant 17 : i32
        %add3A_254 = vector.broadcast %add3A_253 : i32 to vector<16xi32>
        %add3A_255 = arith.addi %add3A_244, %add3A_254 : vector<16xi32>
        %scan3A_256 = arith.constant 5 : i32
        %scan3A_257 = arith.addi %scan3A_202, %scan3A_256 : i32
        %mul3A_258 = arith.constant 1 : i32
        %mul3A_259 = arith.muli %scan3A_257, %mul3A_258 : i32
        %add3A_260 = arith.constant 0 : i32
        %add3A_261 = arith.addi %add3A_260, %mul3A_259 : i32
        %gather3A_262 = tpu.vector_load_idx %arg7[%add3A_255] : memref<34816xf32, #tpu.memory_space<vmem>>[vector<16xi32>], vector<16xf32>,
        %max3A_263 = arith.maximumf %max3A_252, %gather3A_262 : vector<16xf32>
        %add3A_264 = arith.constant 17 : i32
        %add3A_265 = vector.broadcast %add3A_264 : i32 to vector<16xi32>
        %add3A_266 = arith.addi %add3A_255, %add3A_265 : vector<16xi32>
        %scan3A_267 = arith.constant 6 : i32
        %scan3A_268 = arith.addi %scan3A_202, %scan3A_267 : i32
        %mul3A_269 = arith.constant 1 : i32
        %mul3A_270 = arith.muli %scan3A_268, %mul3A_269 : i32
        %add3A_271 = arith.constant 0 : i32
        %add3A_272 = arith.addi %add3A_271, %mul3A_270 : i32
        %gather3A_273 = tpu.vector_load_idx %arg7[%add3A_266] : memref<34816xf32, #tpu.memory_space<vmem>>[vector<16xi32>], vector<16xf32>,
        %max3A_274 = arith.maximumf %max3A_263, %gather3A_273 : vector<16xf32>
        %add3A_275 = arith.constant 17 : i32
        %add3A_276 = vector.broadcast %add3A_275 : i32 to vector<16xi32>
        %add3A_277 = arith.addi %add3A_266, %add3A_276 : vector<16xi32>
        %scan3A_278 = arith.constant 7 : i32
        %scan3A_279 = arith.addi %scan3A_202, %scan3A_278 : i32
        %mul3A_280 = arith.constant 1 : i32
        %mul3A_281 = arith.muli %scan3A_279, %mul3A_280 : i32
        %add3A_282 = arith.constant 0 : i32
        %add3A_283 = arith.addi %add3A_282, %mul3A_281 : i32
        %gather3A_284 = tpu.vector_load_idx %arg7[%add3A_277] : memref<34816xf32, #tpu.memory_space<vmem>>[vector<16xi32>], vector<16xf32>,
        %max3A_285 = arith.maximumf %max3A_274, %gather3A_284 : vector<16xf32>
        %add3A_286 = arith.constant 17 : i32
        %add3A_287 = vector.broadcast %add3A_286 : i32 to vector<16xi32>
        %add3A_288 = arith.addi %add3A_277, %add3A_287 : vector<16xi32>
        scf.yield %max3A_285, %add3A_288 : vector<16xf32>, vector<16xi32>
      }
      %scan3A_198 = arith.constant 32 : i32
      %mul3A_199 = arith.constant 16 : i32
      %mul3A_200 = arith.muli %add3A_188, %mul3A_199 : i32
      %swap3A = arith.index_cast %mul3A_200 : i32 to index
      %swap3A_201 = tpu.vector_load %arg8[%swap3A] {strides = array<i32>} : memref<1024xf32, #tpu.memory_space<vmem>>, vector<16xf32>,
      tpu.vector_store %arg8[%swap3A], %scan3A_197#0 {strides = array<i32>} : memref<1024xf32, #tpu.memory_space<vmem>>, vector<16xf32>,
    }
    %scan3A_60 = arith.constant 64 : i32
    %scan3A_61 = arith.constant 0 : i32
    %scan3A_62 = arith.constant 20 : i32
    %scan3A_63 = arith.addi %scan3A_61, %scan3A_62 : i32
    %scan3A_64 = arith.constant 1 : i32
    scf.for %scan3A_184 = %scan3A_61 to %scan3A_63 step %scan3A_64  : i32 {
      %mul3A_185 = arith.constant 1 : i32
      %mul3A_186 = arith.muli %scan3A_184, %mul3A_185 : i32
      %add3A_187 = arith.constant 0 : i32
      %add3A_188 = arith.addi %add3A_187, %mul3A_186 : i32
      %scan3A_189 = arith.constant 0 : i32
      %scan3A_190 = arith.constant 64 : i32
      %scan3A_191 = arith.addi %scan3A_189, %scan3A_190 : i32
      %scan3A_192 = arith.constant 8 : i32
      %scan3A_193:2 = scf.for %scan3A_219 = %scan3A_189 to %scan3A_191 step %scan3A_192 iter_args(%scan3A_220 = %broadcast_in_dim3A_42, %scan3A_221 = %broadcast_in_dim3A_44) -> (vector<16xf32>, vector<16xi32>)  : i32 {
        %mul3A_222 = arith.constant 1 : i32
        %mul3A_223 = arith.muli %scan3A_219, %mul3A_222 : i32
        %add3A_224 = arith.constant 0 : i32
        %add3A_225 = arith.addi %add3A_224, %mul3A_223 : i32
        %mul3A_226 = arith.constant 16 : i32
        %mul3A_227 = arith.muli %add3A_225, %mul3A_226 : i32
        %get3A = arith.index_cast %mul3A_227 : i32 to index
        %get3A_228 = tpu.vector_load %arg8[%get3A] {strides = array<i32>} : memref<1024xf32, #tpu.memory_space<vmem>>, vector<16xf32>,
        %gt3A = arith.cmpf ogt, %get3A_228, %scan3A_220 : vector<16xf32>
        %select_n3A_229 = arith.select %gt3A, %get3A_228, %scan3A_220 : vector<16xi1>, vector<16xf32>
        %broadcast_in_dim3A_230 = vector.broadcast %add3A_225 : i32 to vector<16xi32>
        %select_n3A_231 = arith.select %gt3A, %broadcast_in_dim3A_230, %scan3A_221 : vector<16xi1>, vector<16xi32>
        %scan3A_232 = arith.constant 1 : i32
        %scan3A_233 = arith.addi %scan3A_219, %scan3A_232 : i32
        %mul3A_234 = arith.constant 1 : i32
        %mul3A_235 = arith.muli %scan3A_233, %mul3A_234 : i32
        %add3A_236 = arith.constant 0 : i32
        %add3A_237 = arith.addi %add3A_236, %mul3A_235 : i32
        %mul3A_238 = arith.constant 16 : i32
        %mul3A_239 = arith.muli %add3A_237, %mul3A_238 : i32
        %get3A_240 = arith.index_cast %mul3A_239 : i32 to index
        %get3A_241 = tpu.vector_load %arg8[%get3A_240] {strides = array<i32>} : memref<1024xf32, #tpu.memory_space<vmem>>, vector<16xf32>,
        %gt3A_242 = arith.cmpf ogt, %get3A_241, %select_n3A_229 : vector<16xf32>
        %select_n3A_243 = arith.select %gt3A_242, %get3A_241, %select_n3A_229 : vector<16xi1>, vector<16xf32>
        %broadcast_in_dim3A_244 = vector.broadcast %add3A_237 : i32 to vector<16xi32>
        %select_n3A_245 = arith.select %gt3A_242, %broadcast_in_dim3A_244, %select_n3A_231 : vector<16xi1>, vector<16xi32>
        %scan3A_246 = arith.constant 2 : i32
        %scan3A_247 = arith.addi %scan3A_219, %scan3A_246 : i32
        %mul3A_248 = arith.constant 1 : i32
        %mul3A_249 = arith.muli %scan3A_247, %mul3A_248 : i32
        %add3A_250 = arith.constant 0 : i32
        %add3A_251 = arith.addi %add3A_250, %mul3A_249 : i32
        %mul3A_252 = arith.constant 16 : i32
        %mul3A_253 = arith.muli %add3A_251, %mul3A_252 : i32
        %get3A_254 = arith.index_cast %mul3A_253 : i32 to index
        %get3A_255 = tpu.vector_load %arg8[%get3A_254] {strides = array<i32>} : memref<1024xf32, #tpu.memory_space<vmem>>, vector<16xf32>,
        %gt3A_256 = arith.cmpf ogt, %get3A_255, %select_n3A_243 : vector<16xf32>
        %select_n3A_257 = arith.select %gt3A_256, %get3A_255, %select_n3A_243 : vector<16xi1>, vector<16xf32>
        %broadcast_in_dim3A_258 = vector.broadcast %add3A_251 : i32 to vector<16xi32>
        %select_n3A_259 = arith.select %gt3A_256, %broadcast_in_dim3A_258, %select_n3A_245 : vector<16xi1>, vector<16xi32>
        %scan3A_260 = arith.constant 3 : i32
        %scan3A_261 = arith.addi %scan3A_219, %scan3A_260 : i32
        %mul3A_262 = arith.constant 1 : i32
        %mul3A_263 = arith.muli %scan3A_261, %mul3A_262 : i32
        %add3A_264 = arith.constant 0 : i32
        %add3A_265 = arith.addi %add3A_264, %mul3A_263 : i32
        %mul3A_266 = arith.constant 16 : i32
        %mul3A_267 = arith.muli %add3A_265, %mul3A_266 : i32
        %get3A_268 = arith.index_cast %mul3A_267 : i32 to index
        %get3A_269 = tpu.vector_load %arg8[%get3A_268] {strides = array<i32>} : memref<1024xf32, #tpu.memory_space<vmem>>, vector<16xf32>,
        %gt3A_270 = arith.cmpf ogt, %get3A_269, %select_n3A_257 : vector<16xf32>
        %select_n3A_271 = arith.select %gt3A_270, %get3A_269, %select_n3A_257 : vector<16xi1>, vector<16xf32>
        %broadcast_in_dim3A_272 = vector.broadcast %add3A_265 : i32 to vector<16xi32>
        %select_n3A_273 = arith.select %gt3A_270, %broadcast_in_dim3A_272, %select_n3A_259 : vector<16xi1>, vector<16xi32>
        %scan3A_274 = arith.constant 4 : i32
        %scan3A_275 = arith.addi %scan3A_219, %scan3A_274 : i32
        %mul3A_276 = arith.constant 1 : i32
        %mul3A_277 = arith.muli %scan3A_275, %mul3A_276 : i32
        %add3A_278 = arith.constant 0 : i32
        %add3A_279 = arith.addi %add3A_278, %mul3A_277 : i32
        %mul3A_280 = arith.constant 16 : i32
        %mul3A_281 = arith.muli %add3A_279, %mul3A_280 : i32
        %get3A_282 = arith.index_cast %mul3A_281 : i32 to index
        %get3A_283 = tpu.vector_load %arg8[%get3A_282] {strides = array<i32>} : memref<1024xf32, #tpu.memory_space<vmem>>, vector<16xf32>,
        %gt3A_284 = arith.cmpf ogt, %get3A_283, %select_n3A_271 : vector<16xf32>
        %select_n3A_285 = arith.select %gt3A_284, %get3A_283, %select_n3A_271 : vector<16xi1>, vector<16xf32>
        %broadcast_in_dim3A_286 = vector.broadcast %add3A_279 : i32 to vector<16xi32>
        %select_n3A_287 = arith.select %gt3A_284, %broadcast_in_dim3A_286, %select_n3A_273 : vector<16xi1>, vector<16xi32>
        %scan3A_288 = arith.constant 5 : i32
        %scan3A_289 = arith.addi %scan3A_219, %scan3A_288 : i32
        %mul3A_290 = arith.constant 1 : i32
        %mul3A_291 = arith.muli %scan3A_289, %mul3A_290 : i32
        %add3A_292 = arith.constant 0 : i32
        %add3A_293 = arith.addi %add3A_292, %mul3A_291 : i32
        %mul3A_294 = arith.constant 16 : i32
        %mul3A_295 = arith.muli %add3A_293, %mul3A_294 : i32
        %get3A_296 = arith.index_cast %mul3A_295 : i32 to index
        %get3A_297 = tpu.vector_load %arg8[%get3A_296] {strides = array<i32>} : memref<1024xf32, #tpu.memory_space<vmem>>, vector<16xf32>,
        %gt3A_298 = arith.cmpf ogt, %get3A_297, %select_n3A_285 : vector<16xf32>
        %select_n3A_299 = arith.select %gt3A_298, %get3A_297, %select_n3A_285 : vector<16xi1>, vector<16xf32>
        %broadcast_in_dim3A_300 = vector.broadcast %add3A_293 : i32 to vector<16xi32>
        %select_n3A_301 = arith.select %gt3A_298, %broadcast_in_dim3A_300, %select_n3A_287 : vector<16xi1>, vector<16xi32>
        %scan3A_302 = arith.constant 6 : i32
        %scan3A_303 = arith.addi %scan3A_219, %scan3A_302 : i32
        %mul3A_304 = arith.constant 1 : i32
        %mul3A_305 = arith.muli %scan3A_303, %mul3A_304 : i32
        %add3A_306 = arith.constant 0 : i32
        %add3A_307 = arith.addi %add3A_306, %mul3A_305 : i32
        %mul3A_308 = arith.constant 16 : i32
        %mul3A_309 = arith.muli %add3A_307, %mul3A_308 : i32
        %get3A_310 = arith.index_cast %mul3A_309 : i32 to index
        %get3A_311 = tpu.vector_load %arg8[%get3A_310] {strides = array<i32>} : memref<1024xf32, #tpu.memory_space<vmem>>, vector<16xf32>,
        %gt3A_312 = arith.cmpf ogt, %get3A_311, %select_n3A_299 : vector<16xf32>
        %select_n3A_313 = arith.select %gt3A_312, %get3A_311, %select_n3A_299 : vector<16xi1>, vector<16xf32>
        %broadcast_in_dim3A_314 = vector.broadcast %add3A_307 : i32 to vector<16xi32>
        %select_n3A_315 = arith.select %gt3A_312, %broadcast_in_dim3A_314, %select_n3A_301 : vector<16xi1>, vector<16xi32>
        %scan3A_316 = arith.constant 7 : i32
        %scan3A_317 = arith.addi %scan3A_219, %scan3A_316 : i32
        %mul3A_318 = arith.constant 1 : i32
        %mul3A_319 = arith.muli %scan3A_317, %mul3A_318 : i32
        %add3A_320 = arith.constant 0 : i32
        %add3A_321 = arith.addi %add3A_320, %mul3A_319 : i32
        %mul3A_322 = arith.constant 16 : i32
        %mul3A_323 = arith.muli %add3A_321, %mul3A_322 : i32
        %get3A_324 = arith.index_cast %mul3A_323 : i32 to index
        %get3A_325 = tpu.vector_load %arg8[%get3A_324] {strides = array<i32>} : memref<1024xf32, #tpu.memory_space<vmem>>, vector<16xf32>,
        %gt3A_326 = arith.cmpf ogt, %get3A_325, %select_n3A_313 : vector<16xf32>
        %select_n3A_327 = arith.select %gt3A_326, %get3A_325, %select_n3A_313 : vector<16xi1>, vector<16xf32>
        %broadcast_in_dim3A_328 = vector.broadcast %add3A_321 : i32 to vector<16xi32>
        %select_n3A_329 = arith.select %gt3A_326, %broadcast_in_dim3A_328, %select_n3A_315 : vector<16xi1>, vector<16xi32>
        scf.yield %select_n3A_327, %select_n3A_329 : vector<16xf32>, vector<16xi32>
      }
      %scan3A_194 = arith.constant 64 : i32
      %mul3A_195 = arith.constant 32 : i32
      %mul3A_196 = vector.broadcast %mul3A_195 : i32 to vector<16xi32>
      %mul3A_197 = arith.muli %scan3A_193#1, %mul3A_196 : vector<16xi32>
      %mul3A_198 = arith.constant 544 : i32
      %mul3A_199 = vector.broadcast %mul3A_198 : i32 to vector<16xi32>
      %mul3A_200 = arith.muli %scan3A_193#1, %mul3A_199 : vector<16xi32>
      %add3A_201 = arith.addi %mul3A_200, %iota3A : vector<16xi32>
      %scan3A_202 = arith.constant 0 : i32
      %scan3A_203 = arith.constant 32 : i32
      %scan3A_204 = arith.addi %scan3A_202, %scan3A_203 : i32
      %scan3A_205 = arith.constant 8 : i32
      %scan3A_206:4 = scf.for %scan3A_219 = %scan3A_202 to %scan3A_204 step %scan3A_205 iter_args(%scan3A_220 = %broadcast_in_dim3A_42, %scan3A_221 = %broadcast_in_dim3A_44, %scan3A_222 = %broadcast_in_dim3A_42, %scan3A_223 = %add3A_201) -> (vector<16xf32>, vector<16xi32>, vector<16xf32>, vector<16xi32>)  : i32 {
        %mul3A_224 = arith.constant 1 : i32
        %mul3A_225 = arith.muli %scan3A_219, %mul3A_224 : i32
        %add3A_226 = arith.constant 0 : i32
        %add3A_227 = arith.addi %add3A_226, %mul3A_225 : i32
        %gather3A = tpu.vector_load_idx %arg7[%scan3A_223] : memref<34816xf32, #tpu.memory_space<vmem>>[vector<16xi32>], vector<16xf32>,
        %gt3A = arith.cmpf ogt, %gather3A, %scan3A_220 : vector<16xf32>
        %select_n3A_228 = arith.select %gt3A, %scan3A_220, %gather3A : vector<16xi1>, vector<16xf32>
        %max3A = arith.maximumf %scan3A_222, %select_n3A_228 : vector<16xf32>
        %select_n3A_229 = arith.select %gt3A, %gather3A, %scan3A_220 : vector<16xi1>, vector<16xf32>
        %add3A_230 = vector.broadcast %add3A_227 : i32 to vector<16xi32>
        %add3A_231 = arith.addi %mul3A_197, %add3A_230 : vector<16xi32>
        %select_n3A_232 = arith.select %gt3A, %add3A_231, %scan3A_221 : vector<16xi1>, vector<16xi32>
        %add3A_233 = arith.constant 17 : i32
        %add3A_234 = vector.broadcast %add3A_233 : i32 to vector<16xi32>
        %add3A_235 = arith.addi %scan3A_223, %add3A_234 : vector<16xi32>
        %scan3A_236 = arith.constant 1 : i32
        %scan3A_237 = arith.addi %scan3A_219, %scan3A_236 : i32
        %mul3A_238 = arith.constant 1 : i32
        %mul3A_239 = arith.muli %scan3A_237, %mul3A_238 : i32
        %add3A_240 = arith.constant 0 : i32
        %add3A_241 = arith.addi %add3A_240, %mul3A_239 : i32
        %gather3A_242 = tpu.vector_load_idx %arg7[%add3A_235] : memref<34816xf32, #tpu.memory_space<vmem>>[vector<16xi32>], vector<16xf32>,
        %gt3A_243 = arith.cmpf ogt, %gather3A_242, %select_n3A_229 : vector<16xf32>
        %select_n3A_244 = arith.select %gt3A_243, %select_n3A_229, %gather3A_242 : vector<16xi1>, vector<16xf32>
        %max3A_245 = arith.maximumf %max3A, %select_n3A_244 : vector<16xf32>
        %select_n3A_246 = arith.select %gt3A_243, %gather3A_242, %select_n3A_229 : vector<16xi1>, vector<16xf32>
        %add3A_247 = vector.broadcast %add3A_241 : i32 to vector<16xi32>
        %add3A_248 = arith.addi %mul3A_197, %add3A_247 : vector<16xi32>
        %select_n3A_249 = arith.select %gt3A_243, %add3A_248, %select_n3A_232 : vector<16xi1>, vector<16xi32>
        %add3A_250 = arith.constant 17 : i32
        %add3A_251 = vector.broadcast %add3A_250 : i32 to vector<16xi32>
        %add3A_252 = arith.addi %add3A_235, %add3A_251 : vector<16xi32>
        %scan3A_253 = arith.constant 2 : i32
        %scan3A_254 = arith.addi %scan3A_219, %scan3A_253 : i32
        %mul3A_255 = arith.constant 1 : i32
        %mul3A_256 = arith.muli %scan3A_254, %mul3A_255 : i32
        %add3A_257 = arith.constant 0 : i32
        %add3A_258 = arith.addi %add3A_257, %mul3A_256 : i32
        %gather3A_259 = tpu.vector_load_idx %arg7[%add3A_252] : memref<34816xf32, #tpu.memory_space<vmem>>[vector<16xi32>], vector<16xf32>,
        %gt3A_260 = arith.cmpf ogt, %gather3A_259, %select_n3A_246 : vector<16xf32>
        %select_n3A_261 = arith.select %gt3A_260, %select_n3A_246, %gather3A_259 : vector<16xi1>, vector<16xf32>
        %max3A_262 = arith.maximumf %max3A_245, %select_n3A_261 : vector<16xf32>
        %select_n3A_263 = arith.select %gt3A_260, %gather3A_259, %select_n3A_246 : vector<16xi1>, vector<16xf32>
        %add3A_264 = vector.broadcast %add3A_258 : i32 to vector<16xi32>
        %add3A_265 = arith.addi %mul3A_197, %add3A_264 : vector<16xi32>
        %select_n3A_266 = arith.select %gt3A_260, %add3A_265, %select_n3A_249 : vector<16xi1>, vector<16xi32>
        %add3A_267 = arith.constant 17 : i32
        %add3A_268 = vector.broadcast %add3A_267 : i32 to vector<16xi32>
        %add3A_269 = arith.addi %add3A_252, %add3A_268 : vector<16xi32>
        %scan3A_270 = arith.constant 3 : i32
        %scan3A_271 = arith.addi %scan3A_219, %scan3A_270 : i32
        %mul3A_272 = arith.constant 1 : i32
        %mul3A_273 = arith.muli %scan3A_271, %mul3A_272 : i32
        %add3A_274 = arith.constant 0 : i32
        %add3A_275 = arith.addi %add3A_274, %mul3A_273 : i32
        %gather3A_276 = tpu.vector_load_idx %arg7[%add3A_269] : memref<34816xf32, #tpu.memory_space<vmem>>[vector<16xi32>], vector<16xf32>,
        %gt3A_277 = arith.cmpf ogt, %gather3A_276, %select_n3A_263 : vector<16xf32>
        %select_n3A_278 = arith.select %gt3A_277, %select_n3A_263, %gather3A_276 : vector<16xi1>, vector<16xf32>
        %max3A_279 = arith.maximumf %max3A_262, %select_n3A_278 : vector<16xf32>
        %select_n3A_280 = arith.select %gt3A_277, %gather3A_276, %select_n3A_263 : vector<16xi1>, vector<16xf32>
        %add3A_281 = vector.broadcast %add3A_275 : i32 to vector<16xi32>
        %add3A_282 = arith.addi %mul3A_197, %add3A_281 : vector<16xi32>
        %select_n3A_283 = arith.select %gt3A_277, %add3A_282, %select_n3A_266 : vector<16xi1>, vector<16xi32>
        %add3A_284 = arith.constant 17 : i32
        %add3A_285 = vector.broadcast %add3A_284 : i32 to vector<16xi32>
        %add3A_286 = arith.addi %add3A_269, %add3A_285 : vector<16xi32>
        %scan3A_287 = arith.constant 4 : i32
        %scan3A_288 = arith.addi %scan3A_219, %scan3A_287 : i32
        %mul3A_289 = arith.constant 1 : i32
        %mul3A_290 = arith.muli %scan3A_288, %mul3A_289 : i32
        %add3A_291 = arith.constant 0 : i32
        %add3A_292 = arith.addi %add3A_291, %mul3A_290 : i32
        %gather3A_293 = tpu.vector_load_idx %arg7[%add3A_286] : memref<34816xf32, #tpu.memory_space<vmem>>[vector<16xi32>], vector<16xf32>,
        %gt3A_294 = arith.cmpf ogt, %gather3A_293, %select_n3A_280 : vector<16xf32>
        %select_n3A_295 = arith.select %gt3A_294, %select_n3A_280, %gather3A_293 : vector<16xi1>, vector<16xf32>
        %max3A_296 = arith.maximumf %max3A_279, %select_n3A_295 : vector<16xf32>
        %select_n3A_297 = arith.select %gt3A_294, %gather3A_293, %select_n3A_280 : vector<16xi1>, vector<16xf32>
        %add3A_298 = vector.broadcast %add3A_292 : i32 to vector<16xi32>
        %add3A_299 = arith.addi %mul3A_197, %add3A_298 : vector<16xi32>
        %select_n3A_300 = arith.select %gt3A_294, %add3A_299, %select_n3A_283 : vector<16xi1>, vector<16xi32>
        %add3A_301 = arith.constant 17 : i32
        %add3A_302 = vector.broadcast %add3A_301 : i32 to vector<16xi32>
        %add3A_303 = arith.addi %add3A_286, %add3A_302 : vector<16xi32>
        %scan3A_304 = arith.constant 5 : i32
        %scan3A_305 = arith.addi %scan3A_219, %scan3A_304 : i32
        %mul3A_306 = arith.constant 1 : i32
        %mul3A_307 = arith.muli %scan3A_305, %mul3A_306 : i32
        %add3A_308 = arith.constant 0 : i32
        %add3A_309 = arith.addi %add3A_308, %mul3A_307 : i32
        %gather3A_310 = tpu.vector_load_idx %arg7[%add3A_303] : memref<34816xf32, #tpu.memory_space<vmem>>[vector<16xi32>], vector<16xf32>,
        %gt3A_311 = arith.cmpf ogt, %gather3A_310, %select_n3A_297 : vector<16xf32>
        %select_n3A_312 = arith.select %gt3A_311, %select_n3A_297, %gather3A_310 : vector<16xi1>, vector<16xf32>
        %max3A_313 = arith.maximumf %max3A_296, %select_n3A_312 : vector<16xf32>
        %select_n3A_314 = arith.select %gt3A_311, %gather3A_310, %select_n3A_297 : vector<16xi1>, vector<16xf32>
        %add3A_315 = vector.broadcast %add3A_309 : i32 to vector<16xi32>
        %add3A_316 = arith.addi %mul3A_197, %add3A_315 : vector<16xi32>
        %select_n3A_317 = arith.select %gt3A_311, %add3A_316, %select_n3A_300 : vector<16xi1>, vector<16xi32>
        %add3A_318 = arith.constant 17 : i32
        %add3A_319 = vector.broadcast %add3A_318 : i32 to vector<16xi32>
        %add3A_320 = arith.addi %add3A_303, %add3A_319 : vector<16xi32>
        %scan3A_321 = arith.constant 6 : i32
        %scan3A_322 = arith.addi %scan3A_219, %scan3A_321 : i32
        %mul3A_323 = arith.constant 1 : i32
        %mul3A_324 = arith.muli %scan3A_322, %mul3A_323 : i32
        %add3A_325 = arith.constant 0 : i32
        %add3A_326 = arith.addi %add3A_325, %mul3A_324 : i32
        %gather3A_327 = tpu.vector_load_idx %arg7[%add3A_320] : memref<34816xf32, #tpu.memory_space<vmem>>[vector<16xi32>], vector<16xf32>,
        %gt3A_328 = arith.cmpf ogt, %gather3A_327, %select_n3A_314 : vector<16xf32>
        %select_n3A_329 = arith.select %gt3A_328, %select_n3A_314, %gather3A_327 : vector<16xi1>, vector<16xf32>
        %max3A_330 = arith.maximumf %max3A_313, %select_n3A_329 : vector<16xf32>
        %select_n3A_331 = arith.select %gt3A_328, %gather3A_327, %select_n3A_314 : vector<16xi1>, vector<16xf32>
        %add3A_332 = vector.broadcast %add3A_326 : i32 to vector<16xi32>
        %add3A_333 = arith.addi %mul3A_197, %add3A_332 : vector<16xi32>
        %select_n3A_334 = arith.select %gt3A_328, %add3A_333, %select_n3A_317 : vector<16xi1>, vector<16xi32>
        %add3A_335 = arith.constant 17 : i32
        %add3A_336 = vector.broadcast %add3A_335 : i32 to vector<16xi32>
        %add3A_337 = arith.addi %add3A_320, %add3A_336 : vector<16xi32>
        %scan3A_338 = arith.constant 7 : i32
        %scan3A_339 = arith.addi %scan3A_219, %scan3A_338 : i32
        %mul3A_340 = arith.constant 1 : i32
        %mul3A_341 = arith.muli %scan3A_339, %mul3A_340 : i32
        %add3A_342 = arith.constant 0 : i32
        %add3A_343 = arith.addi %add3A_342, %mul3A_341 : i32
        %gather3A_344 = tpu.vector_load_idx %arg7[%add3A_337] : memref<34816xf32, #tpu.memory_space<vmem>>[vector<16xi32>], vector<16xf32>,
        %gt3A_345 = arith.cmpf ogt, %gather3A_344, %select_n3A_331 : vector<16xf32>
        %select_n3A_346 = arith.select %gt3A_345, %select_n3A_331, %gather3A_344 : vector<16xi1>, vector<16xf32>
        %max3A_347 = arith.maximumf %max3A_330, %select_n3A_346 : vector<16xf32>
        %select_n3A_348 = arith.select %gt3A_345, %gather3A_344, %select_n3A_331 : vector<16xi1>, vector<16xf32>
        %add3A_349 = vector.broadcast %add3A_343 : i32 to vector<16xi32>
        %add3A_350 = arith.addi %mul3A_197, %add3A_349 : vector<16xi32>
        %select_n3A_351 = arith.select %gt3A_345, %add3A_350, %select_n3A_334 : vector<16xi1>, vector<16xi32>
        %add3A_352 = arith.constant 17 : i32
        %add3A_353 = vector.broadcast %add3A_352 : i32 to vector<16xi32>
        %add3A_354 = arith.addi %add3A_337, %add3A_353 : vector<16xi32>
        scf.yield %select_n3A_348, %select_n3A_351, %max3A_347, %add3A_354 : vector<16xf32>, vector<16xi32>, vector<16xf32>, vector<16xi32>
      }
      %scan3A_207 = arith.constant 32 : i32
      %mul3A_208 = arith.constant 16 : i32
      %mul3A_209 = arith.muli %add3A_188, %mul3A_208 : i32
      %swap3A = arith.index_cast %mul3A_209 : i32 to index
      %swap3A_210 = tpu.vector_load %arg9[%swap3A] {strides = array<i32>} : memref<512xi32, #tpu.memory_space<vmem>>, vector<16xi32>,
      tpu.vector_store %arg9[%swap3A], %scan3A_206#1 {strides = array<i32>} : memref<512xi32, #tpu.memory_space<vmem>>, vector<16xi32>,
      %mul3A_211 = arith.constant 17 : i32
      %mul3A_212 = vector.broadcast %mul3A_211 : i32 to vector<16xi32>
      %mul3A_213 = arith.muli %scan3A_206#1, %mul3A_212 : vector<16xi32>
      %add3A_214 = arith.addi %mul3A_213, %iota3A : vector<16xi32>
      tpu.vector_store_idx %arg7[%add3A_214], %broadcast_in_dim3A_42 : memref<34816xf32, #tpu.memory_space<vmem>>[vector<16xi32>], vector<16xf32>,
      %mul3A_215 = arith.constant 16 : i32
      %mul3A_216 = vector.broadcast %mul3A_215 : i32 to vector<16xi32>
      %mul3A_217 = arith.muli %scan3A_193#1, %mul3A_216 : vector<16xi32>
      %add3A_218 = arith.addi %mul3A_217, %iota3A : vector<16xi32>
      tpu.vector_store_idx %arg8[%add3A_218], %scan3A_206#2 : memref<1024xf32, #tpu.memory_space<vmem>>[vector<16xi32>], vector<16xf32>,
    }
    %scan3A_65 = arith.constant 20 : i32
    %scan3A_66 = arith.constant 0 : i32
    %scan3A_67 = arith.constant 16 : i32
    %scan3A_68 = arith.addi %scan3A_66, %scan3A_67 : i32
    %scan3A_69 = arith.constant 1 : i32
    scf.for %scan3A_184 = %scan3A_66 to %scan3A_68 step %scan3A_69  : i32 {
      %mul3A_185 = arith.constant 1 : i32
      %mul3A_186 = arith.muli %scan3A_184, %mul3A_185 : i32
      %add3A_187 = arith.constant 0 : i32
      %add3A_188 = arith.addi %add3A_187, %mul3A_186 : i32
      %mul3A_189 = arith.constant 16 : i32
      %mul3A_190 = vector.broadcast %mul3A_189 : i32 to vector<16xi32>
      %mul3A_191 = arith.muli %iota3A, %mul3A_190 : vector<16xi32>
      %add3A_192 = vector.broadcast %add3A_188 : i32 to vector<16xi32>
      %add3A_193 = arith.addi %mul3A_191, %add3A_192 : vector<16xi32>
      %gather3A = tpu.vector_load_idx %arg9[%add3A_193] : memref<512xi32, #tpu.memory_space<vmem>>[vector<16xi32>], vector<16xi32>,
      %add3A_194 = arith.constant 16 : i32
      %add3A_195 = vector.broadcast %add3A_194 : i32 to vector<16xi32>
      %add3A_196 = arith.addi %iota3A, %add3A_195 : vector<16xi32>
      %mul3A_197 = arith.constant 16 : i32
      %mul3A_198 = vector.broadcast %mul3A_197 : i32 to vector<16xi32>
      %mul3A_199 = arith.muli %add3A_196, %mul3A_198 : vector<16xi32>
      %add3A_200 = vector.broadcast %add3A_188 : i32 to vector<16xi32>
      %add3A_201 = arith.addi %mul3A_199, %add3A_200 : vector<16xi32>
      %gather3A_202 = tpu.vector_load_idx %arg9[%add3A_201] : memref<512xi32, #tpu.memory_space<vmem>>[vector<16xi32>], vector<16xi32>,
      %mul3A_203 = arith.constant 2048 : i32
      %mul3A_204 = vector.broadcast %mul3A_203 : i32 to vector<16xi32>
      %mul3A_205 = arith.muli %iota3A, %mul3A_204 : vector<16xi32>
      %add3A_206 = arith.addi %mul3A_205, %gather3A : vector<16xi32>
      tpu.vector_store_idx %arg10[%add3A_206], %broadcast_in_dim3A_40 {add = true} : memref<40960xf32, #tpu.memory_space<vmem>>[vector<16xi32>], vector<16xf32>,
      %add3A_207 = arith.constant 16 : i32
      %add3A_208 = vector.broadcast %add3A_207 : i32 to vector<16xi32>
      %add3A_209 = arith.addi %iota3A, %add3A_208 : vector<16xi32>
      %mul3A_210 = arith.constant 2048 : i32
      %mul3A_211 = vector.broadcast %mul3A_210 : i32 to vector<16xi32>
      %mul3A_212 = arith.muli %add3A_209, %mul3A_211 : vector<16xi32>
      %add3A_213 = arith.addi %mul3A_212, %gather3A_202 : vector<16xi32>
      %lt3A_214 = arith.constant 4 : i32
      %lt3A_215 = vector.broadcast %lt3A_214 : i32 to vector<16xi32>
      %lt3A_216 = arith.cmpi slt, %iota3A, %lt3A_215 : vector<16xi32>
      tpu.vector_store_idx %arg10[%add3A_213], %broadcast_in_dim3A_40 masked %lt3A_216 {add = true} : memref<40960xf32, #tpu.memory_space<vmem>>[vector<16xi32>], vector<16xf32>, vector<16xi1>
    }
    %scan3A_70 = arith.constant 16 : i32
    %scan3A_71 = arith.constant 0 : i32
    %scan3A_72 = arith.constant 16 : i32
    %scan3A_73 = arith.addi %scan3A_71, %scan3A_72 : i32
    %scan3A_74 = arith.constant 1 : i32
    scf.for %scan3A_184 = %scan3A_71 to %scan3A_73 step %scan3A_74  : i32 {
      %mul3A_185 = arith.constant 1 : i32
      %mul3A_186 = arith.muli %scan3A_184, %mul3A_185 : i32
      %add3A_187 = arith.constant 0 : i32
      %add3A_188 = arith.addi %add3A_187, %mul3A_186 : i32
      %min3A = arith.constant 8 : i32
      %min3A_189 = arith.minsi %add3A_188, %min3A : i32
      %add3A_190 = arith.constant 16 : i32
      %add3A_191 = arith.addi %add3A_190, %min3A_189 : i32
      %mul3A_192 = arith.constant 2048 : i32
      %mul3A_193 = arith.muli %add3A_191, %mul3A_192 : i32
      %add3A_194 = arith.addi %mul3A_37, %mul3A_193 : i32
      "tpu.region"() ({
        %run_scoped3A = tpu.sem_alloc : memref<!tpu.dma_semaphore, #tpu.memory_space<semaphore_mem>>
        %dma_start3A = tpu.memref_slice %arg3[%add3A_194] : memref<1638400xf32, #tpu.memory_space<hbm>> -> memref<2048xf32, #tpu.memory_space<hbm>>
        %dma_start3A_206 = tpu.memref_slice %arg3[%add3A_194] : memref<1638400xf32, #tpu.memory_space<hbm>> -> memref<2048xf32, #tpu.memory_space<hbm>>
        tpu.enqueue_dma source(%dma_start3A_206 : memref<2048xf32, #tpu.memory_space<hbm>>) target(%arg6 : memref<2048xf32, #tpu.memory_space<vmem>>) target_semaphore(%run_scoped3A : memref<!tpu.dma_semaphore, #tpu.memory_space<semaphore_mem>>)
        %dma_wait3A = tpu.memref_slice %arg3[%add3A_194] : memref<1638400xf32, #tpu.memory_space<hbm>> -> memref<2048xf32, #tpu.memory_space<hbm>>
        %dma_wait3A_207 = tpu.memref_slice %arg3[%add3A_194] : memref<1638400xf32, #tpu.memory_space<hbm>> -> memref<2048xf32, #tpu.memory_space<hbm>>
        tpu.wait_dma2 semaphore(%run_scoped3A : memref<!tpu.dma_semaphore, #tpu.memory_space<semaphore_mem>>) src(%dma_wait3A_207 : memref<2048xf32, #tpu.memory_space<hbm>>) dst(%arg6 : memref<2048xf32, #tpu.memory_space<vmem>>)
        tpu.yield
      }) : () -> ()
      %mul3A_195 = arith.constant 17 : i32
      %mul3A_196 = vector.broadcast %mul3A_195 : i32 to vector<16xi32>
      %mul3A_197 = arith.muli %iota3A, %mul3A_196 : vector<16xi32>
      %add3A_198 = vector.broadcast %add3A_188 : i32 to vector<16xi32>
      %add3A_199 = arith.addi %mul3A_197, %add3A_198 : vector<16xi32>
      %scan3A_200 = arith.constant 0 : i32
      %scan3A_201 = arith.constant 128 : i32
      %scan3A_202 = arith.addi %scan3A_200, %scan3A_201 : i32
      %scan3A_203 = arith.constant 8 : i32
      %scan3A_204 = scf.for %scan3A_206 = %scan3A_200 to %scan3A_202 step %scan3A_203 iter_args(%scan3A_207 = %add3A_199) -> (vector<16xi32>)  : i32 {
        %mul3A_208 = arith.constant 1 : i32
        %mul3A_209 = arith.muli %scan3A_206, %mul3A_208 : i32
        %add3A_210 = arith.constant 0 : i32
        %add3A_211 = arith.addi %add3A_210, %mul3A_209 : i32
        %mul3A_212 = arith.constant 16 : i32
        %mul3A_213 = arith.muli %add3A_211, %mul3A_212 : i32
        %get3A = arith.index_cast %mul3A_213 : i32 to index
        %get3A_214 = tpu.vector_load %arg5[%get3A] {strides = array<i32>} : memref<2048xf32, #tpu.memory_space<vmem>>, vector<16xf32>,
        %get3A_215 = arith.index_cast %mul3A_213 : i32 to index
        %get3A_216 = tpu.vector_load %arg6[%get3A_215] {strides = array<i32>} : memref<2048xf32, #tpu.memory_space<vmem>>, vector<16xf32>,
        %mul3A_217 = arith.constant 5.000000e-02 : f32
        %mul3A_218 = vector.broadcast %mul3A_217 : f32 to vector<16xf32>
        %mul3A_219 = arith.mulf %mul3A_218, %get3A_216 : vector<16xf32>
        %add3A_220 = arith.addf %get3A_214, %mul3A_219 : vector<16xf32>
        tpu.vector_store_idx %arg7[%scan3A_207], %add3A_220 : memref<34816xf32, #tpu.memory_space<vmem>>[vector<16xi32>], vector<16xf32>,
        %add3A_221 = arith.constant 272 : i32
        %add3A_222 = vector.broadcast %add3A_221 : i32 to vector<16xi32>
        %add3A_223 = arith.addi %scan3A_207, %add3A_222 : vector<16xi32>
        %scan3A_224 = arith.constant 1 : i32
        %scan3A_225 = arith.addi %scan3A_206, %scan3A_224 : i32
        %mul3A_226 = arith.constant 1 : i32
        %mul3A_227 = arith.muli %scan3A_225, %mul3A_226 : i32
        %add3A_228 = arith.constant 0 : i32
        %add3A_229 = arith.addi %add3A_228, %mul3A_227 : i32
        %mul3A_230 = arith.constant 16 : i32
        %mul3A_231 = arith.muli %add3A_229, %mul3A_230 : i32
        %get3A_232 = arith.index_cast %mul3A_231 : i32 to index
        %get3A_233 = tpu.vector_load %arg5[%get3A_232] {strides = array<i32>} : memref<2048xf32, #tpu.memory_space<vmem>>, vector<16xf32>,
        %get3A_234 = arith.index_cast %mul3A_231 : i32 to index
        %get3A_235 = tpu.vector_load %arg6[%get3A_234] {strides = array<i32>} : memref<2048xf32, #tpu.memory_space<vmem>>, vector<16xf32>,
        %mul3A_236 = arith.constant 5.000000e-02 : f32
        %mul3A_237 = vector.broadcast %mul3A_236 : f32 to vector<16xf32>
        %mul3A_238 = arith.mulf %mul3A_237, %get3A_235 : vector<16xf32>
        %add3A_239 = arith.addf %get3A_233, %mul3A_238 : vector<16xf32>
        tpu.vector_store_idx %arg7[%add3A_223], %add3A_239 : memref<34816xf32, #tpu.memory_space<vmem>>[vector<16xi32>], vector<16xf32>,
        %add3A_240 = arith.constant 272 : i32
        %add3A_241 = vector.broadcast %add3A_240 : i32 to vector<16xi32>
        %add3A_242 = arith.addi %add3A_223, %add3A_241 : vector<16xi32>
        %scan3A_243 = arith.constant 2 : i32
        %scan3A_244 = arith.addi %scan3A_206, %scan3A_243 : i32
        %mul3A_245 = arith.constant 1 : i32
        %mul3A_246 = arith.muli %scan3A_244, %mul3A_245 : i32
        %add3A_247 = arith.constant 0 : i32
        %add3A_248 = arith.addi %add3A_247, %mul3A_246 : i32
        %mul3A_249 = arith.constant 16 : i32
        %mul3A_250 = arith.muli %add3A_248, %mul3A_249 : i32
        %get3A_251 = arith.index_cast %mul3A_250 : i32 to index
        %get3A_252 = tpu.vector_load %arg5[%get3A_251] {strides = array<i32>} : memref<2048xf32, #tpu.memory_space<vmem>>, vector<16xf32>,
        %get3A_253 = arith.index_cast %mul3A_250 : i32 to index
        %get3A_254 = tpu.vector_load %arg6[%get3A_253] {strides = array<i32>} : memref<2048xf32, #tpu.memory_space<vmem>>, vector<16xf32>,
        %mul3A_255 = arith.constant 5.000000e-02 : f32
        %mul3A_256 = vector.broadcast %mul3A_255 : f32 to vector<16xf32>
        %mul3A_257 = arith.mulf %mul3A_256, %get3A_254 : vector<16xf32>
        %add3A_258 = arith.addf %get3A_252, %mul3A_257 : vector<16xf32>
        tpu.vector_store_idx %arg7[%add3A_242], %add3A_258 : memref<34816xf32, #tpu.memory_space<vmem>>[vector<16xi32>], vector<16xf32>,
        %add3A_259 = arith.constant 272 : i32
        %add3A_260 = vector.broadcast %add3A_259 : i32 to vector<16xi32>
        %add3A_261 = arith.addi %add3A_242, %add3A_260 : vector<16xi32>
        %scan3A_262 = arith.constant 3 : i32
        %scan3A_263 = arith.addi %scan3A_206, %scan3A_262 : i32
        %mul3A_264 = arith.constant 1 : i32
        %mul3A_265 = arith.muli %scan3A_263, %mul3A_264 : i32
        %add3A_266 = arith.constant 0 : i32
        %add3A_267 = arith.addi %add3A_266, %mul3A_265 : i32
        %mul3A_268 = arith.constant 16 : i32
        %mul3A_269 = arith.muli %add3A_267, %mul3A_268 : i32
        %get3A_270 = arith.index_cast %mul3A_269 : i32 to index
        %get3A_271 = tpu.vector_load %arg5[%get3A_270] {strides = array<i32>} : memref<2048xf32, #tpu.memory_space<vmem>>, vector<16xf32>,
        %get3A_272 = arith.index_cast %mul3A_269 : i32 to index
        %get3A_273 = tpu.vector_load %arg6[%get3A_272] {strides = array<i32>} : memref<2048xf32, #tpu.memory_space<vmem>>, vector<16xf32>,
        %mul3A_274 = arith.constant 5.000000e-02 : f32
        %mul3A_275 = vector.broadcast %mul3A_274 : f32 to vector<16xf32>
        %mul3A_276 = arith.mulf %mul3A_275, %get3A_273 : vector<16xf32>
        %add3A_277 = arith.addf %get3A_271, %mul3A_276 : vector<16xf32>
        tpu.vector_store_idx %arg7[%add3A_261], %add3A_277 : memref<34816xf32, #tpu.memory_space<vmem>>[vector<16xi32>], vector<16xf32>,
        %add3A_278 = arith.constant 272 : i32
        %add3A_279 = vector.broadcast %add3A_278 : i32 to vector<16xi32>
        %add3A_280 = arith.addi %add3A_261, %add3A_279 : vector<16xi32>
        %scan3A_281 = arith.constant 4 : i32
        %scan3A_282 = arith.addi %scan3A_206, %scan3A_281 : i32
        %mul3A_283 = arith.constant 1 : i32
        %mul3A_284 = arith.muli %scan3A_282, %mul3A_283 : i32
        %add3A_285 = arith.constant 0 : i32
        %add3A_286 = arith.addi %add3A_285, %mul3A_284 : i32
        %mul3A_287 = arith.constant 16 : i32
        %mul3A_288 = arith.muli %add3A_286, %mul3A_287 : i32
        %get3A_289 = arith.index_cast %mul3A_288 : i32 to index
        %get3A_290 = tpu.vector_load %arg5[%get3A_289] {strides = array<i32>} : memref<2048xf32, #tpu.memory_space<vmem>>, vector<16xf32>,
        %get3A_291 = arith.index_cast %mul3A_288 : i32 to index
        %get3A_292 = tpu.vector_load %arg6[%get3A_291] {strides = array<i32>} : memref<2048xf32, #tpu.memory_space<vmem>>, vector<16xf32>,
        %mul3A_293 = arith.constant 5.000000e-02 : f32
        %mul3A_294 = vector.broadcast %mul3A_293 : f32 to vector<16xf32>
        %mul3A_295 = arith.mulf %mul3A_294, %get3A_292 : vector<16xf32>
        %add3A_296 = arith.addf %get3A_290, %mul3A_295 : vector<16xf32>
        tpu.vector_store_idx %arg7[%add3A_280], %add3A_296 : memref<34816xf32, #tpu.memory_space<vmem>>[vector<16xi32>], vector<16xf32>,
        %add3A_297 = arith.constant 272 : i32
        %add3A_298 = vector.broadcast %add3A_297 : i32 to vector<16xi32>
        %add3A_299 = arith.addi %add3A_280, %add3A_298 : vector<16xi32>
        %scan3A_300 = arith.constant 5 : i32
        %scan3A_301 = arith.addi %scan3A_206, %scan3A_300 : i32
        %mul3A_302 = arith.constant 1 : i32
        %mul3A_303 = arith.muli %scan3A_301, %mul3A_302 : i32
        %add3A_304 = arith.constant 0 : i32
        %add3A_305 = arith.addi %add3A_304, %mul3A_303 : i32
        %mul3A_306 = arith.constant 16 : i32
        %mul3A_307 = arith.muli %add3A_305, %mul3A_306 : i32
        %get3A_308 = arith.index_cast %mul3A_307 : i32 to index
        %get3A_309 = tpu.vector_load %arg5[%get3A_308] {strides = array<i32>} : memref<2048xf32, #tpu.memory_space<vmem>>, vector<16xf32>,
        %get3A_310 = arith.index_cast %mul3A_307 : i32 to index
        %get3A_311 = tpu.vector_load %arg6[%get3A_310] {strides = array<i32>} : memref<2048xf32, #tpu.memory_space<vmem>>, vector<16xf32>,
        %mul3A_312 = arith.constant 5.000000e-02 : f32
        %mul3A_313 = vector.broadcast %mul3A_312 : f32 to vector<16xf32>
        %mul3A_314 = arith.mulf %mul3A_313, %get3A_311 : vector<16xf32>
        %add3A_315 = arith.addf %get3A_309, %mul3A_314 : vector<16xf32>
        tpu.vector_store_idx %arg7[%add3A_299], %add3A_315 : memref<34816xf32, #tpu.memory_space<vmem>>[vector<16xi32>], vector<16xf32>,
        %add3A_316 = arith.constant 272 : i32
        %add3A_317 = vector.broadcast %add3A_316 : i32 to vector<16xi32>
        %add3A_318 = arith.addi %add3A_299, %add3A_317 : vector<16xi32>
        %scan3A_319 = arith.constant 6 : i32
        %scan3A_320 = arith.addi %scan3A_206, %scan3A_319 : i32
        %mul3A_321 = arith.constant 1 : i32
        %mul3A_322 = arith.muli %scan3A_320, %mul3A_321 : i32
        %add3A_323 = arith.constant 0 : i32
        %add3A_324 = arith.addi %add3A_323, %mul3A_322 : i32
        %mul3A_325 = arith.constant 16 : i32
        %mul3A_326 = arith.muli %add3A_324, %mul3A_325 : i32
        %get3A_327 = arith.index_cast %mul3A_326 : i32 to index
        %get3A_328 = tpu.vector_load %arg5[%get3A_327] {strides = array<i32>} : memref<2048xf32, #tpu.memory_space<vmem>>, vector<16xf32>,
        %get3A_329 = arith.index_cast %mul3A_326 : i32 to index
        %get3A_330 = tpu.vector_load %arg6[%get3A_329] {strides = array<i32>} : memref<2048xf32, #tpu.memory_space<vmem>>, vector<16xf32>,
        %mul3A_331 = arith.constant 5.000000e-02 : f32
        %mul3A_332 = vector.broadcast %mul3A_331 : f32 to vector<16xf32>
        %mul3A_333 = arith.mulf %mul3A_332, %get3A_330 : vector<16xf32>
        %add3A_334 = arith.addf %get3A_328, %mul3A_333 : vector<16xf32>
        tpu.vector_store_idx %arg7[%add3A_318], %add3A_334 : memref<34816xf32, #tpu.memory_space<vmem>>[vector<16xi32>], vector<16xf32>,
        %add3A_335 = arith.constant 272 : i32
        %add3A_336 = vector.broadcast %add3A_335 : i32 to vector<16xi32>
        %add3A_337 = arith.addi %add3A_318, %add3A_336 : vector<16xi32>
        %scan3A_338 = arith.constant 7 : i32
        %scan3A_339 = arith.addi %scan3A_206, %scan3A_338 : i32
        %mul3A_340 = arith.constant 1 : i32
        %mul3A_341 = arith.muli %scan3A_339, %mul3A_340 : i32
        %add3A_342 = arith.constant 0 : i32
        %add3A_343 = arith.addi %add3A_342, %mul3A_341 : i32
        %mul3A_344 = arith.constant 16 : i32
        %mul3A_345 = arith.muli %add3A_343, %mul3A_344 : i32
        %get3A_346 = arith.index_cast %mul3A_345 : i32 to index
        %get3A_347 = tpu.vector_load %arg5[%get3A_346] {strides = array<i32>} : memref<2048xf32, #tpu.memory_space<vmem>>, vector<16xf32>,
        %get3A_348 = arith.index_cast %mul3A_345 : i32 to index
        %get3A_349 = tpu.vector_load %arg6[%get3A_348] {strides = array<i32>} : memref<2048xf32, #tpu.memory_space<vmem>>, vector<16xf32>,
        %mul3A_350 = arith.constant 5.000000e-02 : f32
        %mul3A_351 = vector.broadcast %mul3A_350 : f32 to vector<16xf32>
        %mul3A_352 = arith.mulf %mul3A_351, %get3A_349 : vector<16xf32>
        %add3A_353 = arith.addf %get3A_347, %mul3A_352 : vector<16xf32>
        tpu.vector_store_idx %arg7[%add3A_337], %add3A_353 : memref<34816xf32, #tpu.memory_space<vmem>>[vector<16xi32>], vector<16xf32>,
        %add3A_354 = arith.constant 272 : i32
        %add3A_355 = vector.broadcast %add3A_354 : i32 to vector<16xi32>
        %add3A_356 = arith.addi %add3A_337, %add3A_355 : vector<16xi32>
        scf.yield %add3A_356 : vector<16xi32>
      }
      %scan3A_205 = arith.constant 128 : i32
    }
    %scan3A_75 = arith.constant 16 : i32
    %scan3A_76 = arith.constant 0 : i32
    %scan3A_77 = arith.constant 64 : i32
    %scan3A_78 = arith.addi %scan3A_76, %scan3A_77 : i32
    %scan3A_79 = arith.constant 1 : i32
    scf.for %scan3A_184 = %scan3A_76 to %scan3A_78 step %scan3A_79  : i32 {
      %mul3A_185 = arith.constant 1 : i32
      %mul3A_186 = arith.muli %scan3A_184, %mul3A_185 : i32
      %add3A_187 = arith.constant 0 : i32
      %add3A_188 = arith.addi %add3A_187, %mul3A_186 : i32
      %mul3A_189 = arith.constant 544 : i32
      %mul3A_190 = arith.muli %add3A_188, %mul3A_189 : i32
      %add3A_191 = vector.broadcast %mul3A_190 : i32 to vector<16xi32>
      %add3A_192 = arith.addi %add3A_191, %iota3A : vector<16xi32>
      %scan3A_193 = arith.constant 0 : i32
      %scan3A_194 = arith.constant 32 : i32
      %scan3A_195 = arith.addi %scan3A_193, %scan3A_194 : i32
      %scan3A_196 = arith.constant 8 : i32
      %scan3A_197:2 = scf.for %scan3A_202 = %scan3A_193 to %scan3A_195 step %scan3A_196 iter_args(%scan3A_203 = %broadcast_in_dim3A_42, %scan3A_204 = %add3A_192) -> (vector<16xf32>, vector<16xi32>)  : i32 {
        %mul3A_205 = arith.constant 1 : i32
        %mul3A_206 = arith.muli %scan3A_202, %mul3A_205 : i32
        %add3A_207 = arith.constant 0 : i32
        %add3A_208 = arith.addi %add3A_207, %mul3A_206 : i32
        %gather3A = tpu.vector_load_idx %arg7[%scan3A_204] : memref<34816xf32, #tpu.memory_space<vmem>>[vector<16xi32>], vector<16xf32>,
        %max3A = arith.maximumf %scan3A_203, %gather3A : vector<16xf32>
        %add3A_209 = arith.constant 17 : i32
        %add3A_210 = vector.broadcast %add3A_209 : i32 to vector<16xi32>
        %add3A_211 = arith.addi %scan3A_204, %add3A_210 : vector<16xi32>
        %scan3A_212 = arith.constant 1 : i32
        %scan3A_213 = arith.addi %scan3A_202, %scan3A_212 : i32
        %mul3A_214 = arith.constant 1 : i32
        %mul3A_215 = arith.muli %scan3A_213, %mul3A_214 : i32
        %add3A_216 = arith.constant 0 : i32
        %add3A_217 = arith.addi %add3A_216, %mul3A_215 : i32
        %gather3A_218 = tpu.vector_load_idx %arg7[%add3A_211] : memref<34816xf32, #tpu.memory_space<vmem>>[vector<16xi32>], vector<16xf32>,
        %max3A_219 = arith.maximumf %max3A, %gather3A_218 : vector<16xf32>
        %add3A_220 = arith.constant 17 : i32
        %add3A_221 = vector.broadcast %add3A_220 : i32 to vector<16xi32>
        %add3A_222 = arith.addi %add3A_211, %add3A_221 : vector<16xi32>
        %scan3A_223 = arith.constant 2 : i32
        %scan3A_224 = arith.addi %scan3A_202, %scan3A_223 : i32
        %mul3A_225 = arith.constant 1 : i32
        %mul3A_226 = arith.muli %scan3A_224, %mul3A_225 : i32
        %add3A_227 = arith.constant 0 : i32
        %add3A_228 = arith.addi %add3A_227, %mul3A_226 : i32
        %gather3A_229 = tpu.vector_load_idx %arg7[%add3A_222] : memref<34816xf32, #tpu.memory_space<vmem>>[vector<16xi32>], vector<16xf32>,
        %max3A_230 = arith.maximumf %max3A_219, %gather3A_229 : vector<16xf32>
        %add3A_231 = arith.constant 17 : i32
        %add3A_232 = vector.broadcast %add3A_231 : i32 to vector<16xi32>
        %add3A_233 = arith.addi %add3A_222, %add3A_232 : vector<16xi32>
        %scan3A_234 = arith.constant 3 : i32
        %scan3A_235 = arith.addi %scan3A_202, %scan3A_234 : i32
        %mul3A_236 = arith.constant 1 : i32
        %mul3A_237 = arith.muli %scan3A_235, %mul3A_236 : i32
        %add3A_238 = arith.constant 0 : i32
        %add3A_239 = arith.addi %add3A_238, %mul3A_237 : i32
        %gather3A_240 = tpu.vector_load_idx %arg7[%add3A_233] : memref<34816xf32, #tpu.memory_space<vmem>>[vector<16xi32>], vector<16xf32>,
        %max3A_241 = arith.maximumf %max3A_230, %gather3A_240 : vector<16xf32>
        %add3A_242 = arith.constant 17 : i32
        %add3A_243 = vector.broadcast %add3A_242 : i32 to vector<16xi32>
        %add3A_244 = arith.addi %add3A_233, %add3A_243 : vector<16xi32>
        %scan3A_245 = arith.constant 4 : i32
        %scan3A_246 = arith.addi %scan3A_202, %scan3A_245 : i32
        %mul3A_247 = arith.constant 1 : i32
        %mul3A_248 = arith.muli %scan3A_246, %mul3A_247 : i32
        %add3A_249 = arith.constant 0 : i32
        %add3A_250 = arith.addi %add3A_249, %mul3A_248 : i32
        %gather3A_251 = tpu.vector_load_idx %arg7[%add3A_244] : memref<34816xf32, #tpu.memory_space<vmem>>[vector<16xi32>], vector<16xf32>,
        %max3A_252 = arith.maximumf %max3A_241, %gather3A_251 : vector<16xf32>
        %add3A_253 = arith.constant 17 : i32
        %add3A_254 = vector.broadcast %add3A_253 : i32 to vector<16xi32>
        %add3A_255 = arith.addi %add3A_244, %add3A_254 : vector<16xi32>
        %scan3A_256 = arith.constant 5 : i32
        %scan3A_257 = arith.addi %scan3A_202, %scan3A_256 : i32
        %mul3A_258 = arith.constant 1 : i32
        %mul3A_259 = arith.muli %scan3A_257, %mul3A_258 : i32
        %add3A_260 = arith.constant 0 : i32
        %add3A_261 = arith.addi %add3A_260, %mul3A_259 : i32
        %gather3A_262 = tpu.vector_load_idx %arg7[%add3A_255] : memref<34816xf32, #tpu.memory_space<vmem>>[vector<16xi32>], vector<16xf32>,
        %max3A_263 = arith.maximumf %max3A_252, %gather3A_262 : vector<16xf32>
        %add3A_264 = arith.constant 17 : i32
        %add3A_265 = vector.broadcast %add3A_264 : i32 to vector<16xi32>
        %add3A_266 = arith.addi %add3A_255, %add3A_265 : vector<16xi32>
        %scan3A_267 = arith.constant 6 : i32
        %scan3A_268 = arith.addi %scan3A_202, %scan3A_267 : i32
        %mul3A_269 = arith.constant 1 : i32
        %mul3A_270 = arith.muli %scan3A_268, %mul3A_269 : i32
        %add3A_271 = arith.constant 0 : i32
        %add3A_272 = arith.addi %add3A_271, %mul3A_270 : i32
        %gather3A_273 = tpu.vector_load_idx %arg7[%add3A_266] : memref<34816xf32, #tpu.memory_space<vmem>>[vector<16xi32>], vector<16xf32>,
        %max3A_274 = arith.maximumf %max3A_263, %gather3A_273 : vector<16xf32>
        %add3A_275 = arith.constant 17 : i32
        %add3A_276 = vector.broadcast %add3A_275 : i32 to vector<16xi32>
        %add3A_277 = arith.addi %add3A_266, %add3A_276 : vector<16xi32>
        %scan3A_278 = arith.constant 7 : i32
        %scan3A_279 = arith.addi %scan3A_202, %scan3A_278 : i32
        %mul3A_280 = arith.constant 1 : i32
        %mul3A_281 = arith.muli %scan3A_279, %mul3A_280 : i32
        %add3A_282 = arith.constant 0 : i32
        %add3A_283 = arith.addi %add3A_282, %mul3A_281 : i32
        %gather3A_284 = tpu.vector_load_idx %arg7[%add3A_277] : memref<34816xf32, #tpu.memory_space<vmem>>[vector<16xi32>], vector<16xf32>,
        %max3A_285 = arith.maximumf %max3A_274, %gather3A_284 : vector<16xf32>
        %add3A_286 = arith.constant 17 : i32
        %add3A_287 = vector.broadcast %add3A_286 : i32 to vector<16xi32>
        %add3A_288 = arith.addi %add3A_277, %add3A_287 : vector<16xi32>
        scf.yield %max3A_285, %add3A_288 : vector<16xf32>, vector<16xi32>
      }
      %scan3A_198 = arith.constant 32 : i32
      %mul3A_199 = arith.constant 16 : i32
      %mul3A_200 = arith.muli %add3A_188, %mul3A_199 : i32
      %swap3A = arith.index_cast %mul3A_200 : i32 to index
      %swap3A_201 = tpu.vector_load %arg8[%swap3A] {strides = array<i32>} : memref<1024xf32, #tpu.memory_space<vmem>>, vector<16xf32>,
      tpu.vector_store %arg8[%swap3A], %scan3A_197#0 {strides = array<i32>} : memref<1024xf32, #tpu.memory_space<vmem>>, vector<16xf32>,
    }
    %scan3A_80 = arith.constant 64 : i32
    %scan3A_81 = arith.constant 0 : i32
    %scan3A_82 = arith.constant 20 : i32
    %scan3A_83 = arith.addi %scan3A_81, %scan3A_82 : i32
    %scan3A_84 = arith.constant 1 : i32
    scf.for %scan3A_184 = %scan3A_81 to %scan3A_83 step %scan3A_84  : i32 {
      %mul3A_185 = arith.constant 1 : i32
      %mul3A_186 = arith.muli %scan3A_184, %mul3A_185 : i32
      %add3A_187 = arith.constant 0 : i32
      %add3A_188 = arith.addi %add3A_187, %mul3A_186 : i32
      %scan3A_189 = arith.constant 0 : i32
      %scan3A_190 = arith.constant 64 : i32
      %scan3A_191 = arith.addi %scan3A_189, %scan3A_190 : i32
      %scan3A_192 = arith.constant 8 : i32
      %scan3A_193:2 = scf.for %scan3A_219 = %scan3A_189 to %scan3A_191 step %scan3A_192 iter_args(%scan3A_220 = %broadcast_in_dim3A_42, %scan3A_221 = %broadcast_in_dim3A_44) -> (vector<16xf32>, vector<16xi32>)  : i32 {
        %mul3A_222 = arith.constant 1 : i32
        %mul3A_223 = arith.muli %scan3A_219, %mul3A_222 : i32
        %add3A_224 = arith.constant 0 : i32
        %add3A_225 = arith.addi %add3A_224, %mul3A_223 : i32
        %mul3A_226 = arith.constant 16 : i32
        %mul3A_227 = arith.muli %add3A_225, %mul3A_226 : i32
        %get3A = arith.index_cast %mul3A_227 : i32 to index
        %get3A_228 = tpu.vector_load %arg8[%get3A] {strides = array<i32>} : memref<1024xf32, #tpu.memory_space<vmem>>, vector<16xf32>,
        %gt3A = arith.cmpf ogt, %get3A_228, %scan3A_220 : vector<16xf32>
        %select_n3A_229 = arith.select %gt3A, %get3A_228, %scan3A_220 : vector<16xi1>, vector<16xf32>
        %broadcast_in_dim3A_230 = vector.broadcast %add3A_225 : i32 to vector<16xi32>
        %select_n3A_231 = arith.select %gt3A, %broadcast_in_dim3A_230, %scan3A_221 : vector<16xi1>, vector<16xi32>
        %scan3A_232 = arith.constant 1 : i32
        %scan3A_233 = arith.addi %scan3A_219, %scan3A_232 : i32
        %mul3A_234 = arith.constant 1 : i32
        %mul3A_235 = arith.muli %scan3A_233, %mul3A_234 : i32
        %add3A_236 = arith.constant 0 : i32
        %add3A_237 = arith.addi %add3A_236, %mul3A_235 : i32
        %mul3A_238 = arith.constant 16 : i32
        %mul3A_239 = arith.muli %add3A_237, %mul3A_238 : i32
        %get3A_240 = arith.index_cast %mul3A_239 : i32 to index
        %get3A_241 = tpu.vector_load %arg8[%get3A_240] {strides = array<i32>} : memref<1024xf32, #tpu.memory_space<vmem>>, vector<16xf32>,
        %gt3A_242 = arith.cmpf ogt, %get3A_241, %select_n3A_229 : vector<16xf32>
        %select_n3A_243 = arith.select %gt3A_242, %get3A_241, %select_n3A_229 : vector<16xi1>, vector<16xf32>
        %broadcast_in_dim3A_244 = vector.broadcast %add3A_237 : i32 to vector<16xi32>
        %select_n3A_245 = arith.select %gt3A_242, %broadcast_in_dim3A_244, %select_n3A_231 : vector<16xi1>, vector<16xi32>
        %scan3A_246 = arith.constant 2 : i32
        %scan3A_247 = arith.addi %scan3A_219, %scan3A_246 : i32
        %mul3A_248 = arith.constant 1 : i32
        %mul3A_249 = arith.muli %scan3A_247, %mul3A_248 : i32
        %add3A_250 = arith.constant 0 : i32
        %add3A_251 = arith.addi %add3A_250, %mul3A_249 : i32
        %mul3A_252 = arith.constant 16 : i32
        %mul3A_253 = arith.muli %add3A_251, %mul3A_252 : i32
        %get3A_254 = arith.index_cast %mul3A_253 : i32 to index
        %get3A_255 = tpu.vector_load %arg8[%get3A_254] {strides = array<i32>} : memref<1024xf32, #tpu.memory_space<vmem>>, vector<16xf32>,
        %gt3A_256 = arith.cmpf ogt, %get3A_255, %select_n3A_243 : vector<16xf32>
        %select_n3A_257 = arith.select %gt3A_256, %get3A_255, %select_n3A_243 : vector<16xi1>, vector<16xf32>
        %broadcast_in_dim3A_258 = vector.broadcast %add3A_251 : i32 to vector<16xi32>
        %select_n3A_259 = arith.select %gt3A_256, %broadcast_in_dim3A_258, %select_n3A_245 : vector<16xi1>, vector<16xi32>
        %scan3A_260 = arith.constant 3 : i32
        %scan3A_261 = arith.addi %scan3A_219, %scan3A_260 : i32
        %mul3A_262 = arith.constant 1 : i32
        %mul3A_263 = arith.muli %scan3A_261, %mul3A_262 : i32
        %add3A_264 = arith.constant 0 : i32
        %add3A_265 = arith.addi %add3A_264, %mul3A_263 : i32
        %mul3A_266 = arith.constant 16 : i32
        %mul3A_267 = arith.muli %add3A_265, %mul3A_266 : i32
        %get3A_268 = arith.index_cast %mul3A_267 : i32 to index
        %get3A_269 = tpu.vector_load %arg8[%get3A_268] {strides = array<i32>} : memref<1024xf32, #tpu.memory_space<vmem>>, vector<16xf32>,
        %gt3A_270 = arith.cmpf ogt, %get3A_269, %select_n3A_257 : vector<16xf32>
        %select_n3A_271 = arith.select %gt3A_270, %get3A_269, %select_n3A_257 : vector<16xi1>, vector<16xf32>
        %broadcast_in_dim3A_272 = vector.broadcast %add3A_265 : i32 to vector<16xi32>
        %select_n3A_273 = arith.select %gt3A_270, %broadcast_in_dim3A_272, %select_n3A_259 : vector<16xi1>, vector<16xi32>
        %scan3A_274 = arith.constant 4 : i32
        %scan3A_275 = arith.addi %scan3A_219, %scan3A_274 : i32
        %mul3A_276 = arith.constant 1 : i32
        %mul3A_277 = arith.muli %scan3A_275, %mul3A_276 : i32
        %add3A_278 = arith.constant 0 : i32
        %add3A_279 = arith.addi %add3A_278, %mul3A_277 : i32
        %mul3A_280 = arith.constant 16 : i32
        %mul3A_281 = arith.muli %add3A_279, %mul3A_280 : i32
        %get3A_282 = arith.index_cast %mul3A_281 : i32 to index
        %get3A_283 = tpu.vector_load %arg8[%get3A_282] {strides = array<i32>} : memref<1024xf32, #tpu.memory_space<vmem>>, vector<16xf32>,
        %gt3A_284 = arith.cmpf ogt, %get3A_283, %select_n3A_271 : vector<16xf32>
        %select_n3A_285 = arith.select %gt3A_284, %get3A_283, %select_n3A_271 : vector<16xi1>, vector<16xf32>
        %broadcast_in_dim3A_286 = vector.broadcast %add3A_279 : i32 to vector<16xi32>
        %select_n3A_287 = arith.select %gt3A_284, %broadcast_in_dim3A_286, %select_n3A_273 : vector<16xi1>, vector<16xi32>
        %scan3A_288 = arith.constant 5 : i32
        %scan3A_289 = arith.addi %scan3A_219, %scan3A_288 : i32
        %mul3A_290 = arith.constant 1 : i32
        %mul3A_291 = arith.muli %scan3A_289, %mul3A_290 : i32
        %add3A_292 = arith.constant 0 : i32
        %add3A_293 = arith.addi %add3A_292, %mul3A_291 : i32
        %mul3A_294 = arith.constant 16 : i32
        %mul3A_295 = arith.muli %add3A_293, %mul3A_294 : i32
        %get3A_296 = arith.index_cast %mul3A_295 : i32 to index
        %get3A_297 = tpu.vector_load %arg8[%get3A_296] {strides = array<i32>} : memref<1024xf32, #tpu.memory_space<vmem>>, vector<16xf32>,
        %gt3A_298 = arith.cmpf ogt, %get3A_297, %select_n3A_285 : vector<16xf32>
        %select_n3A_299 = arith.select %gt3A_298, %get3A_297, %select_n3A_285 : vector<16xi1>, vector<16xf32>
        %broadcast_in_dim3A_300 = vector.broadcast %add3A_293 : i32 to vector<16xi32>
        %select_n3A_301 = arith.select %gt3A_298, %broadcast_in_dim3A_300, %select_n3A_287 : vector<16xi1>, vector<16xi32>
        %scan3A_302 = arith.constant 6 : i32
        %scan3A_303 = arith.addi %scan3A_219, %scan3A_302 : i32
        %mul3A_304 = arith.constant 1 : i32
        %mul3A_305 = arith.muli %scan3A_303, %mul3A_304 : i32
        %add3A_306 = arith.constant 0 : i32
        %add3A_307 = arith.addi %add3A_306, %mul3A_305 : i32
        %mul3A_308 = arith.constant 16 : i32
        %mul3A_309 = arith.muli %add3A_307, %mul3A_308 : i32
        %get3A_310 = arith.index_cast %mul3A_309 : i32 to index
        %get3A_311 = tpu.vector_load %arg8[%get3A_310] {strides = array<i32>} : memref<1024xf32, #tpu.memory_space<vmem>>, vector<16xf32>,
        %gt3A_312 = arith.cmpf ogt, %get3A_311, %select_n3A_299 : vector<16xf32>
        %select_n3A_313 = arith.select %gt3A_312, %get3A_311, %select_n3A_299 : vector<16xi1>, vector<16xf32>
        %broadcast_in_dim3A_314 = vector.broadcast %add3A_307 : i32 to vector<16xi32>
        %select_n3A_315 = arith.select %gt3A_312, %broadcast_in_dim3A_314, %select_n3A_301 : vector<16xi1>, vector<16xi32>
        %scan3A_316 = arith.constant 7 : i32
        %scan3A_317 = arith.addi %scan3A_219, %scan3A_316 : i32
        %mul3A_318 = arith.constant 1 : i32
        %mul3A_319 = arith.muli %scan3A_317, %mul3A_318 : i32
        %add3A_320 = arith.constant 0 : i32
        %add3A_321 = arith.addi %add3A_320, %mul3A_319 : i32
        %mul3A_322 = arith.constant 16 : i32
        %mul3A_323 = arith.muli %add3A_321, %mul3A_322 : i32
        %get3A_324 = arith.index_cast %mul3A_323 : i32 to index
        %get3A_325 = tpu.vector_load %arg8[%get3A_324] {strides = array<i32>} : memref<1024xf32, #tpu.memory_space<vmem>>, vector<16xf32>,
        %gt3A_326 = arith.cmpf ogt, %get3A_325, %select_n3A_313 : vector<16xf32>
        %select_n3A_327 = arith.select %gt3A_326, %get3A_325, %select_n3A_313 : vector<16xi1>, vector<16xf32>
        %broadcast_in_dim3A_328 = vector.broadcast %add3A_321 : i32 to vector<16xi32>
        %select_n3A_329 = arith.select %gt3A_326, %broadcast_in_dim3A_328, %select_n3A_315 : vector<16xi1>, vector<16xi32>
        scf.yield %select_n3A_327, %select_n3A_329 : vector<16xf32>, vector<16xi32>
      }
      %scan3A_194 = arith.constant 64 : i32
      %mul3A_195 = arith.constant 32 : i32
      %mul3A_196 = vector.broadcast %mul3A_195 : i32 to vector<16xi32>
      %mul3A_197 = arith.muli %scan3A_193#1, %mul3A_196 : vector<16xi32>
      %mul3A_198 = arith.constant 544 : i32
      %mul3A_199 = vector.broadcast %mul3A_198 : i32 to vector<16xi32>
      %mul3A_200 = arith.muli %scan3A_193#1, %mul3A_199 : vector<16xi32>
      %add3A_201 = arith.addi %mul3A_200, %iota3A : vector<16xi32>
      %scan3A_202 = arith.constant 0 : i32
      %scan3A_203 = arith.constant 32 : i32
      %scan3A_204 = arith.addi %scan3A_202, %scan3A_203 : i32
      %scan3A_205 = arith.constant 8 : i32
      %scan3A_206:4 = scf.for %scan3A_219 = %scan3A_202 to %scan3A_204 step %scan3A_205 iter_args(%scan3A_220 = %broadcast_in_dim3A_42, %scan3A_221 = %broadcast_in_dim3A_44, %scan3A_222 = %broadcast_in_dim3A_42, %scan3A_223 = %add3A_201) -> (vector<16xf32>, vector<16xi32>, vector<16xf32>, vector<16xi32>)  : i32 {
        %mul3A_224 = arith.constant 1 : i32
        %mul3A_225 = arith.muli %scan3A_219, %mul3A_224 : i32
        %add3A_226 = arith.constant 0 : i32
        %add3A_227 = arith.addi %add3A_226, %mul3A_225 : i32
        %gather3A = tpu.vector_load_idx %arg7[%scan3A_223] : memref<34816xf32, #tpu.memory_space<vmem>>[vector<16xi32>], vector<16xf32>,
        %gt3A = arith.cmpf ogt, %gather3A, %scan3A_220 : vector<16xf32>
        %select_n3A_228 = arith.select %gt3A, %scan3A_220, %gather3A : vector<16xi1>, vector<16xf32>
        %max3A = arith.maximumf %scan3A_222, %select_n3A_228 : vector<16xf32>
        %select_n3A_229 = arith.select %gt3A, %gather3A, %scan3A_220 : vector<16xi1>, vector<16xf32>
        %add3A_230 = vector.broadcast %add3A_227 : i32 to vector<16xi32>
        %add3A_231 = arith.addi %mul3A_197, %add3A_230 : vector<16xi32>
        %select_n3A_232 = arith.select %gt3A, %add3A_231, %scan3A_221 : vector<16xi1>, vector<16xi32>
        %add3A_233 = arith.constant 17 : i32
        %add3A_234 = vector.broadcast %add3A_233 : i32 to vector<16xi32>
        %add3A_235 = arith.addi %scan3A_223, %add3A_234 : vector<16xi32>
        %scan3A_236 = arith.constant 1 : i32
        %scan3A_237 = arith.addi %scan3A_219, %scan3A_236 : i32
        %mul3A_238 = arith.constant 1 : i32
        %mul3A_239 = arith.muli %scan3A_237, %mul3A_238 : i32
        %add3A_240 = arith.constant 0 : i32
        %add3A_241 = arith.addi %add3A_240, %mul3A_239 : i32
        %gather3A_242 = tpu.vector_load_idx %arg7[%add3A_235] : memref<34816xf32, #tpu.memory_space<vmem>>[vector<16xi32>], vector<16xf32>,
        %gt3A_243 = arith.cmpf ogt, %gather3A_242, %select_n3A_229 : vector<16xf32>
        %select_n3A_244 = arith.select %gt3A_243, %select_n3A_229, %gather3A_242 : vector<16xi1>, vector<16xf32>
        %max3A_245 = arith.maximumf %max3A, %select_n3A_244 : vector<16xf32>
        %select_n3A_246 = arith.select %gt3A_243, %gather3A_242, %select_n3A_229 : vector<16xi1>, vector<16xf32>
        %add3A_247 = vector.broadcast %add3A_241 : i32 to vector<16xi32>
        %add3A_248 = arith.addi %mul3A_197, %add3A_247 : vector<16xi32>
        %select_n3A_249 = arith.select %gt3A_243, %add3A_248, %select_n3A_232 : vector<16xi1>, vector<16xi32>
        %add3A_250 = arith.constant 17 : i32
        %add3A_251 = vector.broadcast %add3A_250 : i32 to vector<16xi32>
        %add3A_252 = arith.addi %add3A_235, %add3A_251 : vector<16xi32>
        %scan3A_253 = arith.constant 2 : i32
        %scan3A_254 = arith.addi %scan3A_219, %scan3A_253 : i32
        %mul3A_255 = arith.constant 1 : i32
        %mul3A_256 = arith.muli %scan3A_254, %mul3A_255 : i32
        %add3A_257 = arith.constant 0 : i32
        %add3A_258 = arith.addi %add3A_257, %mul3A_256 : i32
        %gather3A_259 = tpu.vector_load_idx %arg7[%add3A_252] : memref<34816xf32, #tpu.memory_space<vmem>>[vector<16xi32>], vector<16xf32>,
        %gt3A_260 = arith.cmpf ogt, %gather3A_259, %select_n3A_246 : vector<16xf32>
        %select_n3A_261 = arith.select %gt3A_260, %select_n3A_246, %gather3A_259 : vector<16xi1>, vector<16xf32>
        %max3A_262 = arith.maximumf %max3A_245, %select_n3A_261 : vector<16xf32>
        %select_n3A_263 = arith.select %gt3A_260, %gather3A_259, %select_n3A_246 : vector<16xi1>, vector<16xf32>
        %add3A_264 = vector.broadcast %add3A_258 : i32 to vector<16xi32>
        %add3A_265 = arith.addi %mul3A_197, %add3A_264 : vector<16xi32>
        %select_n3A_266 = arith.select %gt3A_260, %add3A_265, %select_n3A_249 : vector<16xi1>, vector<16xi32>
        %add3A_267 = arith.constant 17 : i32
        %add3A_268 = vector.broadcast %add3A_267 : i32 to vector<16xi32>
        %add3A_269 = arith.addi %add3A_252, %add3A_268 : vector<16xi32>
        %scan3A_270 = arith.constant 3 : i32
        %scan3A_271 = arith.addi %scan3A_219, %scan3A_270 : i32
        %mul3A_272 = arith.constant 1 : i32
        %mul3A_273 = arith.muli %scan3A_271, %mul3A_272 : i32
        %add3A_274 = arith.constant 0 : i32
        %add3A_275 = arith.addi %add3A_274, %mul3A_273 : i32
        %gather3A_276 = tpu.vector_load_idx %arg7[%add3A_269] : memref<34816xf32, #tpu.memory_space<vmem>>[vector<16xi32>], vector<16xf32>,
        %gt3A_277 = arith.cmpf ogt, %gather3A_276, %select_n3A_263 : vector<16xf32>
        %select_n3A_278 = arith.select %gt3A_277, %select_n3A_263, %gather3A_276 : vector<16xi1>, vector<16xf32>
        %max3A_279 = arith.maximumf %max3A_262, %select_n3A_278 : vector<16xf32>
        %select_n3A_280 = arith.select %gt3A_277, %gather3A_276, %select_n3A_263 : vector<16xi1>, vector<16xf32>
        %add3A_281 = vector.broadcast %add3A_275 : i32 to vector<16xi32>
        %add3A_282 = arith.addi %mul3A_197, %add3A_281 : vector<16xi32>
        %select_n3A_283 = arith.select %gt3A_277, %add3A_282, %select_n3A_266 : vector<16xi1>, vector<16xi32>
        %add3A_284 = arith.constant 17 : i32
        %add3A_285 = vector.broadcast %add3A_284 : i32 to vector<16xi32>
        %add3A_286 = arith.addi %add3A_269, %add3A_285 : vector<16xi32>
        %scan3A_287 = arith.constant 4 : i32
        %scan3A_288 = arith.addi %scan3A_219, %scan3A_287 : i32
        %mul3A_289 = arith.constant 1 : i32
        %mul3A_290 = arith.muli %scan3A_288, %mul3A_289 : i32
        %add3A_291 = arith.constant 0 : i32
        %add3A_292 = arith.addi %add3A_291, %mul3A_290 : i32
        %gather3A_293 = tpu.vector_load_idx %arg7[%add3A_286] : memref<34816xf32, #tpu.memory_space<vmem>>[vector<16xi32>], vector<16xf32>,
        %gt3A_294 = arith.cmpf ogt, %gather3A_293, %select_n3A_280 : vector<16xf32>
        %select_n3A_295 = arith.select %gt3A_294, %select_n3A_280, %gather3A_293 : vector<16xi1>, vector<16xf32>
        %max3A_296 = arith.maximumf %max3A_279, %select_n3A_295 : vector<16xf32>
        %select_n3A_297 = arith.select %gt3A_294, %gather3A_293, %select_n3A_280 : vector<16xi1>, vector<16xf32>
        %add3A_298 = vector.broadcast %add3A_292 : i32 to vector<16xi32>
        %add3A_299 = arith.addi %mul3A_197, %add3A_298 : vector<16xi32>
        %select_n3A_300 = arith.select %gt3A_294, %add3A_299, %select_n3A_283 : vector<16xi1>, vector<16xi32>
        %add3A_301 = arith.constant 17 : i32
        %add3A_302 = vector.broadcast %add3A_301 : i32 to vector<16xi32>
        %add3A_303 = arith.addi %add3A_286, %add3A_302 : vector<16xi32>
        %scan3A_304 = arith.constant 5 : i32
        %scan3A_305 = arith.addi %scan3A_219, %scan3A_304 : i32
        %mul3A_306 = arith.constant 1 : i32
        %mul3A_307 = arith.muli %scan3A_305, %mul3A_306 : i32
        %add3A_308 = arith.constant 0 : i32
        %add3A_309 = arith.addi %add3A_308, %mul3A_307 : i32
        %gather3A_310 = tpu.vector_load_idx %arg7[%add3A_303] : memref<34816xf32, #tpu.memory_space<vmem>>[vector<16xi32>], vector<16xf32>,
        %gt3A_311 = arith.cmpf ogt, %gather3A_310, %select_n3A_297 : vector<16xf32>
        %select_n3A_312 = arith.select %gt3A_311, %select_n3A_297, %gather3A_310 : vector<16xi1>, vector<16xf32>
        %max3A_313 = arith.maximumf %max3A_296, %select_n3A_312 : vector<16xf32>
        %select_n3A_314 = arith.select %gt3A_311, %gather3A_310, %select_n3A_297 : vector<16xi1>, vector<16xf32>
        %add3A_315 = vector.broadcast %add3A_309 : i32 to vector<16xi32>
        %add3A_316 = arith.addi %mul3A_197, %add3A_315 : vector<16xi32>
        %select_n3A_317 = arith.select %gt3A_311, %add3A_316, %select_n3A_300 : vector<16xi1>, vector<16xi32>
        %add3A_318 = arith.constant 17 : i32
        %add3A_319 = vector.broadcast %add3A_318 : i32 to vector<16xi32>
        %add3A_320 = arith.addi %add3A_303, %add3A_319 : vector<16xi32>
        %scan3A_321 = arith.constant 6 : i32
        %scan3A_322 = arith.addi %scan3A_219, %scan3A_321 : i32
        %mul3A_323 = arith.constant 1 : i32
        %mul3A_324 = arith.muli %scan3A_322, %mul3A_323 : i32
        %add3A_325 = arith.constant 0 : i32
        %add3A_326 = arith.addi %add3A_325, %mul3A_324 : i32
        %gather3A_327 = tpu.vector_load_idx %arg7[%add3A_320] : memref<34816xf32, #tpu.memory_space<vmem>>[vector<16xi32>], vector<16xf32>,
        %gt3A_328 = arith.cmpf ogt, %gather3A_327, %select_n3A_314 : vector<16xf32>
        %select_n3A_329 = arith.select %gt3A_328, %select_n3A_314, %gather3A_327 : vector<16xi1>, vector<16xf32>
        %max3A_330 = arith.maximumf %max3A_313, %select_n3A_329 : vector<16xf32>
        %select_n3A_331 = arith.select %gt3A_328, %gather3A_327, %select_n3A_314 : vector<16xi1>, vector<16xf32>
        %add3A_332 = vector.broadcast %add3A_326 : i32 to vector<16xi32>
        %add3A_333 = arith.addi %mul3A_197, %add3A_332 : vector<16xi32>
        %select_n3A_334 = arith.select %gt3A_328, %add3A_333, %select_n3A_317 : vector<16xi1>, vector<16xi32>
        %add3A_335 = arith.constant 17 : i32
        %add3A_336 = vector.broadcast %add3A_335 : i32 to vector<16xi32>
        %add3A_337 = arith.addi %add3A_320, %add3A_336 : vector<16xi32>
        %scan3A_338 = arith.constant 7 : i32
        %scan3A_339 = arith.addi %scan3A_219, %scan3A_338 : i32
        %mul3A_340 = arith.constant 1 : i32
        %mul3A_341 = arith.muli %scan3A_339, %mul3A_340 : i32
        %add3A_342 = arith.constant 0 : i32
        %add3A_343 = arith.addi %add3A_342, %mul3A_341 : i32
        %gather3A_344 = tpu.vector_load_idx %arg7[%add3A_337] : memref<34816xf32, #tpu.memory_space<vmem>>[vector<16xi32>], vector<16xf32>,
        %gt3A_345 = arith.cmpf ogt, %gather3A_344, %select_n3A_331 : vector<16xf32>
        %select_n3A_346 = arith.select %gt3A_345, %select_n3A_331, %gather3A_344 : vector<16xi1>, vector<16xf32>
        %max3A_347 = arith.maximumf %max3A_330, %select_n3A_346 : vector<16xf32>
        %select_n3A_348 = arith.select %gt3A_345, %gather3A_344, %select_n3A_331 : vector<16xi1>, vector<16xf32>
        %add3A_349 = vector.broadcast %add3A_343 : i32 to vector<16xi32>
        %add3A_350 = arith.addi %mul3A_197, %add3A_349 : vector<16xi32>
        %select_n3A_351 = arith.select %gt3A_345, %add3A_350, %select_n3A_334 : vector<16xi1>, vector<16xi32>
        %add3A_352 = arith.constant 17 : i32
        %add3A_353 = vector.broadcast %add3A_352 : i32 to vector<16xi32>
        %add3A_354 = arith.addi %add3A_337, %add3A_353 : vector<16xi32>
        scf.yield %select_n3A_348, %select_n3A_351, %max3A_347, %add3A_354 : vector<16xf32>, vector<16xi32>, vector<16xf32>, vector<16xi32>
      }
      %scan3A_207 = arith.constant 32 : i32
      %mul3A_208 = arith.constant 16 : i32
      %mul3A_209 = arith.muli %add3A_188, %mul3A_208 : i32
      %swap3A = arith.index_cast %mul3A_209 : i32 to index
      %swap3A_210 = tpu.vector_load %arg9[%swap3A] {strides = array<i32>} : memref<512xi32, #tpu.memory_space<vmem>>, vector<16xi32>,
      tpu.vector_store %arg9[%swap3A], %scan3A_206#1 {strides = array<i32>} : memref<512xi32, #tpu.memory_space<vmem>>, vector<16xi32>,
      %mul3A_211 = arith.constant 17 : i32
      %mul3A_212 = vector.broadcast %mul3A_211 : i32 to vector<16xi32>
      %mul3A_213 = arith.muli %scan3A_206#1, %mul3A_212 : vector<16xi32>
      %add3A_214 = arith.addi %mul3A_213, %iota3A : vector<16xi32>
      tpu.vector_store_idx %arg7[%add3A_214], %broadcast_in_dim3A_42 : memref<34816xf32, #tpu.memory_space<vmem>>[vector<16xi32>], vector<16xf32>,
      %mul3A_215 = arith.constant 16 : i32
      %mul3A_216 = vector.broadcast %mul3A_215 : i32 to vector<16xi32>
      %mul3A_217 = arith.muli %scan3A_193#1, %mul3A_216 : vector<16xi32>
      %add3A_218 = arith.addi %mul3A_217, %iota3A : vector<16xi32>
      tpu.vector_store_idx %arg8[%add3A_218], %scan3A_206#2 : memref<1024xf32, #tpu.memory_space<vmem>>[vector<16xi32>], vector<16xf32>,
    }
    %scan3A_85 = arith.constant 20 : i32
    %scan3A_86 = arith.constant 0 : i32
    %scan3A_87 = arith.constant 9 : i32
    %scan3A_88 = arith.addi %scan3A_86, %scan3A_87 : i32
    %scan3A_89 = arith.constant 1 : i32
    scf.for %scan3A_184 = %scan3A_86 to %scan3A_88 step %scan3A_89  : i32 {
      %mul3A_185 = arith.constant 1 : i32
      %mul3A_186 = arith.muli %scan3A_184, %mul3A_185 : i32
      %add3A_187 = arith.constant 0 : i32
      %add3A_188 = arith.addi %add3A_187, %mul3A_186 : i32
      %mul3A_189 = arith.constant 16 : i32
      %mul3A_190 = vector.broadcast %mul3A_189 : i32 to vector<16xi32>
      %mul3A_191 = arith.muli %iota3A, %mul3A_190 : vector<16xi32>
      %add3A_192 = vector.broadcast %add3A_188 : i32 to vector<16xi32>
      %add3A_193 = arith.addi %mul3A_191, %add3A_192 : vector<16xi32>
      %gather3A = tpu.vector_load_idx %arg9[%add3A_193] : memref<512xi32, #tpu.memory_space<vmem>>[vector<16xi32>], vector<16xi32>,
      %add3A_194 = arith.constant 16 : i32
      %add3A_195 = vector.broadcast %add3A_194 : i32 to vector<16xi32>
      %add3A_196 = arith.addi %iota3A, %add3A_195 : vector<16xi32>
      %mul3A_197 = arith.constant 16 : i32
      %mul3A_198 = vector.broadcast %mul3A_197 : i32 to vector<16xi32>
      %mul3A_199 = arith.muli %add3A_196, %mul3A_198 : vector<16xi32>
      %add3A_200 = vector.broadcast %add3A_188 : i32 to vector<16xi32>
      %add3A_201 = arith.addi %mul3A_199, %add3A_200 : vector<16xi32>
      %gather3A_202 = tpu.vector_load_idx %arg9[%add3A_201] : memref<512xi32, #tpu.memory_space<vmem>>[vector<16xi32>], vector<16xi32>,
      %mul3A_203 = arith.constant 2048 : i32
      %mul3A_204 = vector.broadcast %mul3A_203 : i32 to vector<16xi32>
      %mul3A_205 = arith.muli %iota3A, %mul3A_204 : vector<16xi32>
      %add3A_206 = arith.addi %mul3A_205, %gather3A : vector<16xi32>
      tpu.vector_store_idx %arg10[%add3A_206], %broadcast_in_dim3A_40 {add = true} : memref<40960xf32, #tpu.memory_space<vmem>>[vector<16xi32>], vector<16xf32>,
      %add3A_207 = arith.constant 16 : i32
      %add3A_208 = vector.broadcast %add3A_207 : i32 to vector<16xi32>
      %add3A_209 = arith.addi %iota3A, %add3A_208 : vector<16xi32>
      %mul3A_210 = arith.constant 2048 : i32
      %mul3A_211 = vector.broadcast %mul3A_210 : i32 to vector<16xi32>
      %mul3A_212 = arith.muli %add3A_209, %mul3A_211 : vector<16xi32>
      %add3A_213 = arith.addi %mul3A_212, %gather3A_202 : vector<16xi32>
      %lt3A_214 = arith.constant 4 : i32
      %lt3A_215 = vector.broadcast %lt3A_214 : i32 to vector<16xi32>
      %lt3A_216 = arith.cmpi slt, %iota3A, %lt3A_215 : vector<16xi32>
      tpu.vector_store_idx %arg10[%add3A_213], %broadcast_in_dim3A_40 masked %lt3A_216 {add = true} : memref<40960xf32, #tpu.memory_space<vmem>>[vector<16xi32>], vector<16xf32>, vector<16xi1>
    }
    %scan3A_90 = arith.constant 9 : i32
    "tpu.region"() ({
      %run_scoped3A = tpu.sem_alloc : memref<!tpu.dma_semaphore, #tpu.memory_space<semaphore_mem>>
      %dma_start3A = arith.constant 0 : i32
      %dma_start3A_184 = tpu.memref_slice %arg11[%arg1, %dma_start3A] : memref<16x40960xf32, #tpu.memory_space<vmem_shared>> -> memref<1x40960xf32, #tpu.memory_space<vmem_shared>>
      %dma_start3A_185 = tpu.memref_squeeze %dma_start3A_184 : memref<1x40960xf32, #tpu.memory_space<vmem_shared>> -> memref<40960xf32, #tpu.memory_space<vmem_shared>>
      %dma_start3A_186 = arith.constant 0 : i32
      %dma_start3A_187 = tpu.memref_slice %arg11[%arg1, %dma_start3A_186] : memref<16x40960xf32, #tpu.memory_space<vmem_shared>> -> memref<1x40960xf32, #tpu.memory_space<vmem_shared>>
      %dma_start3A_188 = tpu.memref_squeeze %dma_start3A_187 : memref<1x40960xf32, #tpu.memory_space<vmem_shared>> -> memref<40960xf32, #tpu.memory_space<vmem_shared>>
      tpu.enqueue_dma source(%arg10 : memref<40960xf32, #tpu.memory_space<vmem>>) target(%dma_start3A_188 : memref<40960xf32, #tpu.memory_space<vmem_shared>>) target_semaphore(%run_scoped3A : memref<!tpu.dma_semaphore, #tpu.memory_space<semaphore_mem>>)
      %dma_wait3A = arith.constant 0 : i32
      %dma_wait3A_189 = tpu.memref_slice %arg11[%arg1, %dma_wait3A] : memref<16x40960xf32, #tpu.memory_space<vmem_shared>> -> memref<1x40960xf32, #tpu.memory_space<vmem_shared>>
      %dma_wait3A_190 = tpu.memref_squeeze %dma_wait3A_189 : memref<1x40960xf32, #tpu.memory_space<vmem_shared>> -> memref<40960xf32, #tpu.memory_space<vmem_shared>>
      %dma_wait3A_191 = arith.constant 0 : i32
      %dma_wait3A_192 = tpu.memref_slice %arg11[%arg1, %dma_wait3A_191] : memref<16x40960xf32, #tpu.memory_space<vmem_shared>> -> memref<1x40960xf32, #tpu.memory_space<vmem_shared>>
      %dma_wait3A_193 = tpu.memref_squeeze %dma_wait3A_192 : memref<1x40960xf32, #tpu.memory_space<vmem_shared>> -> memref<40960xf32, #tpu.memory_space<vmem_shared>>
      tpu.wait_dma2 semaphore(%run_scoped3A : memref<!tpu.dma_semaphore, #tpu.memory_space<semaphore_mem>>) src(%arg10 : memref<40960xf32, #tpu.memory_space<vmem>>) dst(%dma_wait3A_193 : memref<40960xf32, #tpu.memory_space<vmem_shared>>)
      tpu.yield
    }) : () -> ()
    %barrier3A = arith.constant 0 : index
    tpu.barrier barrier_id(%barrier3A)
    %jit3A_91 = arith.constant 4 : i32
    %div3A_92 = arith.divsi %arg1, %jit3A_91 : i32
    %sign3A_93 = arith.constant 0 : i32
    %sign3A_94 = arith.cmpi sgt, %arg1, %sign3A_93 : i32
    %sign3A_95 = arith.extui %sign3A_94 : i1 to i32
    %sign3A_96 = arith.constant 0 : i32
    %sign3A_97 = arith.cmpi slt, %arg1, %sign3A_96 : i32
    %sign3A_98 = arith.extui %sign3A_97 : i1 to i32
    %sign3A_99 = arith.subi %sign3A_95, %sign3A_98 : i32
    %sign3A_100 = arith.constant 0 : i32
    %sign3A_101 = arith.cmpi sgt, %jit3A_91, %sign3A_100 : i32
    %sign3A_102 = arith.extui %sign3A_101 : i1 to i32
    %sign3A_103 = arith.constant 0 : i32
    %sign3A_104 = arith.cmpi slt, %jit3A_91, %sign3A_103 : i32
    %sign3A_105 = arith.extui %sign3A_104 : i1 to i32
    %sign3A_106 = arith.subi %sign3A_102, %sign3A_105 : i32
    %ne3A_107 = arith.cmpi ne, %sign3A_99, %sign3A_106 : i32
    %rem3A_108 = arith.remsi %arg1, %jit3A_91 : i32
    %ne3A_109 = arith.constant 0 : i32
    %ne3A_110 = arith.cmpi ne, %rem3A_108, %ne3A_109 : i32
    %and3A_111 = arith.andi %ne3A_107, %ne3A_110 : i1
    %sub3A_112 = arith.constant 1 : i32
    %sub3A_113 = arith.subi %div3A_92, %sub3A_112 : i32
    %select_n3A_114 = arith.select %and3A_111, %sub3A_113, %div3A_92 : i32
    %jit3A_115 = arith.constant 4 : i32
    %eq3A_116 = arith.constant 0 : i32
    %eq3A_117 = arith.cmpi eq, %jit3A_115, %eq3A_116 : i32
    %jit3A_118 = arith.constant 1 : i32
    %select_n3A_119 = arith.select %eq3A_117, %jit3A_118, %jit3A_115 : i32
    %rem3A_120 = arith.remsi %arg1, %select_n3A_119 : i32
    %ne3A_121 = arith.constant 0 : i32
    %ne3A_122 = arith.cmpi ne, %rem3A_120, %ne3A_121 : i32
    %lt3A_123 = arith.constant 0 : i32
    %lt3A_124 = arith.cmpi slt, %rem3A_120, %lt3A_123 : i32
    %lt3A_125 = arith.constant 0 : i32
    %lt3A_126 = arith.cmpi slt, %select_n3A_119, %lt3A_125 : i32
    %ne3A_127 = arith.xori %lt3A_124, %lt3A_126 : i1
    %and3A_128 = arith.andi %ne3A_127, %ne3A_122 : i1
    %add3A_129 = arith.addi %rem3A_120, %select_n3A_119 : i32
    %select_n3A_130 = arith.select %and3A_128, %add3A_129, %rem3A_120 : i32
    %mul3A_131 = arith.constant 5 : i32
    %mul3A_132 = arith.muli %select_n3A_130, %mul3A_131 : i32
    %mul3A_133 = arith.constant 4 : i32
    %mul3A_134 = arith.muli %mul3A_133, %select_n3A_114 : i32
    %mul3A_135 = arith.constant 2048 : i32
    %mul3A_136 = arith.muli %mul3A_132, %mul3A_135 : i32
    "tpu.region"() ({
      %run_scoped3A = tpu.sem_alloc : memref<!tpu.dma_semaphore, #tpu.memory_space<semaphore_mem>>
      %dma_start3A = arith.constant 0 : i32
      %dma_start3A_184 = tpu.memref_slice %arg10[%dma_start3A] : memref<40960xf32, #tpu.memory_space<vmem>> -> memref<10240xf32, #tpu.memory_space<vmem>>
      %dma_start3A_185 = tpu.memref_slice %arg11[%mul3A_134, %mul3A_136] : memref<16x40960xf32, #tpu.memory_space<vmem_shared>> -> memref<1x10240xf32, #tpu.memory_space<vmem_shared>>
      %dma_start3A_186 = tpu.memref_squeeze %dma_start3A_185 : memref<1x10240xf32, #tpu.memory_space<vmem_shared>> -> memref<10240xf32, #tpu.memory_space<vmem_shared>>
      %dma_start3A_187 = arith.constant 0 : i32
      %dma_start3A_188 = tpu.memref_slice %arg10[%dma_start3A_187] : memref<40960xf32, #tpu.memory_space<vmem>> -> memref<10240xf32, #tpu.memory_space<vmem>>
      %dma_start3A_189 = tpu.memref_slice %arg11[%mul3A_134, %mul3A_136] : memref<16x40960xf32, #tpu.memory_space<vmem_shared>> -> memref<1x10240xf32, #tpu.memory_space<vmem_shared>>
      %dma_start3A_190 = tpu.memref_squeeze %dma_start3A_189 : memref<1x10240xf32, #tpu.memory_space<vmem_shared>> -> memref<10240xf32, #tpu.memory_space<vmem_shared>>
      tpu.enqueue_dma source(%dma_start3A_190 : memref<10240xf32, #tpu.memory_space<vmem_shared>>) target(%dma_start3A_188 : memref<10240xf32, #tpu.memory_space<vmem>>) target_semaphore(%run_scoped3A : memref<!tpu.dma_semaphore, #tpu.memory_space<semaphore_mem>>)
      %dma_wait3A = arith.constant 0 : i32
      %dma_wait3A_191 = tpu.memref_slice %arg10[%dma_wait3A] : memref<40960xf32, #tpu.memory_space<vmem>> -> memref<10240xf32, #tpu.memory_space<vmem>>
      %dma_wait3A_192 = tpu.memref_slice %arg11[%mul3A_134, %mul3A_136] : memref<16x40960xf32, #tpu.memory_space<vmem_shared>> -> memref<1x10240xf32, #tpu.memory_space<vmem_shared>>
      %dma_wait3A_193 = tpu.memref_squeeze %dma_wait3A_192 : memref<1x10240xf32, #tpu.memory_space<vmem_shared>> -> memref<10240xf32, #tpu.memory_space<vmem_shared>>
      %dma_wait3A_194 = arith.constant 0 : i32
      %dma_wait3A_195 = tpu.memref_slice %arg10[%dma_wait3A_194] : memref<40960xf32, #tpu.memory_space<vmem>> -> memref<10240xf32, #tpu.memory_space<vmem>>
      %dma_wait3A_196 = tpu.memref_slice %arg11[%mul3A_134, %mul3A_136] : memref<16x40960xf32, #tpu.memory_space<vmem_shared>> -> memref<1x10240xf32, #tpu.memory_space<vmem_shared>>
      %dma_wait3A_197 = tpu.memref_squeeze %dma_wait3A_196 : memref<1x10240xf32, #tpu.memory_space<vmem_shared>> -> memref<10240xf32, #tpu.memory_space<vmem_shared>>
      tpu.wait_dma2 semaphore(%run_scoped3A : memref<!tpu.dma_semaphore, #tpu.memory_space<semaphore_mem>>) src(%dma_wait3A_197 : memref<10240xf32, #tpu.memory_space<vmem_shared>>) dst(%dma_wait3A_195 : memref<10240xf32, #tpu.memory_space<vmem>>)
      tpu.yield
    }) : () -> ()
    %mul3A_137 = arith.constant 4 : i32
    %mul3A_138 = arith.muli %mul3A_137, %select_n3A_114 : i32
    %add3A_139 = arith.constant 1 : i32
    %add3A_140 = arith.addi %mul3A_138, %add3A_139 : i32
    %mul3A_141 = arith.constant 2048 : i32
    %mul3A_142 = arith.muli %mul3A_132, %mul3A_141 : i32
    "tpu.region"() ({
      %run_scoped3A = tpu.sem_alloc : memref<!tpu.dma_semaphore, #tpu.memory_space<semaphore_mem>>
      %dma_start3A = arith.constant 10240 : i32
      %dma_start3A_184 = tpu.memref_slice %arg10[%dma_start3A] : memref<40960xf32, #tpu.memory_space<vmem>> -> memref<10240xf32, #tpu.memory_space<vmem>>
      %dma_start3A_185 = tpu.memref_slice %arg11[%add3A_140, %mul3A_142] : memref<16x40960xf32, #tpu.memory_space<vmem_shared>> -> memref<1x10240xf32, #tpu.memory_space<vmem_shared>>
      %dma_start3A_186 = tpu.memref_squeeze %dma_start3A_185 : memref<1x10240xf32, #tpu.memory_space<vmem_shared>> -> memref<10240xf32, #tpu.memory_space<vmem_shared>>
      %dma_start3A_187 = arith.constant 10240 : i32
      %dma_start3A_188 = tpu.memref_slice %arg10[%dma_start3A_187] : memref<40960xf32, #tpu.memory_space<vmem>> -> memref<10240xf32, #tpu.memory_space<vmem>>
      %dma_start3A_189 = tpu.memref_slice %arg11[%add3A_140, %mul3A_142] : memref<16x40960xf32, #tpu.memory_space<vmem_shared>> -> memref<1x10240xf32, #tpu.memory_space<vmem_shared>>
      %dma_start3A_190 = tpu.memref_squeeze %dma_start3A_189 : memref<1x10240xf32, #tpu.memory_space<vmem_shared>> -> memref<10240xf32, #tpu.memory_space<vmem_shared>>
      tpu.enqueue_dma source(%dma_start3A_190 : memref<10240xf32, #tpu.memory_space<vmem_shared>>) target(%dma_start3A_188 : memref<10240xf32, #tpu.memory_space<vmem>>) target_semaphore(%run_scoped3A : memref<!tpu.dma_semaphore, #tpu.memory_space<semaphore_mem>>)
      %dma_wait3A = arith.constant 10240 : i32
      %dma_wait3A_191 = tpu.memref_slice %arg10[%dma_wait3A] : memref<40960xf32, #tpu.memory_space<vmem>> -> memref<10240xf32, #tpu.memory_space<vmem>>
      %dma_wait3A_192 = tpu.memref_slice %arg11[%add3A_140, %mul3A_142] : memref<16x40960xf32, #tpu.memory_space<vmem_shared>> -> memref<1x10240xf32, #tpu.memory_space<vmem_shared>>
      %dma_wait3A_193 = tpu.memref_squeeze %dma_wait3A_192 : memref<1x10240xf32, #tpu.memory_space<vmem_shared>> -> memref<10240xf32, #tpu.memory_space<vmem_shared>>
      %dma_wait3A_194 = arith.constant 10240 : i32
      %dma_wait3A_195 = tpu.memref_slice %arg10[%dma_wait3A_194] : memref<40960xf32, #tpu.memory_space<vmem>> -> memref<10240xf32, #tpu.memory_space<vmem>>
      %dma_wait3A_196 = tpu.memref_slice %arg11[%add3A_140, %mul3A_142] : memref<16x40960xf32, #tpu.memory_space<vmem_shared>> -> memref<1x10240xf32, #tpu.memory_space<vmem_shared>>
      %dma_wait3A_197 = tpu.memref_squeeze %dma_wait3A_196 : memref<1x10240xf32, #tpu.memory_space<vmem_shared>> -> memref<10240xf32, #tpu.memory_space<vmem_shared>>
      tpu.wait_dma2 semaphore(%run_scoped3A : memref<!tpu.dma_semaphore, #tpu.memory_space<semaphore_mem>>) src(%dma_wait3A_197 : memref<10240xf32, #tpu.memory_space<vmem_shared>>) dst(%dma_wait3A_195 : memref<10240xf32, #tpu.memory_space<vmem>>)
      tpu.yield
    }) : () -> ()
    %scan3A_143 = arith.constant 0 : i32
    %scan3A_144 = arith.constant 640 : i32
    %scan3A_145 = arith.addi %scan3A_143, %scan3A_144 : i32
    %scan3A_146 = arith.constant 8 : i32
    scf.for %scan3A_184 = %scan3A_143 to %scan3A_145 step %scan3A_146  : i32 {
      %mul3A_185 = arith.constant 1 : i32
      %mul3A_186 = arith.muli %scan3A_184, %mul3A_185 : i32
      %add3A_187 = arith.constant 0 : i32
      %add3A_188 = arith.addi %add3A_187, %mul3A_186 : i32
      %mul3A_189 = arith.constant 16 : i32
      %mul3A_190 = arith.muli %add3A_188, %mul3A_189 : i32
      %get3A = arith.index_cast %mul3A_190 : i32 to index
      %get3A_191 = tpu.vector_load %arg10[%get3A] {strides = array<i32>} : memref<40960xf32, #tpu.memory_space<vmem>>, vector<16xf32>,
      %add3A_192 = arith.constant 10240 : i32
      %add3A_193 = arith.addi %add3A_192, %mul3A_190 : i32
      %get3A_194 = arith.index_cast %add3A_193 : i32 to index
      %get3A_195 = tpu.vector_load %arg10[%get3A_194] {strides = array<i32>} : memref<40960xf32, #tpu.memory_space<vmem>>, vector<16xf32>,
      %add3A_196 = arith.addf %get3A_191, %get3A_195 : vector<16xf32>
      %swap3A = arith.index_cast %mul3A_190 : i32 to index
      %swap3A_197 = tpu.vector_load %arg10[%swap3A] {strides = array<i32>} : memref<40960xf32, #tpu.memory_space<vmem>>, vector<16xf32>,
      tpu.vector_store %arg10[%swap3A], %add3A_196 {strides = array<i32>} : memref<40960xf32, #tpu.memory_space<vmem>>, vector<16xf32>,
      %scan3A_198 = arith.constant 1 : i32
      %scan3A_199 = arith.addi %scan3A_184, %scan3A_198 : i32
      %mul3A_200 = arith.constant 1 : i32
      %mul3A_201 = arith.muli %scan3A_199, %mul3A_200 : i32
      %add3A_202 = arith.constant 0 : i32
      %add3A_203 = arith.addi %add3A_202, %mul3A_201 : i32
      %mul3A_204 = arith.constant 16 : i32
      %mul3A_205 = arith.muli %add3A_203, %mul3A_204 : i32
      %get3A_206 = arith.index_cast %mul3A_205 : i32 to index
      %get3A_207 = tpu.vector_load %arg10[%get3A_206] {strides = array<i32>} : memref<40960xf32, #tpu.memory_space<vmem>>, vector<16xf32>,
      %add3A_208 = arith.constant 10240 : i32
      %add3A_209 = arith.addi %add3A_208, %mul3A_205 : i32
      %get3A_210 = arith.index_cast %add3A_209 : i32 to index
      %get3A_211 = tpu.vector_load %arg10[%get3A_210] {strides = array<i32>} : memref<40960xf32, #tpu.memory_space<vmem>>, vector<16xf32>,
      %add3A_212 = arith.addf %get3A_207, %get3A_211 : vector<16xf32>
      %swap3A_213 = arith.index_cast %mul3A_205 : i32 to index
      %swap3A_214 = tpu.vector_load %arg10[%swap3A_213] {strides = array<i32>} : memref<40960xf32, #tpu.memory_space<vmem>>, vector<16xf32>,
      tpu.vector_store %arg10[%swap3A_213], %add3A_212 {strides = array<i32>} : memref<40960xf32, #tpu.memory_space<vmem>>, vector<16xf32>,
      %scan3A_215 = arith.constant 2 : i32
      %scan3A_216 = arith.addi %scan3A_184, %scan3A_215 : i32
      %mul3A_217 = arith.constant 1 : i32
      %mul3A_218 = arith.muli %scan3A_216, %mul3A_217 : i32
      %add3A_219 = arith.constant 0 : i32
      %add3A_220 = arith.addi %add3A_219, %mul3A_218 : i32
      %mul3A_221 = arith.constant 16 : i32
      %mul3A_222 = arith.muli %add3A_220, %mul3A_221 : i32
      %get3A_223 = arith.index_cast %mul3A_222 : i32 to index
      %get3A_224 = tpu.vector_load %arg10[%get3A_223] {strides = array<i32>} : memref<40960xf32, #tpu.memory_space<vmem>>, vector<16xf32>,
      %add3A_225 = arith.constant 10240 : i32
      %add3A_226 = arith.addi %add3A_225, %mul3A_222 : i32
      %get3A_227 = arith.index_cast %add3A_226 : i32 to index
      %get3A_228 = tpu.vector_load %arg10[%get3A_227] {strides = array<i32>} : memref<40960xf32, #tpu.memory_space<vmem>>, vector<16xf32>,
      %add3A_229 = arith.addf %get3A_224, %get3A_228 : vector<16xf32>
      %swap3A_230 = arith.index_cast %mul3A_222 : i32 to index
      %swap3A_231 = tpu.vector_load %arg10[%swap3A_230] {strides = array<i32>} : memref<40960xf32, #tpu.memory_space<vmem>>, vector<16xf32>,
      tpu.vector_store %arg10[%swap3A_230], %add3A_229 {strides = array<i32>} : memref<40960xf32, #tpu.memory_space<vmem>>, vector<16xf32>,
      %scan3A_232 = arith.constant 3 : i32
      %scan3A_233 = arith.addi %scan3A_184, %scan3A_232 : i32
      %mul3A_234 = arith.constant 1 : i32
      %mul3A_235 = arith.muli %scan3A_233, %mul3A_234 : i32
      %add3A_236 = arith.constant 0 : i32
      %add3A_237 = arith.addi %add3A_236, %mul3A_235 : i32
      %mul3A_238 = arith.constant 16 : i32
      %mul3A_239 = arith.muli %add3A_237, %mul3A_238 : i32
      %get3A_240 = arith.index_cast %mul3A_239 : i32 to index
      %get3A_241 = tpu.vector_load %arg10[%get3A_240] {strides = array<i32>} : memref<40960xf32, #tpu.memory_space<vmem>>, vector<16xf32>,
      %add3A_242 = arith.constant 10240 : i32
      %add3A_243 = arith.addi %add3A_242, %mul3A_239 : i32
      %get3A_244 = arith.index_cast %add3A_243 : i32 to index
      %get3A_245 = tpu.vector_load %arg10[%get3A_244] {strides = array<i32>} : memref<40960xf32, #tpu.memory_space<vmem>>, vector<16xf32>,
      %add3A_246 = arith.addf %get3A_241, %get3A_245 : vector<16xf32>
      %swap3A_247 = arith.index_cast %mul3A_239 : i32 to index
      %swap3A_248 = tpu.vector_load %arg10[%swap3A_247] {strides = array<i32>} : memref<40960xf32, #tpu.memory_space<vmem>>, vector<16xf32>,
      tpu.vector_store %arg10[%swap3A_247], %add3A_246 {strides = array<i32>} : memref<40960xf32, #tpu.memory_space<vmem>>, vector<16xf32>,
      %scan3A_249 = arith.constant 4 : i32
      %scan3A_250 = arith.addi %scan3A_184, %scan3A_249 : i32
      %mul3A_251 = arith.constant 1 : i32
      %mul3A_252 = arith.muli %scan3A_250, %mul3A_251 : i32
      %add3A_253 = arith.constant 0 : i32
      %add3A_254 = arith.addi %add3A_253, %mul3A_252 : i32
      %mul3A_255 = arith.constant 16 : i32
      %mul3A_256 = arith.muli %add3A_254, %mul3A_255 : i32
      %get3A_257 = arith.index_cast %mul3A_256 : i32 to index
      %get3A_258 = tpu.vector_load %arg10[%get3A_257] {strides = array<i32>} : memref<40960xf32, #tpu.memory_space<vmem>>, vector<16xf32>,
      %add3A_259 = arith.constant 10240 : i32
      %add3A_260 = arith.addi %add3A_259, %mul3A_256 : i32
      %get3A_261 = arith.index_cast %add3A_260 : i32 to index
      %get3A_262 = tpu.vector_load %arg10[%get3A_261] {strides = array<i32>} : memref<40960xf32, #tpu.memory_space<vmem>>, vector<16xf32>,
      %add3A_263 = arith.addf %get3A_258, %get3A_262 : vector<16xf32>
      %swap3A_264 = arith.index_cast %mul3A_256 : i32 to index
      %swap3A_265 = tpu.vector_load %arg10[%swap3A_264] {strides = array<i32>} : memref<40960xf32, #tpu.memory_space<vmem>>, vector<16xf32>,
      tpu.vector_store %arg10[%swap3A_264], %add3A_263 {strides = array<i32>} : memref<40960xf32, #tpu.memory_space<vmem>>, vector<16xf32>,
      %scan3A_266 = arith.constant 5 : i32
      %scan3A_267 = arith.addi %scan3A_184, %scan3A_266 : i32
      %mul3A_268 = arith.constant 1 : i32
      %mul3A_269 = arith.muli %scan3A_267, %mul3A_268 : i32
      %add3A_270 = arith.constant 0 : i32
      %add3A_271 = arith.addi %add3A_270, %mul3A_269 : i32
      %mul3A_272 = arith.constant 16 : i32
      %mul3A_273 = arith.muli %add3A_271, %mul3A_272 : i32
      %get3A_274 = arith.index_cast %mul3A_273 : i32 to index
      %get3A_275 = tpu.vector_load %arg10[%get3A_274] {strides = array<i32>} : memref<40960xf32, #tpu.memory_space<vmem>>, vector<16xf32>,
      %add3A_276 = arith.constant 10240 : i32
      %add3A_277 = arith.addi %add3A_276, %mul3A_273 : i32
      %get3A_278 = arith.index_cast %add3A_277 : i32 to index
      %get3A_279 = tpu.vector_load %arg10[%get3A_278] {strides = array<i32>} : memref<40960xf32, #tpu.memory_space<vmem>>, vector<16xf32>,
      %add3A_280 = arith.addf %get3A_275, %get3A_279 : vector<16xf32>
      %swap3A_281 = arith.index_cast %mul3A_273 : i32 to index
      %swap3A_282 = tpu.vector_load %arg10[%swap3A_281] {strides = array<i32>} : memref<40960xf32, #tpu.memory_space<vmem>>, vector<16xf32>,
      tpu.vector_store %arg10[%swap3A_281], %add3A_280 {strides = array<i32>} : memref<40960xf32, #tpu.memory_space<vmem>>, vector<16xf32>,
      %scan3A_283 = arith.constant 6 : i32
      %scan3A_284 = arith.addi %scan3A_184, %scan3A_283 : i32
      %mul3A_285 = arith.constant 1 : i32
      %mul3A_286 = arith.muli %scan3A_284, %mul3A_285 : i32
      %add3A_287 = arith.constant 0 : i32
      %add3A_288 = arith.addi %add3A_287, %mul3A_286 : i32
      %mul3A_289 = arith.constant 16 : i32
      %mul3A_290 = arith.muli %add3A_288, %mul3A_289 : i32
      %get3A_291 = arith.index_cast %mul3A_290 : i32 to index
      %get3A_292 = tpu.vector_load %arg10[%get3A_291] {strides = array<i32>} : memref<40960xf32, #tpu.memory_space<vmem>>, vector<16xf32>,
      %add3A_293 = arith.constant 10240 : i32
      %add3A_294 = arith.addi %add3A_293, %mul3A_290 : i32
      %get3A_295 = arith.index_cast %add3A_294 : i32 to index
      %get3A_296 = tpu.vector_load %arg10[%get3A_295] {strides = array<i32>} : memref<40960xf32, #tpu.memory_space<vmem>>, vector<16xf32>,
      %add3A_297 = arith.addf %get3A_292, %get3A_296 : vector<16xf32>
      %swap3A_298 = arith.index_cast %mul3A_290 : i32 to index
      %swap3A_299 = tpu.vector_load %arg10[%swap3A_298] {strides = array<i32>} : memref<40960xf32, #tpu.memory_space<vmem>>, vector<16xf32>,
      tpu.vector_store %arg10[%swap3A_298], %add3A_297 {strides = array<i32>} : memref<40960xf32, #tpu.memory_space<vmem>>, vector<16xf32>,
      %scan3A_300 = arith.constant 7 : i32
      %scan3A_301 = arith.addi %scan3A_184, %scan3A_300 : i32
      %mul3A_302 = arith.constant 1 : i32
      %mul3A_303 = arith.muli %scan3A_301, %mul3A_302 : i32
      %add3A_304 = arith.constant 0 : i32
      %add3A_305 = arith.addi %add3A_304, %mul3A_303 : i32
      %mul3A_306 = arith.constant 16 : i32
      %mul3A_307 = arith.muli %add3A_305, %mul3A_306 : i32
      %get3A_308 = arith.index_cast %mul3A_307 : i32 to index
      %get3A_309 = tpu.vector_load %arg10[%get3A_308] {strides = array<i32>} : memref<40960xf32, #tpu.memory_space<vmem>>, vector<16xf32>,
      %add3A_310 = arith.constant 10240 : i32
      %add3A_311 = arith.addi %add3A_310, %mul3A_307 : i32
      %get3A_312 = arith.index_cast %add3A_311 : i32 to index
      %get3A_313 = tpu.vector_load %arg10[%get3A_312] {strides = array<i32>} : memref<40960xf32, #tpu.memory_space<vmem>>, vector<16xf32>,
      %add3A_314 = arith.addf %get3A_309, %get3A_313 : vector<16xf32>
      %swap3A_315 = arith.index_cast %mul3A_307 : i32 to index
      %swap3A_316 = tpu.vector_load %arg10[%swap3A_315] {strides = array<i32>} : memref<40960xf32, #tpu.memory_space<vmem>>, vector<16xf32>,
      tpu.vector_store %arg10[%swap3A_315], %add3A_314 {strides = array<i32>} : memref<40960xf32, #tpu.memory_space<vmem>>, vector<16xf32>,
    }
    %scan3A_147 = arith.constant 640 : i32
    %mul3A_148 = arith.constant 4 : i32
    %mul3A_149 = arith.muli %mul3A_148, %select_n3A_114 : i32
    %add3A_150 = arith.constant 2 : i32
    %add3A_151 = arith.addi %mul3A_149, %add3A_150 : i32
    %mul3A_152 = arith.constant 2048 : i32
    %mul3A_153 = arith.muli %mul3A_132, %mul3A_152 : i32
    "tpu.region"() ({
      %run_scoped3A = tpu.sem_alloc : memref<!tpu.dma_semaphore, #tpu.memory_space<semaphore_mem>>
      %dma_start3A = arith.constant 10240 : i32
      %dma_start3A_184 = tpu.memref_slice %arg10[%dma_start3A] : memref<40960xf32, #tpu.memory_space<vmem>> -> memref<10240xf32, #tpu.memory_space<vmem>>
      %dma_start3A_185 = tpu.memref_slice %arg11[%add3A_151, %mul3A_153] : memref<16x40960xf32, #tpu.memory_space<vmem_shared>> -> memref<1x10240xf32, #tpu.memory_space<vmem_shared>>
      %dma_start3A_186 = tpu.memref_squeeze %dma_start3A_185 : memref<1x10240xf32, #tpu.memory_space<vmem_shared>> -> memref<10240xf32, #tpu.memory_space<vmem_shared>>
      %dma_start3A_187 = arith.constant 10240 : i32
      %dma_start3A_188 = tpu.memref_slice %arg10[%dma_start3A_187] : memref<40960xf32, #tpu.memory_space<vmem>> -> memref<10240xf32, #tpu.memory_space<vmem>>
      %dma_start3A_189 = tpu.memref_slice %arg11[%add3A_151, %mul3A_153] : memref<16x40960xf32, #tpu.memory_space<vmem_shared>> -> memref<1x10240xf32, #tpu.memory_space<vmem_shared>>
      %dma_start3A_190 = tpu.memref_squeeze %dma_start3A_189 : memref<1x10240xf32, #tpu.memory_space<vmem_shared>> -> memref<10240xf32, #tpu.memory_space<vmem_shared>>
      tpu.enqueue_dma source(%dma_start3A_190 : memref<10240xf32, #tpu.memory_space<vmem_shared>>) target(%dma_start3A_188 : memref<10240xf32, #tpu.memory_space<vmem>>) target_semaphore(%run_scoped3A : memref<!tpu.dma_semaphore, #tpu.memory_space<semaphore_mem>>)
      %dma_wait3A = arith.constant 10240 : i32
      %dma_wait3A_191 = tpu.memref_slice %arg10[%dma_wait3A] : memref<40960xf32, #tpu.memory_space<vmem>> -> memref<10240xf32, #tpu.memory_space<vmem>>
      %dma_wait3A_192 = tpu.memref_slice %arg11[%add3A_151, %mul3A_153] : memref<16x40960xf32, #tpu.memory_space<vmem_shared>> -> memref<1x10240xf32, #tpu.memory_space<vmem_shared>>
      %dma_wait3A_193 = tpu.memref_squeeze %dma_wait3A_192 : memref<1x10240xf32, #tpu.memory_space<vmem_shared>> -> memref<10240xf32, #tpu.memory_space<vmem_shared>>
      %dma_wait3A_194 = arith.constant 10240 : i32
      %dma_wait3A_195 = tpu.memref_slice %arg10[%dma_wait3A_194] : memref<40960xf32, #tpu.memory_space<vmem>> -> memref<10240xf32, #tpu.memory_space<vmem>>
      %dma_wait3A_196 = tpu.memref_slice %arg11[%add3A_151, %mul3A_153] : memref<16x40960xf32, #tpu.memory_space<vmem_shared>> -> memref<1x10240xf32, #tpu.memory_space<vmem_shared>>
      %dma_wait3A_197 = tpu.memref_squeeze %dma_wait3A_196 : memref<1x10240xf32, #tpu.memory_space<vmem_shared>> -> memref<10240xf32, #tpu.memory_space<vmem_shared>>
      tpu.wait_dma2 semaphore(%run_scoped3A : memref<!tpu.dma_semaphore, #tpu.memory_space<semaphore_mem>>) src(%dma_wait3A_197 : memref<10240xf32, #tpu.memory_space<vmem_shared>>) dst(%dma_wait3A_195 : memref<10240xf32, #tpu.memory_space<vmem>>)
      tpu.yield
    }) : () -> ()
    %scan3A_154 = arith.constant 0 : i32
    %scan3A_155 = arith.constant 640 : i32
    %scan3A_156 = arith.addi %scan3A_154, %scan3A_155 : i32
    %scan3A_157 = arith.constant 8 : i32
    scf.for %scan3A_184 = %scan3A_154 to %scan3A_156 step %scan3A_157  : i32 {
      %mul3A_185 = arith.constant 1 : i32
      %mul3A_186 = arith.muli %scan3A_184, %mul3A_185 : i32
      %add3A_187 = arith.constant 0 : i32
      %add3A_188 = arith.addi %add3A_187, %mul3A_186 : i32
      %mul3A_189 = arith.constant 16 : i32
      %mul3A_190 = arith.muli %add3A_188, %mul3A_189 : i32
      %get3A = arith.index_cast %mul3A_190 : i32 to index
      %get3A_191 = tpu.vector_load %arg10[%get3A] {strides = array<i32>} : memref<40960xf32, #tpu.memory_space<vmem>>, vector<16xf32>,
      %add3A_192 = arith.constant 10240 : i32
      %add3A_193 = arith.addi %add3A_192, %mul3A_190 : i32
      %get3A_194 = arith.index_cast %add3A_193 : i32 to index
      %get3A_195 = tpu.vector_load %arg10[%get3A_194] {strides = array<i32>} : memref<40960xf32, #tpu.memory_space<vmem>>, vector<16xf32>,
      %add3A_196 = arith.addf %get3A_191, %get3A_195 : vector<16xf32>
      %swap3A = arith.index_cast %mul3A_190 : i32 to index
      %swap3A_197 = tpu.vector_load %arg10[%swap3A] {strides = array<i32>} : memref<40960xf32, #tpu.memory_space<vmem>>, vector<16xf32>,
      tpu.vector_store %arg10[%swap3A], %add3A_196 {strides = array<i32>} : memref<40960xf32, #tpu.memory_space<vmem>>, vector<16xf32>,
      %scan3A_198 = arith.constant 1 : i32
      %scan3A_199 = arith.addi %scan3A_184, %scan3A_198 : i32
      %mul3A_200 = arith.constant 1 : i32
      %mul3A_201 = arith.muli %scan3A_199, %mul3A_200 : i32
      %add3A_202 = arith.constant 0 : i32
      %add3A_203 = arith.addi %add3A_202, %mul3A_201 : i32
      %mul3A_204 = arith.constant 16 : i32
      %mul3A_205 = arith.muli %add3A_203, %mul3A_204 : i32
      %get3A_206 = arith.index_cast %mul3A_205 : i32 to index
      %get3A_207 = tpu.vector_load %arg10[%get3A_206] {strides = array<i32>} : memref<40960xf32, #tpu.memory_space<vmem>>, vector<16xf32>,
      %add3A_208 = arith.constant 10240 : i32
      %add3A_209 = arith.addi %add3A_208, %mul3A_205 : i32
      %get3A_210 = arith.index_cast %add3A_209 : i32 to index
      %get3A_211 = tpu.vector_load %arg10[%get3A_210] {strides = array<i32>} : memref<40960xf32, #tpu.memory_space<vmem>>, vector<16xf32>,
      %add3A_212 = arith.addf %get3A_207, %get3A_211 : vector<16xf32>
      %swap3A_213 = arith.index_cast %mul3A_205 : i32 to index
      %swap3A_214 = tpu.vector_load %arg10[%swap3A_213] {strides = array<i32>} : memref<40960xf32, #tpu.memory_space<vmem>>, vector<16xf32>,
      tpu.vector_store %arg10[%swap3A_213], %add3A_212 {strides = array<i32>} : memref<40960xf32, #tpu.memory_space<vmem>>, vector<16xf32>,
      %scan3A_215 = arith.constant 2 : i32
      %scan3A_216 = arith.addi %scan3A_184, %scan3A_215 : i32
      %mul3A_217 = arith.constant 1 : i32
      %mul3A_218 = arith.muli %scan3A_216, %mul3A_217 : i32
      %add3A_219 = arith.constant 0 : i32
      %add3A_220 = arith.addi %add3A_219, %mul3A_218 : i32
      %mul3A_221 = arith.constant 16 : i32
      %mul3A_222 = arith.muli %add3A_220, %mul3A_221 : i32
      %get3A_223 = arith.index_cast %mul3A_222 : i32 to index
      %get3A_224 = tpu.vector_load %arg10[%get3A_223] {strides = array<i32>} : memref<40960xf32, #tpu.memory_space<vmem>>, vector<16xf32>,
      %add3A_225 = arith.constant 10240 : i32
      %add3A_226 = arith.addi %add3A_225, %mul3A_222 : i32
      %get3A_227 = arith.index_cast %add3A_226 : i32 to index
      %get3A_228 = tpu.vector_load %arg10[%get3A_227] {strides = array<i32>} : memref<40960xf32, #tpu.memory_space<vmem>>, vector<16xf32>,
      %add3A_229 = arith.addf %get3A_224, %get3A_228 : vector<16xf32>
      %swap3A_230 = arith.index_cast %mul3A_222 : i32 to index
      %swap3A_231 = tpu.vector_load %arg10[%swap3A_230] {strides = array<i32>} : memref<40960xf32, #tpu.memory_space<vmem>>, vector<16xf32>,
      tpu.vector_store %arg10[%swap3A_230], %add3A_229 {strides = array<i32>} : memref<40960xf32, #tpu.memory_space<vmem>>, vector<16xf32>,
      %scan3A_232 = arith.constant 3 : i32
      %scan3A_233 = arith.addi %scan3A_184, %scan3A_232 : i32
      %mul3A_234 = arith.constant 1 : i32
      %mul3A_235 = arith.muli %scan3A_233, %mul3A_234 : i32
      %add3A_236 = arith.constant 0 : i32
      %add3A_237 = arith.addi %add3A_236, %mul3A_235 : i32
      %mul3A_238 = arith.constant 16 : i32
      %mul3A_239 = arith.muli %add3A_237, %mul3A_238 : i32
      %get3A_240 = arith.index_cast %mul3A_239 : i32 to index
      %get3A_241 = tpu.vector_load %arg10[%get3A_240] {strides = array<i32>} : memref<40960xf32, #tpu.memory_space<vmem>>, vector<16xf32>,
      %add3A_242 = arith.constant 10240 : i32
      %add3A_243 = arith.addi %add3A_242, %mul3A_239 : i32
      %get3A_244 = arith.index_cast %add3A_243 : i32 to index
      %get3A_245 = tpu.vector_load %arg10[%get3A_244] {strides = array<i32>} : memref<40960xf32, #tpu.memory_space<vmem>>, vector<16xf32>,
      %add3A_246 = arith.addf %get3A_241, %get3A_245 : vector<16xf32>
      %swap3A_247 = arith.index_cast %mul3A_239 : i32 to index
      %swap3A_248 = tpu.vector_load %arg10[%swap3A_247] {strides = array<i32>} : memref<40960xf32, #tpu.memory_space<vmem>>, vector<16xf32>,
      tpu.vector_store %arg10[%swap3A_247], %add3A_246 {strides = array<i32>} : memref<40960xf32, #tpu.memory_space<vmem>>, vector<16xf32>,
      %scan3A_249 = arith.constant 4 : i32
      %scan3A_250 = arith.addi %scan3A_184, %scan3A_249 : i32
      %mul3A_251 = arith.constant 1 : i32
      %mul3A_252 = arith.muli %scan3A_250, %mul3A_251 : i32
      %add3A_253 = arith.constant 0 : i32
      %add3A_254 = arith.addi %add3A_253, %mul3A_252 : i32
      %mul3A_255 = arith.constant 16 : i32
      %mul3A_256 = arith.muli %add3A_254, %mul3A_255 : i32
      %get3A_257 = arith.index_cast %mul3A_256 : i32 to index
      %get3A_258 = tpu.vector_load %arg10[%get3A_257] {strides = array<i32>} : memref<40960xf32, #tpu.memory_space<vmem>>, vector<16xf32>,
      %add3A_259 = arith.constant 10240 : i32
      %add3A_260 = arith.addi %add3A_259, %mul3A_256 : i32
      %get3A_261 = arith.index_cast %add3A_260 : i32 to index
      %get3A_262 = tpu.vector_load %arg10[%get3A_261] {strides = array<i32>} : memref<40960xf32, #tpu.memory_space<vmem>>, vector<16xf32>,
      %add3A_263 = arith.addf %get3A_258, %get3A_262 : vector<16xf32>
      %swap3A_264 = arith.index_cast %mul3A_256 : i32 to index
      %swap3A_265 = tpu.vector_load %arg10[%swap3A_264] {strides = array<i32>} : memref<40960xf32, #tpu.memory_space<vmem>>, vector<16xf32>,
      tpu.vector_store %arg10[%swap3A_264], %add3A_263 {strides = array<i32>} : memref<40960xf32, #tpu.memory_space<vmem>>, vector<16xf32>,
      %scan3A_266 = arith.constant 5 : i32
      %scan3A_267 = arith.addi %scan3A_184, %scan3A_266 : i32
      %mul3A_268 = arith.constant 1 : i32
      %mul3A_269 = arith.muli %scan3A_267, %mul3A_268 : i32
      %add3A_270 = arith.constant 0 : i32
      %add3A_271 = arith.addi %add3A_270, %mul3A_269 : i32
      %mul3A_272 = arith.constant 16 : i32
      %mul3A_273 = arith.muli %add3A_271, %mul3A_272 : i32
      %get3A_274 = arith.index_cast %mul3A_273 : i32 to index
      %get3A_275 = tpu.vector_load %arg10[%get3A_274] {strides = array<i32>} : memref<40960xf32, #tpu.memory_space<vmem>>, vector<16xf32>,
      %add3A_276 = arith.constant 10240 : i32
      %add3A_277 = arith.addi %add3A_276, %mul3A_273 : i32
      %get3A_278 = arith.index_cast %add3A_277 : i32 to index
      %get3A_279 = tpu.vector_load %arg10[%get3A_278] {strides = array<i32>} : memref<40960xf32, #tpu.memory_space<vmem>>, vector<16xf32>,
      %add3A_280 = arith.addf %get3A_275, %get3A_279 : vector<16xf32>
      %swap3A_281 = arith.index_cast %mul3A_273 : i32 to index
      %swap3A_282 = tpu.vector_load %arg10[%swap3A_281] {strides = array<i32>} : memref<40960xf32, #tpu.memory_space<vmem>>, vector<16xf32>,
      tpu.vector_store %arg10[%swap3A_281], %add3A_280 {strides = array<i32>} : memref<40960xf32, #tpu.memory_space<vmem>>, vector<16xf32>,
      %scan3A_283 = arith.constant 6 : i32
      %scan3A_284 = arith.addi %scan3A_184, %scan3A_283 : i32
      %mul3A_285 = arith.constant 1 : i32
      %mul3A_286 = arith.muli %scan3A_284, %mul3A_285 : i32
      %add3A_287 = arith.constant 0 : i32
      %add3A_288 = arith.addi %add3A_287, %mul3A_286 : i32
      %mul3A_289 = arith.constant 16 : i32
      %mul3A_290 = arith.muli %add3A_288, %mul3A_289 : i32
      %get3A_291 = arith.index_cast %mul3A_290 : i32 to index
      %get3A_292 = tpu.vector_load %arg10[%get3A_291] {strides = array<i32>} : memref<40960xf32, #tpu.memory_space<vmem>>, vector<16xf32>,
      %add3A_293 = arith.constant 10240 : i32
      %add3A_294 = arith.addi %add3A_293, %mul3A_290 : i32
      %get3A_295 = arith.index_cast %add3A_294 : i32 to index
      %get3A_296 = tpu.vector_load %arg10[%get3A_295] {strides = array<i32>} : memref<40960xf32, #tpu.memory_space<vmem>>, vector<16xf32>,
      %add3A_297 = arith.addf %get3A_292, %get3A_296 : vector<16xf32>
      %swap3A_298 = arith.index_cast %mul3A_290 : i32 to index
      %swap3A_299 = tpu.vector_load %arg10[%swap3A_298] {strides = array<i32>} : memref<40960xf32, #tpu.memory_space<vmem>>, vector<16xf32>,
      tpu.vector_store %arg10[%swap3A_298], %add3A_297 {strides = array<i32>} : memref<40960xf32, #tpu.memory_space<vmem>>, vector<16xf32>,
      %scan3A_300 = arith.constant 7 : i32
      %scan3A_301 = arith.addi %scan3A_184, %scan3A_300 : i32
      %mul3A_302 = arith.constant 1 : i32
      %mul3A_303 = arith.muli %scan3A_301, %mul3A_302 : i32
      %add3A_304 = arith.constant 0 : i32
      %add3A_305 = arith.addi %add3A_304, %mul3A_303 : i32
      %mul3A_306 = arith.constant 16 : i32
      %mul3A_307 = arith.muli %add3A_305, %mul3A_306 : i32
      %get3A_308 = arith.index_cast %mul3A_307 : i32 to index
      %get3A_309 = tpu.vector_load %arg10[%get3A_308] {strides = array<i32>} : memref<40960xf32, #tpu.memory_space<vmem>>, vector<16xf32>,
      %add3A_310 = arith.constant 10240 : i32
      %add3A_311 = arith.addi %add3A_310, %mul3A_307 : i32
      %get3A_312 = arith.index_cast %add3A_311 : i32 to index
      %get3A_313 = tpu.vector_load %arg10[%get3A_312] {strides = array<i32>} : memref<40960xf32, #tpu.memory_space<vmem>>, vector<16xf32>,
      %add3A_314 = arith.addf %get3A_309, %get3A_313 : vector<16xf32>
      %swap3A_315 = arith.index_cast %mul3A_307 : i32 to index
      %swap3A_316 = tpu.vector_load %arg10[%swap3A_315] {strides = array<i32>} : memref<40960xf32, #tpu.memory_space<vmem>>, vector<16xf32>,
      tpu.vector_store %arg10[%swap3A_315], %add3A_314 {strides = array<i32>} : memref<40960xf32, #tpu.memory_space<vmem>>, vector<16xf32>,
    }
    %scan3A_158 = arith.constant 640 : i32
    %mul3A_159 = arith.constant 4 : i32
    %mul3A_160 = arith.muli %mul3A_159, %select_n3A_114 : i32
    %add3A_161 = arith.constant 3 : i32
    %add3A_162 = arith.addi %mul3A_160, %add3A_161 : i32
    %mul3A_163 = arith.constant 2048 : i32
    %mul3A_164 = arith.muli %mul3A_132, %mul3A_163 : i32
    "tpu.region"() ({
      %run_scoped3A = tpu.sem_alloc : memref<!tpu.dma_semaphore, #tpu.memory_space<semaphore_mem>>
      %dma_start3A = arith.constant 10240 : i32
      %dma_start3A_184 = tpu.memref_slice %arg10[%dma_start3A] : memref<40960xf32, #tpu.memory_space<vmem>> -> memref<10240xf32, #tpu.memory_space<vmem>>
      %dma_start3A_185 = tpu.memref_slice %arg11[%add3A_162, %mul3A_164] : memref<16x40960xf32, #tpu.memory_space<vmem_shared>> -> memref<1x10240xf32, #tpu.memory_space<vmem_shared>>
      %dma_start3A_186 = tpu.memref_squeeze %dma_start3A_185 : memref<1x10240xf32, #tpu.memory_space<vmem_shared>> -> memref<10240xf32, #tpu.memory_space<vmem_shared>>
      %dma_start3A_187 = arith.constant 10240 : i32
      %dma_start3A_188 = tpu.memref_slice %arg10[%dma_start3A_187] : memref<40960xf32, #tpu.memory_space<vmem>> -> memref<10240xf32, #tpu.memory_space<vmem>>
      %dma_start3A_189 = tpu.memref_slice %arg11[%add3A_162, %mul3A_164] : memref<16x40960xf32, #tpu.memory_space<vmem_shared>> -> memref<1x10240xf32, #tpu.memory_space<vmem_shared>>
      %dma_start3A_190 = tpu.memref_squeeze %dma_start3A_189 : memref<1x10240xf32, #tpu.memory_space<vmem_shared>> -> memref<10240xf32, #tpu.memory_space<vmem_shared>>
      tpu.enqueue_dma source(%dma_start3A_190 : memref<10240xf32, #tpu.memory_space<vmem_shared>>) target(%dma_start3A_188 : memref<10240xf32, #tpu.memory_space<vmem>>) target_semaphore(%run_scoped3A : memref<!tpu.dma_semaphore, #tpu.memory_space<semaphore_mem>>)
      %dma_wait3A = arith.constant 10240 : i32
      %dma_wait3A_191 = tpu.memref_slice %arg10[%dma_wait3A] : memref<40960xf32, #tpu.memory_space<vmem>> -> memref<10240xf32, #tpu.memory_space<vmem>>
      %dma_wait3A_192 = tpu.memref_slice %arg11[%add3A_162, %mul3A_164] : memref<16x40960xf32, #tpu.memory_space<vmem_shared>> -> memref<1x10240xf32, #tpu.memory_space<vmem_shared>>
      %dma_wait3A_193 = tpu.memref_squeeze %dma_wait3A_192 : memref<1x10240xf32, #tpu.memory_space<vmem_shared>> -> memref<10240xf32, #tpu.memory_space<vmem_shared>>
      %dma_wait3A_194 = arith.constant 10240 : i32
      %dma_wait3A_195 = tpu.memref_slice %arg10[%dma_wait3A_194] : memref<40960xf32, #tpu.memory_space<vmem>> -> memref<10240xf32, #tpu.memory_space<vmem>>
      %dma_wait3A_196 = tpu.memref_slice %arg11[%add3A_162, %mul3A_164] : memref<16x40960xf32, #tpu.memory_space<vmem_shared>> -> memref<1x10240xf32, #tpu.memory_space<vmem_shared>>
      %dma_wait3A_197 = tpu.memref_squeeze %dma_wait3A_196 : memref<1x10240xf32, #tpu.memory_space<vmem_shared>> -> memref<10240xf32, #tpu.memory_space<vmem_shared>>
      tpu.wait_dma2 semaphore(%run_scoped3A : memref<!tpu.dma_semaphore, #tpu.memory_space<semaphore_mem>>) src(%dma_wait3A_197 : memref<10240xf32, #tpu.memory_space<vmem_shared>>) dst(%dma_wait3A_195 : memref<10240xf32, #tpu.memory_space<vmem>>)
      tpu.yield
    }) : () -> ()
    %scan3A_165 = arith.constant 0 : i32
    %scan3A_166 = arith.constant 640 : i32
    %scan3A_167 = arith.addi %scan3A_165, %scan3A_166 : i32
    %scan3A_168 = arith.constant 8 : i32
    scf.for %scan3A_184 = %scan3A_165 to %scan3A_167 step %scan3A_168  : i32 {
      %mul3A_185 = arith.constant 1 : i32
      %mul3A_186 = arith.muli %scan3A_184, %mul3A_185 : i32
      %add3A_187 = arith.constant 0 : i32
      %add3A_188 = arith.addi %add3A_187, %mul3A_186 : i32
      %mul3A_189 = arith.constant 16 : i32
      %mul3A_190 = arith.muli %add3A_188, %mul3A_189 : i32
      %get3A = arith.index_cast %mul3A_190 : i32 to index
      %get3A_191 = tpu.vector_load %arg10[%get3A] {strides = array<i32>} : memref<40960xf32, #tpu.memory_space<vmem>>, vector<16xf32>,
      %add3A_192 = arith.constant 10240 : i32
      %add3A_193 = arith.addi %add3A_192, %mul3A_190 : i32
      %get3A_194 = arith.index_cast %add3A_193 : i32 to index
      %get3A_195 = tpu.vector_load %arg10[%get3A_194] {strides = array<i32>} : memref<40960xf32, #tpu.memory_space<vmem>>, vector<16xf32>,
      %add3A_196 = arith.addf %get3A_191, %get3A_195 : vector<16xf32>
      %swap3A = arith.index_cast %mul3A_190 : i32 to index
      %swap3A_197 = tpu.vector_load %arg10[%swap3A] {strides = array<i32>} : memref<40960xf32, #tpu.memory_space<vmem>>, vector<16xf32>,
      tpu.vector_store %arg10[%swap3A], %add3A_196 {strides = array<i32>} : memref<40960xf32, #tpu.memory_space<vmem>>, vector<16xf32>,
      %scan3A_198 = arith.constant 1 : i32
      %scan3A_199 = arith.addi %scan3A_184, %scan3A_198 : i32
      %mul3A_200 = arith.constant 1 : i32
      %mul3A_201 = arith.muli %scan3A_199, %mul3A_200 : i32
      %add3A_202 = arith.constant 0 : i32
      %add3A_203 = arith.addi %add3A_202, %mul3A_201 : i32
      %mul3A_204 = arith.constant 16 : i32
      %mul3A_205 = arith.muli %add3A_203, %mul3A_204 : i32
      %get3A_206 = arith.index_cast %mul3A_205 : i32 to index
      %get3A_207 = tpu.vector_load %arg10[%get3A_206] {strides = array<i32>} : memref<40960xf32, #tpu.memory_space<vmem>>, vector<16xf32>,
      %add3A_208 = arith.constant 10240 : i32
      %add3A_209 = arith.addi %add3A_208, %mul3A_205 : i32
      %get3A_210 = arith.index_cast %add3A_209 : i32 to index
      %get3A_211 = tpu.vector_load %arg10[%get3A_210] {strides = array<i32>} : memref<40960xf32, #tpu.memory_space<vmem>>, vector<16xf32>,
      %add3A_212 = arith.addf %get3A_207, %get3A_211 : vector<16xf32>
      %swap3A_213 = arith.index_cast %mul3A_205 : i32 to index
      %swap3A_214 = tpu.vector_load %arg10[%swap3A_213] {strides = array<i32>} : memref<40960xf32, #tpu.memory_space<vmem>>, vector<16xf32>,
      tpu.vector_store %arg10[%swap3A_213], %add3A_212 {strides = array<i32>} : memref<40960xf32, #tpu.memory_space<vmem>>, vector<16xf32>,
      %scan3A_215 = arith.constant 2 : i32
      %scan3A_216 = arith.addi %scan3A_184, %scan3A_215 : i32
      %mul3A_217 = arith.constant 1 : i32
      %mul3A_218 = arith.muli %scan3A_216, %mul3A_217 : i32
      %add3A_219 = arith.constant 0 : i32
      %add3A_220 = arith.addi %add3A_219, %mul3A_218 : i32
      %mul3A_221 = arith.constant 16 : i32
      %mul3A_222 = arith.muli %add3A_220, %mul3A_221 : i32
      %get3A_223 = arith.index_cast %mul3A_222 : i32 to index
      %get3A_224 = tpu.vector_load %arg10[%get3A_223] {strides = array<i32>} : memref<40960xf32, #tpu.memory_space<vmem>>, vector<16xf32>,
      %add3A_225 = arith.constant 10240 : i32
      %add3A_226 = arith.addi %add3A_225, %mul3A_222 : i32
      %get3A_227 = arith.index_cast %add3A_226 : i32 to index
      %get3A_228 = tpu.vector_load %arg10[%get3A_227] {strides = array<i32>} : memref<40960xf32, #tpu.memory_space<vmem>>, vector<16xf32>,
      %add3A_229 = arith.addf %get3A_224, %get3A_228 : vector<16xf32>
      %swap3A_230 = arith.index_cast %mul3A_222 : i32 to index
      %swap3A_231 = tpu.vector_load %arg10[%swap3A_230] {strides = array<i32>} : memref<40960xf32, #tpu.memory_space<vmem>>, vector<16xf32>,
      tpu.vector_store %arg10[%swap3A_230], %add3A_229 {strides = array<i32>} : memref<40960xf32, #tpu.memory_space<vmem>>, vector<16xf32>,
      %scan3A_232 = arith.constant 3 : i32
      %scan3A_233 = arith.addi %scan3A_184, %scan3A_232 : i32
      %mul3A_234 = arith.constant 1 : i32
      %mul3A_235 = arith.muli %scan3A_233, %mul3A_234 : i32
      %add3A_236 = arith.constant 0 : i32
      %add3A_237 = arith.addi %add3A_236, %mul3A_235 : i32
      %mul3A_238 = arith.constant 16 : i32
      %mul3A_239 = arith.muli %add3A_237, %mul3A_238 : i32
      %get3A_240 = arith.index_cast %mul3A_239 : i32 to index
      %get3A_241 = tpu.vector_load %arg10[%get3A_240] {strides = array<i32>} : memref<40960xf32, #tpu.memory_space<vmem>>, vector<16xf32>,
      %add3A_242 = arith.constant 10240 : i32
      %add3A_243 = arith.addi %add3A_242, %mul3A_239 : i32
      %get3A_244 = arith.index_cast %add3A_243 : i32 to index
      %get3A_245 = tpu.vector_load %arg10[%get3A_244] {strides = array<i32>} : memref<40960xf32, #tpu.memory_space<vmem>>, vector<16xf32>,
      %add3A_246 = arith.addf %get3A_241, %get3A_245 : vector<16xf32>
      %swap3A_247 = arith.index_cast %mul3A_239 : i32 to index
      %swap3A_248 = tpu.vector_load %arg10[%swap3A_247] {strides = array<i32>} : memref<40960xf32, #tpu.memory_space<vmem>>, vector<16xf32>,
      tpu.vector_store %arg10[%swap3A_247], %add3A_246 {strides = array<i32>} : memref<40960xf32, #tpu.memory_space<vmem>>, vector<16xf32>,
      %scan3A_249 = arith.constant 4 : i32
      %scan3A_250 = arith.addi %scan3A_184, %scan3A_249 : i32
      %mul3A_251 = arith.constant 1 : i32
      %mul3A_252 = arith.muli %scan3A_250, %mul3A_251 : i32
      %add3A_253 = arith.constant 0 : i32
      %add3A_254 = arith.addi %add3A_253, %mul3A_252 : i32
      %mul3A_255 = arith.constant 16 : i32
      %mul3A_256 = arith.muli %add3A_254, %mul3A_255 : i32
      %get3A_257 = arith.index_cast %mul3A_256 : i32 to index
      %get3A_258 = tpu.vector_load %arg10[%get3A_257] {strides = array<i32>} : memref<40960xf32, #tpu.memory_space<vmem>>, vector<16xf32>,
      %add3A_259 = arith.constant 10240 : i32
      %add3A_260 = arith.addi %add3A_259, %mul3A_256 : i32
      %get3A_261 = arith.index_cast %add3A_260 : i32 to index
      %get3A_262 = tpu.vector_load %arg10[%get3A_261] {strides = array<i32>} : memref<40960xf32, #tpu.memory_space<vmem>>, vector<16xf32>,
      %add3A_263 = arith.addf %get3A_258, %get3A_262 : vector<16xf32>
      %swap3A_264 = arith.index_cast %mul3A_256 : i32 to index
      %swap3A_265 = tpu.vector_load %arg10[%swap3A_264] {strides = array<i32>} : memref<40960xf32, #tpu.memory_space<vmem>>, vector<16xf32>,
      tpu.vector_store %arg10[%swap3A_264], %add3A_263 {strides = array<i32>} : memref<40960xf32, #tpu.memory_space<vmem>>, vector<16xf32>,
      %scan3A_266 = arith.constant 5 : i32
      %scan3A_267 = arith.addi %scan3A_184, %scan3A_266 : i32
      %mul3A_268 = arith.constant 1 : i32
      %mul3A_269 = arith.muli %scan3A_267, %mul3A_268 : i32
      %add3A_270 = arith.constant 0 : i32
      %add3A_271 = arith.addi %add3A_270, %mul3A_269 : i32
      %mul3A_272 = arith.constant 16 : i32
      %mul3A_273 = arith.muli %add3A_271, %mul3A_272 : i32
      %get3A_274 = arith.index_cast %mul3A_273 : i32 to index
      %get3A_275 = tpu.vector_load %arg10[%get3A_274] {strides = array<i32>} : memref<40960xf32, #tpu.memory_space<vmem>>, vector<16xf32>,
      %add3A_276 = arith.constant 10240 : i32
      %add3A_277 = arith.addi %add3A_276, %mul3A_273 : i32
      %get3A_278 = arith.index_cast %add3A_277 : i32 to index
      %get3A_279 = tpu.vector_load %arg10[%get3A_278] {strides = array<i32>} : memref<40960xf32, #tpu.memory_space<vmem>>, vector<16xf32>,
      %add3A_280 = arith.addf %get3A_275, %get3A_279 : vector<16xf32>
      %swap3A_281 = arith.index_cast %mul3A_273 : i32 to index
      %swap3A_282 = tpu.vector_load %arg10[%swap3A_281] {strides = array<i32>} : memref<40960xf32, #tpu.memory_space<vmem>>, vector<16xf32>,
      tpu.vector_store %arg10[%swap3A_281], %add3A_280 {strides = array<i32>} : memref<40960xf32, #tpu.memory_space<vmem>>, vector<16xf32>,
      %scan3A_283 = arith.constant 6 : i32
      %scan3A_284 = arith.addi %scan3A_184, %scan3A_283 : i32
      %mul3A_285 = arith.constant 1 : i32
      %mul3A_286 = arith.muli %scan3A_284, %mul3A_285 : i32
      %add3A_287 = arith.constant 0 : i32
      %add3A_288 = arith.addi %add3A_287, %mul3A_286 : i32
      %mul3A_289 = arith.constant 16 : i32
      %mul3A_290 = arith.muli %add3A_288, %mul3A_289 : i32
      %get3A_291 = arith.index_cast %mul3A_290 : i32 to index
      %get3A_292 = tpu.vector_load %arg10[%get3A_291] {strides = array<i32>} : memref<40960xf32, #tpu.memory_space<vmem>>, vector<16xf32>,
      %add3A_293 = arith.constant 10240 : i32
      %add3A_294 = arith.addi %add3A_293, %mul3A_290 : i32
      %get3A_295 = arith.index_cast %add3A_294 : i32 to index
      %get3A_296 = tpu.vector_load %arg10[%get3A_295] {strides = array<i32>} : memref<40960xf32, #tpu.memory_space<vmem>>, vector<16xf32>,
      %add3A_297 = arith.addf %get3A_292, %get3A_296 : vector<16xf32>
      %swap3A_298 = arith.index_cast %mul3A_290 : i32 to index
      %swap3A_299 = tpu.vector_load %arg10[%swap3A_298] {strides = array<i32>} : memref<40960xf32, #tpu.memory_space<vmem>>, vector<16xf32>,
      tpu.vector_store %arg10[%swap3A_298], %add3A_297 {strides = array<i32>} : memref<40960xf32, #tpu.memory_space<vmem>>, vector<16xf32>,
      %scan3A_300 = arith.constant 7 : i32
      %scan3A_301 = arith.addi %scan3A_184, %scan3A_300 : i32
      %mul3A_302 = arith.constant 1 : i32
      %mul3A_303 = arith.muli %scan3A_301, %mul3A_302 : i32
      %add3A_304 = arith.constant 0 : i32
      %add3A_305 = arith.addi %add3A_304, %mul3A_303 : i32
      %mul3A_306 = arith.constant 16 : i32
      %mul3A_307 = arith.muli %add3A_305, %mul3A_306 : i32
      %get3A_308 = arith.index_cast %mul3A_307 : i32 to index
      %get3A_309 = tpu.vector_load %arg10[%get3A_308] {strides = array<i32>} : memref<40960xf32, #tpu.memory_space<vmem>>, vector<16xf32>,
      %add3A_310 = arith.constant 10240 : i32
      %add3A_311 = arith.addi %add3A_310, %mul3A_307 : i32
      %get3A_312 = arith.index_cast %add3A_311 : i32 to index
      %get3A_313 = tpu.vector_load %arg10[%get3A_312] {strides = array<i32>} : memref<40960xf32, #tpu.memory_space<vmem>>, vector<16xf32>,
      %add3A_314 = arith.addf %get3A_309, %get3A_313 : vector<16xf32>
      %swap3A_315 = arith.index_cast %mul3A_307 : i32 to index
      %swap3A_316 = tpu.vector_load %arg10[%swap3A_315] {strides = array<i32>} : memref<40960xf32, #tpu.memory_space<vmem>>, vector<16xf32>,
      tpu.vector_store %arg10[%swap3A_315], %add3A_314 {strides = array<i32>} : memref<40960xf32, #tpu.memory_space<vmem>>, vector<16xf32>,
    }
    %scan3A_169 = arith.constant 640 : i32
    %scan3A_170 = arith.constant 0.00999999977 : f32
    %scan3A_171 = arith.constant 0 : i32
    %scan3A_172 = arith.constant 640 : i32
    %scan3A_173 = arith.addi %scan3A_171, %scan3A_172 : i32
    %scan3A_174 = arith.constant 8 : i32
    scf.for %scan3A_184 = %scan3A_171 to %scan3A_173 step %scan3A_174  : i32 {
      %mul3A_185 = arith.constant 1 : i32
      %mul3A_186 = arith.muli %scan3A_184, %mul3A_185 : i32
      %add3A_187 = arith.constant 0 : i32
      %add3A_188 = arith.addi %add3A_187, %mul3A_186 : i32
      %mul3A_189 = arith.constant 16 : i32
      %mul3A_190 = arith.muli %add3A_188, %mul3A_189 : i32
      %get3A = arith.index_cast %mul3A_190 : i32 to index
      %get3A_191 = tpu.vector_load %arg10[%get3A] {strides = array<i32>} : memref<40960xf32, #tpu.memory_space<vmem>>, vector<16xf32>,
      %mul3A_192 = vector.broadcast %scan3A_170 : f32 to vector<16xf32>
      %mul3A_193 = arith.mulf %get3A_191, %mul3A_192 : vector<16xf32>
      %swap3A = arith.index_cast %mul3A_190 : i32 to index
      %swap3A_194 = tpu.vector_load %arg10[%swap3A] {strides = array<i32>} : memref<40960xf32, #tpu.memory_space<vmem>>, vector<16xf32>,
      tpu.vector_store %arg10[%swap3A], %mul3A_193 {strides = array<i32>} : memref<40960xf32, #tpu.memory_space<vmem>>, vector<16xf32>,
      %scan3A_195 = arith.constant 1 : i32
      %scan3A_196 = arith.addi %scan3A_184, %scan3A_195 : i32
      %mul3A_197 = arith.constant 1 : i32
      %mul3A_198 = arith.muli %scan3A_196, %mul3A_197 : i32
      %add3A_199 = arith.constant 0 : i32
      %add3A_200 = arith.addi %add3A_199, %mul3A_198 : i32
      %mul3A_201 = arith.constant 16 : i32
      %mul3A_202 = arith.muli %add3A_200, %mul3A_201 : i32
      %get3A_203 = arith.index_cast %mul3A_202 : i32 to index
      %get3A_204 = tpu.vector_load %arg10[%get3A_203] {strides = array<i32>} : memref<40960xf32, #tpu.memory_space<vmem>>, vector<16xf32>,
      %mul3A_205 = vector.broadcast %scan3A_170 : f32 to vector<16xf32>
      %mul3A_206 = arith.mulf %get3A_204, %mul3A_205 : vector<16xf32>
      %swap3A_207 = arith.index_cast %mul3A_202 : i32 to index
      %swap3A_208 = tpu.vector_load %arg10[%swap3A_207] {strides = array<i32>} : memref<40960xf32, #tpu.memory_space<vmem>>, vector<16xf32>,
      tpu.vector_store %arg10[%swap3A_207], %mul3A_206 {strides = array<i32>} : memref<40960xf32, #tpu.memory_space<vmem>>, vector<16xf32>,
      %scan3A_209 = arith.constant 2 : i32
      %scan3A_210 = arith.addi %scan3A_184, %scan3A_209 : i32
      %mul3A_211 = arith.constant 1 : i32
      %mul3A_212 = arith.muli %scan3A_210, %mul3A_211 : i32
      %add3A_213 = arith.constant 0 : i32
      %add3A_214 = arith.addi %add3A_213, %mul3A_212 : i32
      %mul3A_215 = arith.constant 16 : i32
      %mul3A_216 = arith.muli %add3A_214, %mul3A_215 : i32
      %get3A_217 = arith.index_cast %mul3A_216 : i32 to index
      %get3A_218 = tpu.vector_load %arg10[%get3A_217] {strides = array<i32>} : memref<40960xf32, #tpu.memory_space<vmem>>, vector<16xf32>,
      %mul3A_219 = vector.broadcast %scan3A_170 : f32 to vector<16xf32>
      %mul3A_220 = arith.mulf %get3A_218, %mul3A_219 : vector<16xf32>
      %swap3A_221 = arith.index_cast %mul3A_216 : i32 to index
      %swap3A_222 = tpu.vector_load %arg10[%swap3A_221] {strides = array<i32>} : memref<40960xf32, #tpu.memory_space<vmem>>, vector<16xf32>,
      tpu.vector_store %arg10[%swap3A_221], %mul3A_220 {strides = array<i32>} : memref<40960xf32, #tpu.memory_space<vmem>>, vector<16xf32>,
      %scan3A_223 = arith.constant 3 : i32
      %scan3A_224 = arith.addi %scan3A_184, %scan3A_223 : i32
      %mul3A_225 = arith.constant 1 : i32
      %mul3A_226 = arith.muli %scan3A_224, %mul3A_225 : i32
      %add3A_227 = arith.constant 0 : i32
      %add3A_228 = arith.addi %add3A_227, %mul3A_226 : i32
      %mul3A_229 = arith.constant 16 : i32
      %mul3A_230 = arith.muli %add3A_228, %mul3A_229 : i32
      %get3A_231 = arith.index_cast %mul3A_230 : i32 to index
      %get3A_232 = tpu.vector_load %arg10[%get3A_231] {strides = array<i32>} : memref<40960xf32, #tpu.memory_space<vmem>>, vector<16xf32>,
      %mul3A_233 = vector.broadcast %scan3A_170 : f32 to vector<16xf32>
      %mul3A_234 = arith.mulf %get3A_232, %mul3A_233 : vector<16xf32>
      %swap3A_235 = arith.index_cast %mul3A_230 : i32 to index
      %swap3A_236 = tpu.vector_load %arg10[%swap3A_235] {strides = array<i32>} : memref<40960xf32, #tpu.memory_space<vmem>>, vector<16xf32>,
      tpu.vector_store %arg10[%swap3A_235], %mul3A_234 {strides = array<i32>} : memref<40960xf32, #tpu.memory_space<vmem>>, vector<16xf32>,
      %scan3A_237 = arith.constant 4 : i32
      %scan3A_238 = arith.addi %scan3A_184, %scan3A_237 : i32
      %mul3A_239 = arith.constant 1 : i32
      %mul3A_240 = arith.muli %scan3A_238, %mul3A_239 : i32
      %add3A_241 = arith.constant 0 : i32
      %add3A_242 = arith.addi %add3A_241, %mul3A_240 : i32
      %mul3A_243 = arith.constant 16 : i32
      %mul3A_244 = arith.muli %add3A_242, %mul3A_243 : i32
      %get3A_245 = arith.index_cast %mul3A_244 : i32 to index
      %get3A_246 = tpu.vector_load %arg10[%get3A_245] {strides = array<i32>} : memref<40960xf32, #tpu.memory_space<vmem>>, vector<16xf32>,
      %mul3A_247 = vector.broadcast %scan3A_170 : f32 to vector<16xf32>
      %mul3A_248 = arith.mulf %get3A_246, %mul3A_247 : vector<16xf32>
      %swap3A_249 = arith.index_cast %mul3A_244 : i32 to index
      %swap3A_250 = tpu.vector_load %arg10[%swap3A_249] {strides = array<i32>} : memref<40960xf32, #tpu.memory_space<vmem>>, vector<16xf32>,
      tpu.vector_store %arg10[%swap3A_249], %mul3A_248 {strides = array<i32>} : memref<40960xf32, #tpu.memory_space<vmem>>, vector<16xf32>,
      %scan3A_251 = arith.constant 5 : i32
      %scan3A_252 = arith.addi %scan3A_184, %scan3A_251 : i32
      %mul3A_253 = arith.constant 1 : i32
      %mul3A_254 = arith.muli %scan3A_252, %mul3A_253 : i32
      %add3A_255 = arith.constant 0 : i32
      %add3A_256 = arith.addi %add3A_255, %mul3A_254 : i32
      %mul3A_257 = arith.constant 16 : i32
      %mul3A_258 = arith.muli %add3A_256, %mul3A_257 : i32
      %get3A_259 = arith.index_cast %mul3A_258 : i32 to index
      %get3A_260 = tpu.vector_load %arg10[%get3A_259] {strides = array<i32>} : memref<40960xf32, #tpu.memory_space<vmem>>, vector<16xf32>,
      %mul3A_261 = vector.broadcast %scan3A_170 : f32 to vector<16xf32>
      %mul3A_262 = arith.mulf %get3A_260, %mul3A_261 : vector<16xf32>
      %swap3A_263 = arith.index_cast %mul3A_258 : i32 to index
      %swap3A_264 = tpu.vector_load %arg10[%swap3A_263] {strides = array<i32>} : memref<40960xf32, #tpu.memory_space<vmem>>, vector<16xf32>,
      tpu.vector_store %arg10[%swap3A_263], %mul3A_262 {strides = array<i32>} : memref<40960xf32, #tpu.memory_space<vmem>>, vector<16xf32>,
      %scan3A_265 = arith.constant 6 : i32
      %scan3A_266 = arith.addi %scan3A_184, %scan3A_265 : i32
      %mul3A_267 = arith.constant 1 : i32
      %mul3A_268 = arith.muli %scan3A_266, %mul3A_267 : i32
      %add3A_269 = arith.constant 0 : i32
      %add3A_270 = arith.addi %add3A_269, %mul3A_268 : i32
      %mul3A_271 = arith.constant 16 : i32
      %mul3A_272 = arith.muli %add3A_270, %mul3A_271 : i32
      %get3A_273 = arith.index_cast %mul3A_272 : i32 to index
      %get3A_274 = tpu.vector_load %arg10[%get3A_273] {strides = array<i32>} : memref<40960xf32, #tpu.memory_space<vmem>>, vector<16xf32>,
      %mul3A_275 = vector.broadcast %scan3A_170 : f32 to vector<16xf32>
      %mul3A_276 = arith.mulf %get3A_274, %mul3A_275 : vector<16xf32>
      %swap3A_277 = arith.index_cast %mul3A_272 : i32 to index
      %swap3A_278 = tpu.vector_load %arg10[%swap3A_277] {strides = array<i32>} : memref<40960xf32, #tpu.memory_space<vmem>>, vector<16xf32>,
      tpu.vector_store %arg10[%swap3A_277], %mul3A_276 {strides = array<i32>} : memref<40960xf32, #tpu.memory_space<vmem>>, vector<16xf32>,
      %scan3A_279 = arith.constant 7 : i32
      %scan3A_280 = arith.addi %scan3A_184, %scan3A_279 : i32
      %mul3A_281 = arith.constant 1 : i32
      %mul3A_282 = arith.muli %scan3A_280, %mul3A_281 : i32
      %add3A_283 = arith.constant 0 : i32
      %add3A_284 = arith.addi %add3A_283, %mul3A_282 : i32
      %mul3A_285 = arith.constant 16 : i32
      %mul3A_286 = arith.muli %add3A_284, %mul3A_285 : i32
      %get3A_287 = arith.index_cast %mul3A_286 : i32 to index
      %get3A_288 = tpu.vector_load %arg10[%get3A_287] {strides = array<i32>} : memref<40960xf32, #tpu.memory_space<vmem>>, vector<16xf32>,
      %mul3A_289 = vector.broadcast %scan3A_170 : f32 to vector<16xf32>
      %mul3A_290 = arith.mulf %get3A_288, %mul3A_289 : vector<16xf32>
      %swap3A_291 = arith.index_cast %mul3A_286 : i32 to index
      %swap3A_292 = tpu.vector_load %arg10[%swap3A_291] {strides = array<i32>} : memref<40960xf32, #tpu.memory_space<vmem>>, vector<16xf32>,
      tpu.vector_store %arg10[%swap3A_291], %mul3A_290 {strides = array<i32>} : memref<40960xf32, #tpu.memory_space<vmem>>, vector<16xf32>,
    }
    %scan3A_175 = arith.constant 640 : i32
    %mul3A_176 = arith.constant 4 : i32
    %mul3A_177 = arith.muli %mul3A_176, %arg0 : i32
    %add3A_178 = arith.addi %mul3A_177, %select_n3A_114 : i32
    %mul3A_179 = arith.constant 20 : i32
    %mul3A_180 = arith.muli %add3A_178, %mul3A_179 : i32
    %add3A_181 = arith.addi %mul3A_180, %mul3A_132 : i32
    %mul3A_182 = arith.constant 2048 : i32
    %mul3A_183 = arith.muli %add3A_181, %mul3A_182 : i32
    "tpu.region"() ({
      %run_scoped3A = tpu.sem_alloc : memref<!tpu.dma_semaphore, #tpu.memory_space<semaphore_mem>>
      %dma_start3A = arith.constant 0 : i32
      %dma_start3A_184 = tpu.memref_slice %arg10[%dma_start3A] : memref<40960xf32, #tpu.memory_space<vmem>> -> memref<10240xf32, #tpu.memory_space<vmem>>
      %dma_start3A_185 = tpu.memref_slice %arg4[%mul3A_183] : memref<327680xf32, #tpu.memory_space<hbm>> -> memref<10240xf32, #tpu.memory_space<hbm>>
      %dma_start3A_186 = tpu.memref_slice %arg4[%mul3A_183] : memref<327680xf32, #tpu.memory_space<hbm>> -> memref<10240xf32, #tpu.memory_space<hbm>>
      %dma_start3A_187 = arith.constant 0 : i32
      %dma_start3A_188 = tpu.memref_slice %arg10[%dma_start3A_187] : memref<40960xf32, #tpu.memory_space<vmem>> -> memref<10240xf32, #tpu.memory_space<vmem>>
      tpu.enqueue_dma source(%dma_start3A_188 : memref<10240xf32, #tpu.memory_space<vmem>>) target(%dma_start3A_186 : memref<10240xf32, #tpu.memory_space<hbm>>) target_semaphore(%run_scoped3A : memref<!tpu.dma_semaphore, #tpu.memory_space<semaphore_mem>>)
      %dma_wait3A = arith.constant 0 : i32
      %dma_wait3A_189 = tpu.memref_slice %arg10[%dma_wait3A] : memref<40960xf32, #tpu.memory_space<vmem>> -> memref<10240xf32, #tpu.memory_space<vmem>>
      %dma_wait3A_190 = tpu.memref_slice %arg4[%mul3A_183] : memref<327680xf32, #tpu.memory_space<hbm>> -> memref<10240xf32, #tpu.memory_space<hbm>>
      %dma_wait3A_191 = tpu.memref_slice %arg4[%mul3A_183] : memref<327680xf32, #tpu.memory_space<hbm>> -> memref<10240xf32, #tpu.memory_space<hbm>>
      %dma_wait3A_192 = arith.constant 0 : i32
      %dma_wait3A_193 = tpu.memref_slice %arg10[%dma_wait3A_192] : memref<40960xf32, #tpu.memory_space<vmem>> -> memref<10240xf32, #tpu.memory_space<vmem>>
      tpu.wait_dma2 semaphore(%run_scoped3A : memref<!tpu.dma_semaphore, #tpu.memory_space<semaphore_mem>>) src(%dma_wait3A_193 : memref<10240xf32, #tpu.memory_space<vmem>>) dst(%dma_wait3A_191 : memref<10240xf32, #tpu.memory_space<hbm>>)
      tpu.yield
    }) : () -> ()
    return
  }
}

</mosaic_0001>

<sc_bundles>
// kernel: kernel.3.cloned.1.call-start
scs
__scs_entry_jumppad:
0x0: {  	(pc) =	sbr.rel $0x88, $3  }
0x1: {  	(tag) =	ssettag $0x0;
	lr =	simm.s32 $0x1  }
0x2: {  	[smem:$0x3FA0] =	sst lr;
	_ =	strace $0xD0000000  }
0x3: {  	_ = 	snop  }
0x4: {  	_ = 	snop  }
0x5: {  	_ = 	snop  }
0x6: {  	_ = 	snop  }
0x7: {  	_ = 	snop  }
__scs_overlays_trampoline_lowered:
0x8: {  	[smem:$0x3FAF] =	sst s0  }
0x9: {  	[smem:$0x3FB0] =	sst s1  }
0xa: {  	[smem:$0x3FB1] =	sst s2  }
0xb: {  	[smem:$0x3FB2] =	sst s3  }
0xc: {  	[smem:$0x3FB3] =	sst s4  }
0xd: {  	[smem:$0x3FB4] =	sst s5  }
0xe: {  	[smem:$0x3FB5] =	sst s6  }
0xf: {  	[smem:$0x3FB6] =	sst s7  }
0x10: {  	[smem:$0x3FB7] =	sst s8  }
0x11: {  	[smem:$0x3FB8] =	sst s9;
	s0 =	simm.s32 @!p0 $0x0  }
0x12: {  	s1 =	sld [smem:$0x3F9E];
	s0 =	simm.s32 @p0 $0x1  }
0x13: {  	[smem:$0x3FB9] =	sst s0;
	s0 =	simm.s32 @!p1 $0x0  }
0x14: {  	s2 =	sld [smem:$0x3F9D];
	s0 =	simm.s32 @p1 $0x1  }
0x15: {  	[smem:$0x3FBA] =	sst s0;
	s0 =	simm.s32 @!p2 $0x0  }
0x16: {  	s3 =	sld [smem:$0x3FDB];
	s0 =	simm.s32 @p2 $0x1  }
0x17: {  	s4 =	simm.s32 $0x1BF5;
	[smem:$0x3FBC] =	sst s0  }
0x18: {  	s0 =	sld [smem:$0x3F9F];
	_ =	swait.ge [sflag:s4], $0x0  }
0x19: {  	s7 =	sld [smem:$0x3FA0]  }
0x1a: {  	s8 =	sadd.s32 $0xFFFFE003, lr  }
0x1b: {  	s9 =	sadd.s32 $0xFFFFFEF7, lr;
	s5 =	simm.s32 $0xFFFFFFFF;
	p2 =	slt.u32 s8, $0xFFFFF086  }
0x1c: {  	p1 =	slt.u32 s9, $0xF7A;
	s5 =	simm.s32 @!p2 $0x0  }
0x1d: {  	s5 =	simm.s32 @p1 $0x1;
	p0 =	seq.s32 s7, s2  }
0x1e: {  	s7 =	smul.u32 @!p0 $0xF7A, s2;
	p2 =	seq.s32 @!p0 s5, $0x0  }
0x1f: {  	s9 =	smul.u32 $0xF7A, s1;
	s8 =	simm.s32 @!p0 $0x1BF5;
	p2 =	por !p2, p0  }
0x20: {  	[sflag:s8] =	ssyncset.s32 @!p0 $0xFFFFF086;
	s6 =	sadd.s32 @!p0 s3, s7;
	s7 =	simm.s32 @!p0 $0x108  }
0x21: {  	s3 =	sadd.s32 s3, s9;
	s6 =	sadd.s32 @!p0 $0x88, s6;
	s7 =	simm.s32 @p2 $0x1082  }
0x22: {  	[simem:s7], [sflag:s8] =	dma.local @!p0 [hbm:s6], $0xF7A  }
0x23: {  	s9 =	sor.u32 $0xD0000000, s2;
	s6 =	simm.s32 $0x108;
	_ =	swait.ge @!p0 [sflag:s8], $0x0  }
0x24: {  	s3 =	sadd.s32 $0x88, s3;
	s6 =	simm.s32 @!p1 $0x1082;
	[sflag:s4] =	ssyncset.s32 $0xFFFFF086  }
0x25: {  	[simem:s6], [sflag:s4] =	dma.local [hbm:s3], $0xF7A  }
0x26: {  	[smem:$0x3FA0] =	sst s1;
	(tag) =	ssettag s2;
	_ =	strace s9  }
0x27: {  	s1 =	sld [smem:$0x3FB0]  }
0x28: {  	s2 =	sld [smem:$0x3FB1]  }
0x29: {  	s4 =	sld [smem:$0x3FB3]  }
0x2a: {  	p0 =	seq.s32 s5, $0x0;
	s5 =	sld [smem:$0x3FB4]  }
0x2b: {  	s6 =	sld [smem:$0x3FB5]  }
0x2c: {  	s7 =	sld [smem:$0x3FB6]  }
0x2d: {  	s3 =	simm.s32 $0x108;
	s8 =	sld [smem:$0x3FB7]  }
0x2e: {  	s3 =	simm.s32 @!p0 $0x1082;
	s9 =	sld [smem:$0x3FB8]  }
0x2f: {  	lr =	sadd.s32 s0, s3;
	s0 =	sld [smem:$0x3FAF]  }
0x30: {  	s3 =	sld [smem:$0x3FB2]  }
0x31: {  	[smem:$0x3FBB] =	sst s10  }
0x32: {  	s10 =	sld [smem:$0x3FB9];
	_ =	sdelay $0x3  }
0x33: {  	p0 =	seq.s32 s10, $0x1;
	s10 =	sld [smem:$0x3FBB];
	_ =	sdelay $0x3  }
0x34: {  	[smem:$0x3FBB] =	sst s10  }
0x35: {  	s10 =	sld [smem:$0x3FBA];
	_ =	sdelay $0x3  }
0x36: {  	p1 =	seq.s32 s10, $0x1;
	s10 =	sld [smem:$0x3FBB];
	_ =	sdelay $0x3  }
0x37: {  	[smem:$0x3FBB] =	sst s10  }
0x38: {  	s10 =	sld [smem:$0x3FBC]  }
0x39: {  	_ = 	snop;
	(pc) =	sbr.ind lr, $3  }
0x3a: {  	_ = 	snop  }
0x3b: {  	_ = 	snop  }
0x3c: {  	p2 =	seq.s32 s10, $0x1;
	s10 =	sld [smem:$0x3FBB]  }
0x3d: {  	_ =	shalt  }
0x3e: {  	_ =	shalt  }
0x3f: {  	_ =	shalt  }
0x40: {  	_ =	shalt  }
0x41: {  	_ =	shalt  }
0x42: {  	_ =	shalt  }
0x43: {  	_ =	shalt  }
0x44: {  	_ =	shalt  }
0x45: {  	_ =	shalt  }
0x46: {  	_ =	shalt  }
0x47: {  	_ =	shalt  }
0x48: {  	_ =	shalt  }
0x49: {  	_ =	shalt  }
0x4a: {  	_ =	shalt  }
0x4b: {  	_ =	shalt  }
0x4c: {  	_ =	shalt  }
0x4d: {  	_ =	shalt  }
0x4e: {  	_ =	shalt  }
0x4f: {  	_ =	shalt  }
0x50: {  	_ =	shalt  }
0x51: {  	_ =	shalt  }
0x52: {  	_ =	shalt  }
0x53: {  	_ =	shalt  }
0x54: {  	_ =	shalt  }
0x55: {  	_ =	shalt  }
0x56: {  	_ =	shalt  }
0x57: {  	_ =	shalt  }
0x58: {  	_ =	shalt  }
0x59: {  	_ =	shalt  }
0x5a: {  	_ =	shalt  }
0x5b: {  	_ =	shalt  }
0x5c: {  	_ =	shalt  }
0x5d: {  	_ =	shalt  }
0x5e: {  	_ =	shalt  }
0x5f: {  	_ =	shalt  }
0x60: {  	_ =	shalt  }
0x61: {  	_ =	shalt  }
0x62: {  	_ =	shalt  }
0x63: {  	_ =	shalt  }
0x64: {  	_ =	shalt  }
0x65: {  	_ =	shalt  }
0x66: {  	_ =	shalt  }
0x67: {  	_ =	shalt  }
0x68: {  	_ =	shalt  }
0x69: {  	_ =	shalt  }
0x6a: {  	_ =	shalt  }
0x6b: {  	_ =	shalt  }
0x6c: {  	_ =	shalt  }
0x6d: {  	_ =	shalt  }
0x6e: {  	_ =	shalt  }
0x6f: {  	_ =	shalt  }
0x70: {  	_ =	shalt  }
0x71: {  	_ =	shalt  }
0x72: {  	_ =	shalt  }
0x73: {  	_ =	shalt  }
0x74: {  	_ =	shalt  }
0x75: {  	_ =	shalt  }
0x76: {  	_ =	shalt  }
0x77: {  	_ =	shalt  }
0x78: {  	_ =	shalt  }
0x79: {  	_ =	shalt  }
0x7a: {  	_ =	shalt  }
0x7b: {  	_ =	shalt  }
0x7c: {  	_ =	shalt  }
0x7d: {  	_ =	shalt  }
0x7e: {  	_ =	shalt  }
0x7f: {  	_ =	shalt  }
0x80: {  	_ =	shalt  }
0x81: {  	_ =	shalt  }
0x82: {  	_ =	shalt  }
0x83: {  	_ =	shalt  }
0x84: {  	_ =	shalt  }
0x85: {  	_ =	shalt  }
0x86: {  	_ =	shalt  }
0x87: {  	_ =	shalt  }
.Lfunc_end0:
.L_simem_size_0:
called_computation_lowered:
.L_overlay_start_0:
0x88: {  	s2 =	sld [smem:$0x3FD9]  }
0x89: {  	s3 =	sld [smem:$0x3FFE];
	_ =	sdelay $0x1  }
0x8a: {  	s1 =	srdreg.scid  }
0x8b: {  	s0 =	sand.u32 $0x1, s1  }
0x8c: {  	s17 =	sshll.u32 s0, $0xA;
	s2 =	sadd.s32 s3, s2  }
0x8d: {  	s2 =	sadd.s32 s2, s17  }
0x8e: {  	[smem:$0x3FC7] =	sst s2  }
0x8f: {  	_ = 	snop  }
0x90: {  	s2 =	sld [smem:$0x3FD0];
	(tm) =	ssettm $0x1  }
0x91: {  	s18 =	sld [smem:$0x3FFB];
	_ =	sdelay $0x3  }
0x92: {  	_ =	strace s18  }
0x93: {  	s3 =	sld [smem:$0x3FFC];
	_ =	sdelay $0x3  }
0x94: {  	_ =	strace s3  }
0x95: {  	s3 =	sld [smem:$0x3FFD];
	_ =	sdelay $0x3  }
0x96: {  	_ =	strace s3  }
0x97: {  	_ =	strace $0x8FFFFFFF  }
0x98: {  	s19 =	sld [smem:$0x3FDB];
	_ =	sdelay $0x1  }
0x99: {  	s4 =	simm.s32 $_scs_section_size  }
0x9a: {  	s5 =	simm.s32 $_size__tile_overlayer_lowered;
	s6 =	simm.s32 $_tile_overlayer_lowered  }
0x9b: {  	s22 =	simm.s32 $0x1BFF;
	s21 =	sshll.u32 s6, $0x1;
	s3 =	sadd.s32 s4, s19  }
0x9c: {  	s7 =	simm.s32 $0x0;
	s20 =	sshll.u32 s5, $0x1;
	s5 =	sadd.s32 s21, s3  }
0x9d: {  	[timem:s7], [sflag:s22] =	dma.local [hbm:s5], s20  }
0x9e: {  	_ =	swait.ge [sflag:s22], s20  }
0x9f: {  	s4 =	ssub.s32 $0x0, s20;
	[sflag:s22] =	ssyncset.done $0x0  }
0xa0: {  	[sflag:s22] =	ssyncadd.s32 s4;
	_ =	sdelay $0x1  }
0xa1: {  	s23 =	simm.s32 $0x1B8B  }
0xa2: {  	_ =	swait.ge [sflag:s23], $0x1  }
0xa3: {  	[sflag:s23] =	ssyncset.done $0x0  }
0xa4: {  	s25 =	simm.s32 $0x1B8E;
	s24 =	sld [smem:$0x3FFE];
	[sflag:s23] =	ssyncadd.s32 $0xFFFFFFFF  }
0xa5: {  	s26 =	simm.s32 $execute0_lowered;
	[smem:$0x3FD2] =	sst s25  }
0xa6: {  	s5 =	sshll.u32 s26, $0x1;
	_ =	strace $0x80000046;
	[dreg:$0x1] =	wrdreg $0xFFFFFFFF  }
0xa7: {  	s28 =	simm.s32 $_size_execute0_lowered;
	s3 =	sadd.s32 s3, s5;
	[dreg:$0x0] =	wrdreg $0x0  }
0xa8: {  	s5 =	sshll.u32 s28, $0x1;
	[dreg:$0x2] =	wrdreg s3  }
0xa9: {  	[dreg:$0x3] =	wrdreg s5  }
0xaa: {  	[dreg:$0x4] =	wrdreg $0xC0  }
0xab: {  	_ =	task [dreg:s7], $0x5FFFF  }
0xac: {  	[dreg:$0x1] =	wrdreg $0xFFFFFFFF  }
0xad: {  	[dreg:$0x0] =	wrdreg $0x60  }
0xae: {  	[dreg:$0x2] =	wrdreg s24  }
0xaf: {  	[dreg:$0x3] =	wrdreg s2  }
0xb0: {  	[dreg:$0x4] =	wrdreg $0x13E000  }
0xb1: {  	[dreg:$0x5] =	wrdreg $0x9  }
0xb2: {  	_ =	task.clear_ibuf [dreg:s7], $0x6FFFF;
	_ =	strace $0x90000046  }
0xb3: {  	s29 =	simm.s32 $0x9;
	_ =	strace $0x80000048  }
0xb4: {  	_ =	swait.ge [sflag:s29], $0x1  }
0xb5: {  	[sflag:s29] =	ssyncadd.s32 $0xFFFFFFFF  }
0xb6: {  	_ =	strace $0x90000048  }
0xb7: {  	_ =	sfence  }
0xb8: {  	s30 =	sld [smem:$0x0];
	_ =	sdelay $0x2  }
0xb9: {  	s31 =	sshll.u32 s1, $0xD;
	s1 =	sshrl.u32 s1, $0x2  }
0xba: {  	s3 =	sand.u32 $0x4000, s31;
	s1 =	sadd.s32 s1, s30  }
0xbb: {  	s0 =	sor.u32 s3, s0;
	s1 =	sshll.u32 s1, $0x11  }
0xbc: {  	s0 =	sor.u32 s1, s0  }
0xbd: {  	s0 =	sadd.s32 $0x8F2B, s0  }
0xbe: {  	[sflag:s0] =	ssyncadd.remote.s32 $0x1  }
0xbf: {  	_ =	sfence.sel $0xFFFF  }
0xc0: {  	[dreg:$0x0] =	wrdreg $0xFFFFFFFF;
	(pc) =	sbr.abs _section_cstart, $3  }
0xc1: {  	[dreg:$0x1] =	wrdreg $0xFFFFFFFF  }
0xc2: {  	_ =	task.clear_ibuf [dreg:s7], $0x2FFFF;
	_ =	strace $0x9FFFFFFF  }
0xc3: {  	(tm) =	ssettm $0x7FFFFFFF  }
tec
execute0_lowered:
.L_overlay_start_1:
0x0: {  	(tag) =	ssettag $0x1  }
0x1: {  	s6 =	rddreg [dreg:$0x0]  }
0x2: {  	s12 =	rddreg [dreg:$0x1]  }
0x3: {  	s7 =	rddreg [dreg:$0x2]  }
0x4: {  	s2 =	srdreg.scid;
	s0 =	rddreg [dreg:$0x3]  }
0x5: {  	s1 =	stileid.u32;
	s16 =	simm.s32 $0x1000;
	s17 =	simm.s32 $0x9800  }
0x6: {  	s18 =	simm.s32 $0x9C00;
	s19 =	simm.s32 $0x9E00;
	s20 =	simm.s32 $0x80  }
0x7: {  	s21 =	simm.s32 $0x400;
	s3 =	sand.u32 $0x1, s2;
	s9 =	sand.u32 $0x3, s1  }
0x8: {  	v0 =	vlaneseq.u32;
	s2 =	simm.s32 $0x0;
	s13 =	sshrl.u32 s1, $0x3;
	s11 =	smul.u32 $0x19, s9  }
0x9: {  	v1 =	vimm.f32 $0.0e+00;
	v36 =	vimm.f32 $-Inf;
	v38 =	vimm.f32 $1.000000000e+00;
	s4 =	sshrl.u32 s1, $0x2;
	s25 =	sshll.u32 s1, $0x7;
	s13 =	smul.u32 $0x140000, s13  }
0xa: {  	v2 =	vmul.u32 $0x11, v0;
	v3 =	vadd.s32 $0x11, v0;
	v4 =	vadd.s32 $0x22, v0;
	s5 =	sshll.u32 s3, $0x2;
	[smem:$0x7FF] =	sst s2;
	s24 =	smul.u32 $0x50000, s9  }
0xb: {  	v5 =	vadd.s32 $0x33, v0;
	v6 =	vadd.s32 $0x44, v0;
	v7 =	vadd.s32 $0x55, v0;
	s10 =	ssub.s32 $0x2, s3;
	s3 =	sadd.s32 $0xE00, s6;
	s15 =	smul.u32 $0x5, s9  }
0xc: {  	v8 =	vadd.s32 $0x66, v0;
	v9 =	vadd.s32 $0x77, v0;
	v10 =	vadd.s32 $0x88, v0;
	s28 =	sand.u32 $0x200, s25;
	s30 =	sand.u32 $0x380, s25;
	s8 =	sor.u32 s4, s5  }
0xd: {  	v11 =	vadd.s32 $0x99, v0;
	v12 =	vadd.s32 $0xAA, v0;
	v13 =	vadd.s32 $0xBB, v0;
	_ =	strace $0x80000047;
	s14 =	sshrl.u32 s10, $0x1;
	s4 =	sshll.u32 s8, $0x8  }
0xe: {  	v14 =	vadd.s32 $0xCC, v0;
	v15 =	vadd.s32 $0xDD, v0;
	v16 =	vadd.s32 $0xEE, v0;
	s23 =	smul.u32 $0x64, s8;
	s14 =	ssub.s32 s10, s14;
	s13 =	sshrl.u32 s13, $0x2  }
0xf: {  	v17 =	vadd.s32 $0xFF, v0;
	v18 =	vor.u32 $0x110, v0;
	v19 =	vadd.s32 $0x121, v0;
	s26 =	sshrl.u32 s24, $0x2;
	s29 =	smul.u32 $0x14, s8;
	s22 =	sadd.s32 s4, s6  }
0x10: {  	v20 =	vadd.s32 $0x132, v0;
	v21 =	vadd.s32 $0x143, v0;
	v22 =	vadd.s32 $0x154, v0;
	s13 =	sadd.s32 s13, s7;
	s6 =	sadd.s32 $0x1E00, s6;
	s4 =	sadd.s32 s11, s23  }
0x11: {  	v23 =	vadd.s32 $0x165, v0;
	v24 =	vadd.s32 $0x176, v0;
	v25 =	vadd.s32 $0x187, v0;
	s5 =	sadd.s32 $0x600, s22;
	s7 =	sadd.s32 s26, s13;
	s8 =	sadd.s32 s30, s13  }
0x12: {  	v26 =	vadd.s32 $0x198, v0;
	v27 =	vadd.s32 $0x1A9, v0;
	v28 =	vadd.s32 $0x1BA, v0;
	s31 =	sadd.s32 s15, s29;
	s15 =	simm.s32 $0x800;
	s22 =	simm.s32 $0xC600  }
0x13: {  	v29 =	vadd.s32 $0x1CB, v0;
	v32 =	vmul.u32 $0x10, v0;
	v33 =	vmul.u32 $0x800, v0;
	s23 =	simm.s32 $0x0;
	s7 =	sadd.s32 s28, s7;
	s13 =	sshll.u32 s31, $0x8  }
0x14: {  	v30 =	vadd.s32 $0x1DC, v0;
	v31 =	vadd.s32 $0x1ED, v0;
	v34 =	vadd.s32 $0x1FE, v0;
	s9 =	sadd.s32 $0x80, s7;
	s10 =	sadd.s32 $0x100, s7;
	s11 =	sadd.s32 $0x180, s7  }
0x15: {  	v35 =	vadd.s32 $0x20F, v0;
	v37 =	vor.u32 $0x100, v32;
	v39 =	vor.u32 $0x8000, v33;
	s12 =	sadd.s32 s12, s13;
	s13 =	smax.u32 s14, $0x1;
	s14 =	simm.s32 $0x1  }
.LBB2_1:
0x16: {  	s24 =	simm.s32 $0x9E40  }
0x17: {  	[tilespmem:s24+$0xFFFFFFC0] =	vst v1  }
0x18: {  	[tilespmem:s24+$0x30] =	vst v1  }
0x19: {  	[tilespmem:s24+$0x20] =	vst v1  }
0x1a: {  	[tilespmem:s24+$0x10] =	vst v1  }
0x1b: {  	[tilespmem:s24+$0x0] =	vst v1  }
0x1c: {  	[tilespmem:s24+$0xFFFFFFF0] =	vst v1  }
0x1d: {  	s25 =	simm.s32 $0x0;
	[tilespmem:s24+$0xFFFFFFE0] =	vst v1  }
.LBB2_2:
0x1e: {  	s25 =	sadd.s32 $0x8, s25;
	[tilespmem:s24+$0xFFFFFFD0] =	vst v1;
	s24 =	sadd.s32 $0x80, s24  }
0x1f: {  	[tilespmem:s24+$0xFFFFFFC0] =	vst v1;
	p0 =	slt.u32 s25, $0x9F8  }
0x20: {  	[tilespmem:s24+$0x30] =	vst v1  }
.Ltmp0:
0x21: {  	[tilespmem:s24+$0x20] =	vst v1;
	(pc) =	sbr.rel @p0 .LBB2_2-.Ltmp0, $4  }
0x22: {  	[tilespmem:s24+$0x10] =	vst v1  }
0x23: {  	[tilespmem:s24+$0x0] =	vst v1  }
0x24: {  	[tilespmem:s24+$0xFFFFFFF0] =	vst v1  }
0x25: {  	[tilespmem:s24+$0xFFFFFFE0] =	vst v1  }
0x26: {  	[tilespmem:s24+$0xFFFFFFD0] =	vst v1;
	s24 =	simm.s32 $0x0  }
0x27: {  	[tilespmem:s24], [sflag:$0x1] =	stream.linear.gather [hbm4b:s5+s24], $0x800, $0x38;
	[tilespmem:$0x1DE00] =	vst v63  }
0x28: {  	_ =	swait.ge [sflag:s14], $0x800  }
0x29: {  	[sflag:s14] =	ssyncset.done $0x0  }
0x2a: {  	[sflag:s14] =	ssyncadd.s32 $0xFFFFF800  }
.LBB2_4:
0x2b: {  	s25 =	sadd.s32 s4, s24  }
0x2c: {  	s25 =	sshll.u32 s25, $0x8  }
0x2d: {  	s25 =	sand.u32 $0x1FFFFF00, s25  }
0x2e: {  	s25 =	sadd.s32 s3, s25  }
0x2f: {  	[tilespmem:s15], [sflag:$0x1] =	stream.linear.gather [hbm4b:s25+s2], $0x800, $0x38;
	[tilespmem:$0x1DE00] =	vst v63  }
0x30: {  	_ =	swait.ge [sflag:s14], $0x800  }
0x31: {  	[sflag:s14] =	ssyncset.done $0x0  }
0x32: {  	s25 =	simm.s32 $0x840;
	[sflag:s14] =	ssyncadd.s32 $0xFFFFF800  }
0x33: {  	v41 =	vld [tilespmem:s25+$0xFFFFFFC0]  }
0x34: {  	s26 =	simm.s32 $0x40  }
0x35: {  	v42 =	vld [tilespmem:s26+$0xFFFFFFC0];
	_ =	sdelay $0x1  }
0x36: {  	v40 =	vadd.s32 s24, v2  }
0x37: {  	v41 =	vmul.f32 $5.000000070e-02, v41;
	_ =	sdelay $0x1  }
0x38: {  	v41 =	vadd.f32 v41, v42;
	_ =	sdelay $0x1  }
0x39: {  	[tilespmem:v40+s16+$0x0] =	vst.idx.msk $0xffff, v41  }
0x3a: {  	v41 =	vld [tilespmem:s25+$0xFFFFFFD0];
	_ =	sdelay $0x1  }
0x3b: {  	v51 =	vld [tilespmem:s26+$0xFFFFFFD0];
	_ =	sdelay $0x1  }
0x3c: {  	v43 =	vadd.s32 $0x110, v40  }
0x3d: {  	v41 =	vmul.f32 $5.000000070e-02, v41;
	_ =	sdelay $0x1  }
0x3e: {  	v41 =	vadd.f32 v41, v51;
	_ =	sdelay $0x1  }
0x3f: {  	[tilespmem:v43+s16+$0x0] =	vst.idx.msk $0xffff, v41  }
0x40: {  	v41 =	vld [tilespmem:s25+$0xFFFFFFE0];
	_ =	sdelay $0x1  }
0x41: {  	v52 =	vld [tilespmem:s26+$0xFFFFFFE0];
	_ =	sdelay $0x1  }
0x42: {  	v53 =	vadd.s32 $0x220, v40  }
0x43: {  	v41 =	vmul.f32 $5.000000070e-02, v41;
	_ =	sdelay $0x1  }
0x44: {  	v41 =	vadd.f32 v41, v52;
	_ =	sdelay $0x1  }
0x45: {  	[tilespmem:v53+s16+$0x0] =	vst.idx.msk $0xffff, v41  }
0x46: {  	v41 =	vld [tilespmem:s25+$0xFFFFFFF0];
	_ =	sdelay $0x1  }
0x47: {  	v54 =	vld [tilespmem:s26+$0xFFFFFFF0];
	_ =	sdelay $0x1  }
0x48: {  	v55 =	vadd.s32 $0x330, v40  }
0x49: {  	v41 =	vmul.f32 $5.000000070e-02, v41;
	_ =	sdelay $0x1  }
0x4a: {  	v41 =	vadd.f32 v41, v54;
	_ =	sdelay $0x1  }
0x4b: {  	[tilespmem:v55+s16+$0x0] =	vst.idx.msk $0xffff, v41  }
0x4c: {  	v41 =	vld [tilespmem:s25+$0x0];
	_ =	sdelay $0x1  }
0x4d: {  	v56 =	vld [tilespmem:s26+$0x0];
	_ =	sdelay $0x1  }
0x4e: {  	v57 =	vadd.s32 $0x440, v40  }
0x4f: {  	v41 =	vmul.f32 $5.000000070e-02, v41;
	_ =	sdelay $0x1  }
0x50: {  	v41 =	vadd.f32 v41, v56;
	_ =	sdelay $0x1  }
0x51: {  	[tilespmem:v57+s16+$0x0] =	vst.idx.msk $0xffff, v41  }
0x52: {  	v41 =	vld [tilespmem:s25+$0x10];
	_ =	sdelay $0x1  }
0x53: {  	v58 =	vld [tilespmem:s26+$0x10];
	_ =	sdelay $0x1  }
0x54: {  	v59 =	vadd.s32 $0x550, v40  }
0x55: {  	v41 =	vmul.f32 $5.000000070e-02, v41;
	_ =	sdelay $0x1  }
0x56: {  	v41 =	vadd.f32 v41, v58;
	_ =	sdelay $0x1  }
0x57: {  	[tilespmem:v59+s16+$0x0] =	vst.idx.msk $0xffff, v41  }
0x58: {  	v41 =	vld [tilespmem:s25+$0x20];
	_ =	sdelay $0x1  }
0x59: {  	v60 =	vld [tilespmem:s26+$0x20];
	_ =	sdelay $0x1  }
0x5a: {  	v61 =	vadd.s32 $0x660, v40  }
0x5b: {  	v41 =	vmul.f32 $5.000000070e-02, v41;
	_ =	sdelay $0x1  }
0x5c: {  	v41 =	vadd.f32 v41, v60;
	_ =	sdelay $0x1  }
0x5d: {  	[tilespmem:v61+s16+$0x0] =	vst.idx.msk $0xffff, v41  }
0x5e: {  	v41 =	vld [tilespmem:s25+$0x30];
	_ =	sdelay $0x2  }
0x5f: {  	v62 =	vld [tilespmem:s26+$0x30];
	_ =	sdelay $0x1  }
0x60: {  	v63 =	vmul.f32 $5.000000070e-02, v41;
	v41 =	vadd.s32 $0x770, v40;
	_ =	sdelay $0x2  }
0x61: {  	s28 =	simm.s32 $0x0;
	v42 =	vadd.f32 v63, v62  }
.LBB2_5:
0x62: {  	_ = 	snop  }
0x63: {  	s28 =	sadd.s32 $0x8, s28;
	v40 =	vadd.s32 $0x880, v40;
	s26 =	sadd.s32 $0x80, s26;
	s25 =	sadd.s32 $0x80, s25;
	[tilespmem:v41+s16+$0x0] =	vst.idx.msk $0xffff, v42  }
0x64: {  	p0 =	slt.u32 s28, $0x78;
	v41 =	vld [tilespmem:s25+$0xFFFFFFC0];
	_ =	sdelay $0x1  }
0x65: {  	v42 =	vld [tilespmem:s26+$0xFFFFFFC0];
	_ =	sdelay $0x2  }
0x66: {  	v41 =	vmul.f32 $5.000000070e-02, v41;
	_ =	sdelay $0x1  }
0x67: {  	v41 =	vadd.f32 v41, v42;
	_ =	sdelay $0x1  }
0x68: {  	[tilespmem:v40+s16+$0x0] =	vst.idx.msk $0xffff, v41  }
0x69: {  	v41 =	vld [tilespmem:s25+$0xFFFFFFD0];
	_ =	sdelay $0x1  }
0x6a: {  	v42 =	vld [tilespmem:s26+$0xFFFFFFD0];
	_ =	sdelay $0x1  }
0x6b: {  	v43 =	vadd.s32 $0x110, v40  }
0x6c: {  	v41 =	vmul.f32 $5.000000070e-02, v41;
	_ =	sdelay $0x1  }
0x6d: {  	v41 =	vadd.f32 v41, v42;
	_ =	sdelay $0x1  }
0x6e: {  	[tilespmem:v43+s16+$0x0] =	vst.idx.msk $0xffff, v41  }
0x6f: {  	v41 =	vld [tilespmem:s25+$0xFFFFFFE0];
	_ =	sdelay $0x1  }
0x70: {  	v42 =	vld [tilespmem:s26+$0xFFFFFFE0];
	_ =	sdelay $0x1  }
0x71: {  	v43 =	vadd.s32 $0x220, v40  }
0x72: {  	v41 =	vmul.f32 $5.000000070e-02, v41;
	_ =	sdelay $0x1  }
0x73: {  	v41 =	vadd.f32 v41, v42;
	_ =	sdelay $0x1  }
0x74: {  	[tilespmem:v43+s16+$0x0] =	vst.idx.msk $0xffff, v41  }
0x75: {  	v41 =	vld [tilespmem:s25+$0xFFFFFFF0];
	_ =	sdelay $0x1  }
0x76: {  	v42 =	vld [tilespmem:s26+$0xFFFFFFF0];
	_ =	sdelay $0x1  }
0x77: {  	v43 =	vadd.s32 $0x330, v40  }
0x78: {  	v41 =	vmul.f32 $5.000000070e-02, v41;
	_ =	sdelay $0x1  }
0x79: {  	v41 =	vadd.f32 v41, v42;
	_ =	sdelay $0x1  }
0x7a: {  	[tilespmem:v43+s16+$0x0] =	vst.idx.msk $0xffff, v41  }
0x7b: {  	v41 =	vld [tilespmem:s25+$0x0];
	_ =	sdelay $0x1  }
0x7c: {  	v42 =	vld [tilespmem:s26+$0x0];
	_ =	sdelay $0x1  }
0x7d: {  	v43 =	vadd.s32 $0x440, v40  }
0x7e: {  	v41 =	vmul.f32 $5.000000070e-02, v41;
	_ =	sdelay $0x1  }
0x7f: {  	v41 =	vadd.f32 v41, v42;
	_ =	sdelay $0x1  }
0x80: {  	[tilespmem:v43+s16+$0x0] =	vst.idx.msk $0xffff, v41  }
0x81: {  	v41 =	vld [tilespmem:s25+$0x10]  }
0x82: {  	v42 =	vld [tilespmem:s26+$0x10];
	_ =	sdelay $0x2  }
0x83: {  	v43 =	vadd.s32 $0x550, v40  }
0x84: {  	v41 =	vmul.f32 $5.000000070e-02, v41;
	_ =	sdelay $0x1  }
0x85: {  	v41 =	vadd.f32 v41, v42;
	_ =	sdelay $0x1  }
0x86: {  	[tilespmem:v43+s16+$0x0] =	vst.idx.msk $0xffff, v41  }
0x87: {  	v41 =	vld [tilespmem:s25+$0x20]  }
0x88: {  	v42 =	vld [tilespmem:s26+$0x20];
	_ =	sdelay $0x2  }
0x89: {  	v43 =	vadd.s32 $0x660, v40  }
0x8a: {  	v41 =	vmul.f32 $5.000000070e-02, v41;
	_ =	sdelay $0x1  }
0x8b: {  	v41 =	vadd.f32 v41, v42;
	_ =	sdelay $0x1  }
0x8c: {  	[tilespmem:v43+s16+$0x0] =	vst.idx.msk $0xffff, v41  }
0x8d: {  	v42 =	vld [tilespmem:s25+$0x30]  }
0x8e: {  	v43 =	vld [tilespmem:s26+$0x30];
	_ =	sdelay $0x1  }
.Ltmp1:
0x8f: {  	(pc) =	sbr.rel @p0 .LBB2_5-.Ltmp1, $3  }
0x90: {  	v41 =	vadd.s32 $0x770, v40  }
0x91: {  	v42 =	vmul.f32 $5.000000070e-02, v42;
	_ =	sdelay $0x1  }
0x92: {  	v42 =	vadd.f32 v42, v43  }
0x93: {  	s24 =	sadd.s32 $0x1, s24  }
0x94: {  	p0 =	sne.s32 s24, $0x10  }
.Ltmp2:
0x95: {  	_ = 	snop;
	(pc) =	sbr.rel @p0 .LBB2_4-.Ltmp2, $2  }
0x96: {  	_ =	sdelay $0x2  }
0x97: {  	[tilespmem:v41+s16+$0x0] =	vst.idx.msk $0xffff, v42  }
0x98: {  	s24 =	simm.s32 $0x0  }
0x99: {  	v40 =	vadd.s32 s24, v3  }
0x9a: {  	v41 =	vor.u32 s24, v0  }
0x9b: {  	v42 =	vadd.s32 s24, v4  }
0x9c: {  	v43 =	vadd.s32 s24, v5  }
0x9d: {  	v44 =	vadd.s32 s24, v6  }
0x9e: {  	v45 =	vadd.s32 s24, v7;
	v40 =	vld.idx.msk [tilespmem:v40+s16+$0x0], $0xffff  }
0x9f: {  	v46 =	vadd.s32 s24, v8;
	v41 =	vld.idx.msk [tilespmem:v41+s16+$0x0], $0xffff  }
0xa0: {  	v47 =	vadd.s32 s24, v9;
	v42 =	vld.idx.msk [tilespmem:v42+s16+$0x0], $0xffff  }
0xa1: {  	v48 =	vadd.s32 s24, v10;
	v43 =	vld.idx.msk [tilespmem:v43+s16+$0x0], $0xffff  }
0xa2: {  	v49 =	vadd.s32 s24, v11;
	v44 =	vld.idx.msk [tilespmem:v44+s16+$0x0], $0xffff  }
0xa3: {  	v50 =	vadd.s32 s24, v12;
	v45 =	vld.idx.msk [tilespmem:v45+s16+$0x0], $0xffff  }
0xa4: {  	v51 =	vadd.s32 s24, v13;
	v46 =	vld.idx.msk [tilespmem:v46+s16+$0x0], $0xffff;
	v40 =	vmax.f32 v41, v40  }
0xa5: {  	v60 =	vadd.s32 s24, v14;
	v59 =	vld.idx.msk [tilespmem:v47+s16+$0x0], $0xffff;
	v40 =	vmax.f32 v40, v42  }
0xa6: {  	v62 =	vadd.s32 s24, v15;
	v61 =	vld.idx.msk [tilespmem:v48+s16+$0x0], $0xffff;
	v40 =	vmax.f32 v40, v43  }
0xa7: {  	v63 =	vadd.s32 s24, v16;
	v43 =	vld.idx.msk [tilespmem:v49+s16+$0x0], $0xffff;
	v40 =	vmax.f32 v40, v44  }
0xa8: {  	v54 =	vadd.s32 s24, v17;
	v44 =	vld.idx.msk [tilespmem:v50+s16+$0x0], $0xffff;
	v40 =	vmax.f32 v40, v45  }
0xa9: {  	v56 =	vadd.s32 s24, v18;
	v55 =	vld.idx.msk [tilespmem:v51+s16+$0x0], $0xffff;
	v40 =	vmax.f32 v40, v46  }
0xaa: {  	v58 =	vadd.s32 s24, v19;
	v57 =	vld.idx.msk [tilespmem:v60+s16+$0x0], $0xffff;
	v40 =	vmax.f32 v40, v59  }
0xab: {  	v60 =	vadd.s32 s24, v20;
	v59 =	vld.idx.msk [tilespmem:v62+s16+$0x0], $0xffff;
	v40 =	vmax.f32 v40, v61  }
0xac: {  	v62 =	vadd.s32 s24, v21;
	v61 =	vld.idx.msk [tilespmem:v63+s16+$0x0], $0xffff;
	v40 =	vmax.f32 v40, v43  }
0xad: {  	v63 =	vadd.s32 s24, v22;
	v43 =	vld.idx.msk [tilespmem:v54+s16+$0x0], $0xffff;
	v40 =	vmax.f32 v40, v44  }
0xae: {  	v54 =	vadd.s32 s24, v23;
	v44 =	vld.idx.msk [tilespmem:v56+s16+$0x0], $0xffff;
	v40 =	vmax.f32 v40, v55  }
0xaf: {  	v56 =	vadd.s32 s24, v24;
	v55 =	vld.idx.msk [tilespmem:v58+s16+$0x0], $0xffff;
	v40 =	vmax.f32 v40, v57  }
0xb0: {  	v58 =	vadd.s32 s24, v25;
	v57 =	vld.idx.msk [tilespmem:v60+s16+$0x0], $0xffff;
	v40 =	vmax.f32 v40, v59  }
0xb1: {  	v60 =	vadd.s32 s24, v26;
	v59 =	vld.idx.msk [tilespmem:v62+s16+$0x0], $0xffff;
	v40 =	vmax.f32 v40, v61  }
0xb2: {  	v62 =	vadd.s32 s24, v27;
	v61 =	vld.idx.msk [tilespmem:v63+s16+$0x0], $0xffff;
	v40 =	vmax.f32 v40, v43  }
0xb3: {  	v63 =	vadd.s32 s24, v28;
	v43 =	vld.idx.msk [tilespmem:v54+s16+$0x0], $0xffff;
	v40 =	vmax.f32 v40, v44  }
0xb4: {  	v54 =	vadd.s32 s24, v29;
	v44 =	vld.idx.msk [tilespmem:v56+s16+$0x0], $0xffff;
	v40 =	vmax.f32 v40, v55  }
0xb5: {  	v56 =	vadd.s32 s24, v30;
	v55 =	vld.idx.msk [tilespmem:v58+s16+$0x0], $0xffff;
	v40 =	vmax.f32 v40, v57  }
0xb6: {  	v58 =	vadd.s32 s24, v31;
	v57 =	vld.idx.msk [tilespmem:v60+s16+$0x0], $0xffff;
	v40 =	vmax.f32 v40, v59  }
0xb7: {  	v60 =	vadd.s32 s24, v34;
	v59 =	vld.idx.msk [tilespmem:v62+s16+$0x0], $0xffff;
	v40 =	vmax.f32 v40, v61  }
0xb8: {  	v62 =	vadd.s32 s24, v35;
	v61 =	vld.idx.msk [tilespmem:v63+s16+$0x0], $0xffff;
	v40 =	vmax.f32 v40, v43  }
0xb9: {  	v63 =	vld.idx.msk [tilespmem:v54+s16+$0x0], $0xffff;
	v40 =	vmax.f32 v40, v44  }
0xba: {  	v48 =	vld.idx.msk [tilespmem:v56+s16+$0x0], $0xffff;
	v40 =	vmax.f32 v40, v55  }
0xbb: {  	v52 =	vld.idx.msk [tilespmem:v58+s16+$0x0], $0xffff;
	v40 =	vmax.f32 v40, v57  }
0xbc: {  	v53 =	vld.idx.msk [tilespmem:v60+s16+$0x0], $0xffff;
	v40 =	vmax.f32 v40, v59  }
0xbd: {  	v54 =	vld.idx.msk [tilespmem:v62+s16+$0x0], $0xffff;
	v40 =	vmax.f32 v40, v61  }
0xbe: {  	s26 =	simm.s32 $0x220;
	v40 =	vmax.f32 v40, v63  }
0xbf: {  	v55 =	vadd.s32 s26, v3;
	v40 =	vmax.f32 v40, v48  }
0xc0: {  	v56 =	vor.u32 s26, v0;
	v40 =	vmax.f32 v40, v52  }
0xc1: {  	v57 =	vadd.s32 s26, v4;
	v40 =	vmax.f32 v40, v53  }
0xc2: {  	s25 =	simm.s32 $0x9800;
	v58 =	vadd.s32 s26, v5;
	v40 =	vmax.f32 v40, v54  }
0xc3: {  	v59 =	vadd.s32 s26, v6;
	[tilespmem:s25+$0x0] =	vst v40  }
0xc4: {  	v60 =	vadd.s32 s26, v7;
	v40 =	vld.idx.msk [tilespmem:v55+s16+$0x0], $0xffff  }
0xc5: {  	v61 =	vadd.s32 s26, v8;
	v43 =	vld.idx.msk [tilespmem:v56+s16+$0x0], $0xffff  }
0xc6: {  	v62 =	vadd.s32 s26, v9;
	v44 =	vld.idx.msk [tilespmem:v57+s16+$0x0], $0xffff  }
0xc7: {  	v63 =	vadd.s32 s26, v10;
	v45 =	vld.idx.msk [tilespmem:v58+s16+$0x0], $0xffff  }
0xc8: {  	v54 =	vadd.s32 s26, v11;
	v41 =	vld.idx.msk [tilespmem:v59+s16+$0x0], $0xffff  }
0xc9: {  	v42 =	vld.idx.msk [tilespmem:v60+s16+$0x0], $0xffff;
	v55 =	vadd.s32 s26, v12  }
0xca: {  	v46 =	vld.idx.msk [tilespmem:v61+s16+$0x0], $0xffff;
	v56 =	vadd.s32 s26, v13;
	v40 =	vmax.f32 v43, v40  }
0xcb: {  	v57 =	vld.idx.msk [tilespmem:v62+s16+$0x0], $0xffff;
	v58 =	vadd.s32 s26, v14;
	v40 =	vmax.f32 v40, v44  }
0xcc: {  	v59 =	vld.idx.msk [tilespmem:v63+s16+$0x0], $0xffff;
	v60 =	vadd.s32 s26, v15;
	v40 =	vmax.f32 v40, v45  }
0xcd: {  	v62 =	vadd.s32 s26, v16;
	v61 =	vld.idx.msk [tilespmem:v54+s16+$0x0], $0xffff;
	v40 =	vmax.f32 v40, v41  }
0xce: {  	v63 =	vadd.s32 s26, v17;
	v41 =	vld.idx.msk [tilespmem:v55+s16+$0x0], $0xffff;
	v40 =	vmax.f32 v40, v42  }
0xcf: {  	v54 =	vadd.s32 s26, v18;
	v42 =	vld.idx.msk [tilespmem:v56+s16+$0x0], $0xffff;
	v40 =	vmax.f32 v40, v46  }
0xd0: {  	v55 =	vld.idx.msk [tilespmem:v58+s16+$0x0], $0xffff;
	v56 =	vadd.s32 s26, v19;
	v40 =	vmax.f32 v40, v57  }
0xd1: {  	v58 =	vadd.s32 s26, v20;
	v57 =	vld.idx.msk [tilespmem:v60+s16+$0x0], $0xffff;
	v40 =	vmax.f32 v40, v59  }
0xd2: {  	v60 =	vadd.s32 s26, v21;
	v59 =	vld.idx.msk [tilespmem:v62+s16+$0x0], $0xffff;
	v40 =	vmax.f32 v40, v61  }
0xd3: {  	v62 =	vadd.s32 s26, v22;
	v61 =	vld.idx.msk [tilespmem:v63+s16+$0x0], $0xffff;
	v40 =	vmax.f32 v40, v41  }
0xd4: {  	v63 =	vadd.s32 s26, v23;
	v41 =	vld.idx.msk [tilespmem:v54+s16+$0x0], $0xffff;
	v40 =	vmax.f32 v40, v42  }
0xd5: {  	v54 =	vadd.s32 s26, v24;
	v42 =	vld.idx.msk [tilespmem:v56+s16+$0x0], $0xffff;
	v40 =	vmax.f32 v40, v55  }
0xd6: {  	v56 =	vadd.s32 s26, v25;
	v55 =	vld.idx.msk [tilespmem:v58+s16+$0x0], $0xffff;
	v40 =	vmax.f32 v40, v57  }
0xd7: {  	v58 =	vadd.s32 s26, v26;
	v57 =	vld.idx.msk [tilespmem:v60+s16+$0x0], $0xffff;
	v40 =	vmax.f32 v40, v59  }
0xd8: {  	v60 =	vadd.s32 s26, v27;
	v59 =	vld.idx.msk [tilespmem:v62+s16+$0x0], $0xffff;
	v40 =	vmax.f32 v40, v61  }
0xd9: {  	v62 =	vadd.s32 s26, v28;
	v61 =	vld.idx.msk [tilespmem:v63+s16+$0x0], $0xffff;
	v40 =	vmax.f32 v40, v41  }
0xda: {  	v52 =	vadd.s32 s26, v29;
	v63 =	vld.idx.msk [tilespmem:v54+s16+$0x0], $0xffff;
	v40 =	vmax.f32 v40, v42  }
0xdb: {  	v54 =	vadd.s32 s26, v30;
	v53 =	vld.idx.msk [tilespmem:v56+s16+$0x0], $0xffff;
	v40 =	vmax.f32 v40, v55  }
0xdc: {  	v56 =	vadd.s32 s26, v31;
	v55 =	vld.idx.msk [tilespmem:v58+s16+$0x0], $0xffff;
	v40 =	vmax.f32 v40, v57  }
0xdd: {  	v57 =	vld.idx.msk [tilespmem:v60+s16+$0x0], $0xffff;
	v60 =	vadd.s32 s26, v34;
	v40 =	vmax.f32 v40, v59  }
0xde: {  	v58 =	vld.idx.msk [tilespmem:v62+s16+$0x0], $0xffff;
	v62 =	vadd.s32 s26, v35;
	v40 =	vmax.f32 v40, v61  }
0xdf: {  	v59 =	vld.idx.msk [tilespmem:v52+s16+$0x0], $0xffff;
	v40 =	vmax.f32 v40, v63  }
0xe0: {  	v61 =	vld.idx.msk [tilespmem:v54+s16+$0x0], $0xffff;
	v40 =	vmax.f32 v40, v53  }
0xe1: {  	v49 =	vld.idx.msk [tilespmem:v56+s16+$0x0], $0xffff;
	v40 =	vmax.f32 v40, v55  }
0xe2: {  	v42 =	vld.idx.msk [tilespmem:v60+s16+$0x0], $0xffff;
	v40 =	vmax.f32 v40, v57  }
0xe3: {  	v43 =	vld.idx.msk [tilespmem:v62+s16+$0x0], $0xffff;
	v40 =	vmax.f32 v40, v58  }
0xe4: {  	s26 =	simm.s32 $0x440;
	v40 =	vmax.f32 v40, v59  }
0xe5: {  	v41 =	vadd.s32 s26, v3;
	v63 =	vmax.f32 v40, v61  }
0xe6: {  	s28 =	simm.s32 $0x660;
	v40 =	vor.u32 s26, v0;
	v44 =	vmax.f32 v63, v49  }
.LBB2_8:
0xe7: {  	p0 =	sne.s32 s28, $0x85E0;
	v45 =	vadd.s32 s26, v4;
	v42 =	vmax.f32 v44, v42  }
0xe8: {  	v44 =	vadd.s32 s26, v5;
	s25 =	sadd.s32 $0x10, s25;
	v42 =	vmax.f32 v42, v43  }
0xe9: {  	v43 =	vadd.s32 s26, v6;
	[tilespmem:s25+$0x0] =	vst v42  }
0xea: {  	v42 =	vadd.s32 s26, v7;
	v41 =	vld.idx.msk [tilespmem:v41+s16+$0x0], $0xffff  }
0xeb: {  	v46 =	vadd.s32 s26, v8;
	v40 =	vld.idx.msk [tilespmem:v40+s16+$0x0], $0xffff  }
0xec: {  	v47 =	vadd.s32 s26, v9;
	v45 =	vld.idx.msk [tilespmem:v45+s16+$0x0], $0xffff  }
0xed: {  	v48 =	vadd.s32 s26, v10;
	v44 =	vld.idx.msk [tilespmem:v44+s16+$0x0], $0xffff  }
0xee: {  	v49 =	vadd.s32 s26, v11;
	v43 =	vld.idx.msk [tilespmem:v43+s16+$0x0], $0xffff  }
0xef: {  	v50 =	vadd.s32 s26, v12;
	v42 =	vld.idx.msk [tilespmem:v42+s16+$0x0], $0xffff  }
0xf0: {  	v51 =	vadd.s32 s26, v13;
	v46 =	vld.idx.msk [tilespmem:v46+s16+$0x0], $0xffff  }
0xf1: {  	v40 =	vmax.f32 v40, v41;
	v41 =	vld.idx.msk [tilespmem:v47+s16+$0x0], $0xffff;
	v47 =	vadd.s32 s26, v14  }
0xf2: {  	v40 =	vmax.f32 v40, v45;
	v45 =	vld.idx.msk [tilespmem:v48+s16+$0x0], $0xffff;
	v48 =	vadd.s32 s26, v15  }
0xf3: {  	v40 =	vmax.f32 v40, v44;
	v44 =	vld.idx.msk [tilespmem:v49+s16+$0x0], $0xffff;
	v49 =	vadd.s32 s26, v16  }
0xf4: {  	v40 =	vmax.f32 v40, v43;
	v43 =	vld.idx.msk [tilespmem:v50+s16+$0x0], $0xffff;
	v50 =	vadd.s32 s26, v17  }
0xf5: {  	v40 =	vmax.f32 v40, v42;
	v42 =	vld.idx.msk [tilespmem:v51+s16+$0x0], $0xffff;
	v51 =	vadd.s32 s26, v18  }
0xf6: {  	v40 =	vmax.f32 v40, v46;
	v46 =	vld.idx.msk [tilespmem:v47+s16+$0x0], $0xffff;
	v47 =	vadd.s32 s26, v19  }
0xf7: {  	v40 =	vmax.f32 v40, v41;
	v41 =	vld.idx.msk [tilespmem:v48+s16+$0x0], $0xffff;
	v48 =	vadd.s32 s26, v20  }
0xf8: {  	v40 =	vmax.f32 v40, v45;
	v45 =	vld.idx.msk [tilespmem:v49+s16+$0x0], $0xffff;
	v49 =	vadd.s32 s26, v21  }
0xf9: {  	v40 =	vmax.f32 v40, v44;
	v44 =	vld.idx.msk [tilespmem:v50+s16+$0x0], $0xffff;
	v50 =	vadd.s32 s26, v22  }
0xfa: {  	v40 =	vmax.f32 v40, v43;
	v43 =	vld.idx.msk [tilespmem:v51+s16+$0x0], $0xffff;
	v51 =	vadd.s32 s26, v23  }
0xfb: {  	v40 =	vmax.f32 v40, v42;
	v42 =	vld.idx.msk [tilespmem:v47+s16+$0x0], $0xffff;
	v47 =	vadd.s32 s26, v24  }
0xfc: {  	v40 =	vmax.f32 v40, v46;
	v46 =	vld.idx.msk [tilespmem:v48+s16+$0x0], $0xffff;
	v48 =	vadd.s32 s26, v25  }
0xfd: {  	v40 =	vmax.f32 v40, v41;
	v41 =	vld.idx.msk [tilespmem:v49+s16+$0x0], $0xffff;
	v49 =	vadd.s32 s26, v26  }
0xfe: {  	v40 =	vmax.f32 v40, v45;
	v45 =	vld.idx.msk [tilespmem:v50+s16+$0x0], $0xffff;
	v50 =	vadd.s32 s26, v27  }
0xff: {  	v40 =	vmax.f32 v40, v44;
	v44 =	vld.idx.msk [tilespmem:v51+s16+$0x0], $0xffff;
	v51 =	vadd.s32 s26, v28  }
0x100: {  	v40 =	vmax.f32 v40, v43;
	v43 =	vld.idx.msk [tilespmem:v47+s16+$0x0], $0xffff;
	v47 =	vadd.s32 s26, v29  }
0x101: {  	v40 =	vmax.f32 v40, v42;
	v42 =	vld.idx.msk [tilespmem:v48+s16+$0x0], $0xffff;
	v48 =	vadd.s32 s26, v30  }
0x102: {  	v40 =	vmax.f32 v40, v46;
	v46 =	vld.idx.msk [tilespmem:v49+s16+$0x0], $0xffff;
	v49 =	vadd.s32 s26, v31  }
0x103: {  	v40 =	vmax.f32 v40, v41;
	v41 =	vld.idx.msk [tilespmem:v50+s16+$0x0], $0xffff;
	v50 =	vadd.s32 s26, v34  }
0x104: {  	v40 =	vmax.f32 v40, v45;
	v45 =	vld.idx.msk [tilespmem:v51+s16+$0x0], $0xffff;
	v51 =	vadd.s32 s26, v35;
	s26 =	smov.u32 s28  }
0x105: {  	v40 =	vmax.f32 v40, v44;
	v44 =	vld.idx.msk [tilespmem:v47+s16+$0x0], $0xffff  }
0x106: {  	v40 =	vmax.f32 v40, v43;
	v47 =	vld.idx.msk [tilespmem:v48+s16+$0x0], $0xffff  }
0x107: {  	v40 =	vmax.f32 v40, v42;
	v48 =	vld.idx.msk [tilespmem:v49+s16+$0x0], $0xffff  }
0x108: {  	v40 =	vmax.f32 v40, v46;
	v42 =	vld.idx.msk [tilespmem:v50+s16+$0x0], $0xffff  }
.Ltmp3:
0x109: {  	v40 =	vmax.f32 v40, v41;
	v43 =	vld.idx.msk [tilespmem:v51+s16+$0x0], $0xffff;
	(pc) =	sbr.rel @p0 .LBB2_8-.Ltmp3, $4  }
0x10a: {  	v40 =	vmax.f32 v40, v45  }
0x10b: {  	v40 =	vmax.f32 v40, v44  }
0x10c: {  	v41 =	vadd.s32 s28, v3;
	v44 =	vmax.f32 v40, v47  }
0x10d: {  	s28 =	sadd.s32 $0x220, s28;
	v40 =	vor.u32 s26, v0;
	v44 =	vmax.f32 v44, v48  }
0x10e: {  	_ = 	snop  }
0x10f: {  	v45 =	vadd.s32 s26, v4;
	v42 =	vmax.f32 v44, v42  }
0x110: {  	v52 =	vadd.s32 s26, v5;
	s25 =	sadd.s32 $0x10, s25;
	v42 =	vmax.f32 v42, v43  }
0x111: {  	v53 =	vadd.s32 s26, v6;
	[tilespmem:s25+$0x0] =	vst v42  }
0x112: {  	v54 =	vadd.s32 s26, v7;
	v41 =	vld.idx.msk [tilespmem:v41+s16+$0x0], $0xffff  }
0x113: {  	v46 =	vadd.s32 s26, v8;
	v40 =	vld.idx.msk [tilespmem:v40+s16+$0x0], $0xffff  }
0x114: {  	v47 =	vadd.s32 s26, v9;
	v45 =	vld.idx.msk [tilespmem:v45+s16+$0x0], $0xffff  }
0x115: {  	v48 =	vadd.s32 s26, v10;
	v44 =	vld.idx.msk [tilespmem:v52+s16+$0x0], $0xffff  }
0x116: {  	v49 =	vadd.s32 s26, v11;
	v43 =	vld.idx.msk [tilespmem:v53+s16+$0x0], $0xffff  }
0x117: {  	v50 =	vadd.s32 s26, v12;
	v42 =	vld.idx.msk [tilespmem:v54+s16+$0x0], $0xffff  }
0x118: {  	v51 =	vadd.s32 s26, v13;
	v46 =	vld.idx.msk [tilespmem:v46+s16+$0x0], $0xffff;
	v40 =	vmax.f32 v40, v41  }
0x119: {  	v56 =	vadd.s32 s26, v14;
	v55 =	vld.idx.msk [tilespmem:v47+s16+$0x0], $0xffff;
	v40 =	vmax.f32 v40, v45  }
0x11a: {  	v58 =	vadd.s32 s26, v15;
	v57 =	vld.idx.msk [tilespmem:v48+s16+$0x0], $0xffff;
	v40 =	vmax.f32 v40, v44  }
0x11b: {  	v59 =	vadd.s32 s26, v16;
	v44 =	vld.idx.msk [tilespmem:v49+s16+$0x0], $0xffff;
	v40 =	vmax.f32 v40, v43  }
0x11c: {  	v60 =	vadd.s32 s26, v17;
	v43 =	vld.idx.msk [tilespmem:v50+s16+$0x0], $0xffff;
	v40 =	vmax.f32 v40, v42  }
0x11d: {  	v62 =	vadd.s32 s26, v18;
	v61 =	vld.idx.msk [tilespmem:v51+s16+$0x0], $0xffff;
	v40 =	vmax.f32 v40, v46  }
0x11e: {  	v63 =	vld.idx.msk [tilespmem:v56+s16+$0x0], $0xffff;
	v54 =	vadd.s32 s26, v19;
	v40 =	vmax.f32 v40, v55  }
0x11f: {  	v56 =	vadd.s32 s26, v20;
	v55 =	vld.idx.msk [tilespmem:v58+s16+$0x0], $0xffff;
	v40 =	vmax.f32 v40, v57  }
0x120: {  	v58 =	vadd.s32 s26, v21;
	v57 =	vld.idx.msk [tilespmem:v59+s16+$0x0], $0xffff;
	v40 =	vmax.f32 v40, v44  }
0x121: {  	v59 =	vadd.s32 s26, v22;
	v44 =	vld.idx.msk [tilespmem:v60+s16+$0x0], $0xffff;
	v40 =	vmax.f32 v40, v43  }
0x122: {  	v60 =	vadd.s32 s26, v23;
	v43 =	vld.idx.msk [tilespmem:v62+s16+$0x0], $0xffff;
	v40 =	vmax.f32 v40, v61  }
0x123: {  	v62 =	vadd.s32 s26, v24;
	v61 =	vld.idx.msk [tilespmem:v54+s16+$0x0], $0xffff;
	v40 =	vmax.f32 v40, v63  }
0x124: {  	v54 =	vadd.s32 s26, v25;
	v63 =	vld.idx.msk [tilespmem:v56+s16+$0x0], $0xffff;
	v40 =	vmax.f32 v40, v55  }
0x125: {  	v56 =	vadd.s32 s26, v26;
	v55 =	vld.idx.msk [tilespmem:v58+s16+$0x0], $0xffff;
	v40 =	vmax.f32 v40, v57  }
0x126: {  	v58 =	vadd.s32 s26, v27;
	v57 =	vld.idx.msk [tilespmem:v59+s16+$0x0], $0xffff;
	v40 =	vmax.f32 v40, v44  }
0x127: {  	v59 =	vadd.s32 s26, v28;
	v44 =	vld.idx.msk [tilespmem:v60+s16+$0x0], $0xffff;
	v40 =	vmax.f32 v40, v43  }
0x128: {  	v60 =	vadd.s32 s26, v29;
	v43 =	vld.idx.msk [tilespmem:v62+s16+$0x0], $0xffff;
	v40 =	vmax.f32 v40, v61  }
0x129: {  	v62 =	vadd.s32 s26, v30;
	v61 =	vld.idx.msk [tilespmem:v54+s16+$0x0], $0xffff;
	v40 =	vmax.f32 v40, v63  }
0x12a: {  	v54 =	vadd.s32 s26, v31;
	v63 =	vld.idx.msk [tilespmem:v56+s16+$0x0], $0xffff;
	v40 =	vmax.f32 v40, v55  }
0x12b: {  	v56 =	vadd.s32 s26, v34;
	v55 =	vld.idx.msk [tilespmem:v58+s16+$0x0], $0xffff;
	v40 =	vmax.f32 v40, v57  }
0x12c: {  	v58 =	vadd.s32 s26, v35;
	v57 =	vld.idx.msk [tilespmem:v59+s16+$0x0], $0xffff;
	v40 =	vmax.f32 v40, v44  }
0x12d: {  	v59 =	vld.idx.msk [tilespmem:v60+s16+$0x0], $0xffff;
	v40 =	vmax.f32 v40, v43  }
0x12e: {  	v60 =	vld.idx.msk [tilespmem:v62+s16+$0x0], $0xffff;
	v40 =	vmax.f32 v40, v61  }
0x12f: {  	v61 =	vld.idx.msk [tilespmem:v54+s16+$0x0], $0xffff;
	v40 =	vmax.f32 v40, v63  }
0x130: {  	v62 =	vld.idx.msk [tilespmem:v56+s16+$0x0], $0xffff;
	v40 =	vmax.f32 v40, v55  }
0x131: {  	v63 =	vld.idx.msk [tilespmem:v58+s16+$0x0], $0xffff;
	v40 =	vmax.f32 v40, v57  }
0x132: {  	v40 =	vmax.f32 v40, v59  }
0x133: {  	v40 =	vmax.f32 v40, v60  }
0x134: {  	v40 =	vmax.f32 v40, v61  }
0x135: {  	v40 =	vmax.f32 v40, v62  }
0x136: {  	s25 =	sadd.s32 $0x10, s25;
	v40 =	vmax.f32 v40, v63  }
0x137: {  	[tilespmem:s25+$0x0] =	vst v40  }
.LBB2_10:
0x138: {  	s25 =	simm.s32 $0x9840  }
0x139: {  	v40 =	vld [tilespmem:s25+$0xFFFFFFC0];
	_ =	sdelay $0x1  }
0x13a: {  	v41 =	vld [tilespmem:s25+$0xFFFFFFD0];
	_ =	sdelay $0x1  }
0x13b: {  	v42 =	vimm.f32 $-Inf;
	v43 =	vld [tilespmem:s25+$0xFFFFFFE0]  }
0x13c: {  	vm0 =	vgt.f32 v40, v42  }
0x13d: {  	v60 =	vld [tilespmem:s25+$0xFFFFFFF0];
	v40 =	vsel vm0, v40, v42  }
0x13e: {  	vm1 =	vgt.f32 v41, v40  }
0x13f: {  	s26 =	simm.s32 $0x0;
	v61 =	vimm.s32 $0x0;
	v44 =	vld [tilespmem:s25+$0x0];
	v40 =	vsel vm1, v41, v40  }
0x140: {  	s28 =	simm.s32 $0x1;
	v41 =	vsel vm0, s26, v61;
	vm2 =	vgt.f32 v43, v40  }
0x141: {  	v62 =	vld [tilespmem:s25+$0x10];
	v41 =	vsel vm1, s28, v41;
	s28 =	simm.s32 $0x2;
	v40 =	vsel vm2, v43, v40  }
0x142: {  	v41 =	vsel vm2, s28, v41;
	s28 =	simm.s32 $0x3;
	vm13 =	vgt.f32 v60, v40  }
0x143: {  	v40 =	vsel vm13, v60, v40;
	v63 =	vsel vm13, s28, v41;
	v41 =	vld [tilespmem:s25+$0x20]  }
0x144: {  	vm14 =	vgt.f32 v44, v40  }
0x145: {  	s28 =	simm.s32 $0x4;
	v44 =	vsel vm14, v44, v40;
	v40 =	vld [tilespmem:s25+$0x30]  }
0x146: {  	s30 =	simm.s32 $0x5;
	v45 =	vsel vm14, s28, v63;
	s28 =	simm.s32 $0x98C0;
	vm15 =	vgt.f32 v62, v44  }
0x147: {  	s29 =	simm.s32 $0x10;
	s25 =	simm.s32 $0x8;
	v42 =	vld [tilespmem:s28+$0xFFFFFFC0];
	v44 =	vsel vm15, v62, v44;
	v43 =	vsel vm15, s30, v45  }
.LBB2_11:
0x148: {  	p0 =	slt.u32 s29, $0x38;
	vm0 =	vgt.f32 v41, v44;
	s30 =	sadd.s32 $0x6, s26  }
0x149: {  	v45 =	vld [tilespmem:s28+$0xFFFFFFD0];
	v41 =	vsel vm0, v41, v44;
	v43 =	vsel vm0, s30, v43  }
0x14a: {  	s30 =	sadd.s32 $0x7, s26;
	s26 =	smov.u32 s25;
	s25 =	smov.u32 s29;
	vm0 =	vgt.f32 v40, v41  }
0x14b: {  	v44 =	vld [tilespmem:s28+$0xFFFFFFE0];
	v40 =	vsel vm0, v40, v41;
	v41 =	vsel vm0, s30, v43  }
0x14c: {  	vm0 =	vgt.f32 v42, v40  }
0x14d: {  	v40 =	vsel vm0, v42, v40;
	v41 =	vsel vm0, s26, v41;
	v42 =	vld [tilespmem:s28+$0xFFFFFFF0]  }
0x14e: {  	s30 =	sadd.s32 $0x1, s26;
	vm0 =	vgt.f32 v45, v40  }
0x14f: {  	v40 =	vsel vm0, v45, v40;
	v41 =	vsel vm0, s30, v41;
	v43 =	vld [tilespmem:s28+$0x0]  }
0x150: {  	s30 =	sadd.s32 $0x2, s26;
	vm0 =	vgt.f32 v44, v40  }
0x151: {  	v40 =	vsel vm0, v44, v40;
	v41 =	vsel vm0, s30, v41;
	v44 =	vld [tilespmem:s28+$0x10]  }
0x152: {  	s30 =	sadd.s32 $0x3, s26;
	vm0 =	vgt.f32 v42, v40  }
.Ltmp4:
0x153: {  	v40 =	vsel vm0, v42, v40;
	v42 =	vsel vm0, s30, v41;
	v41 =	vld [tilespmem:s28+$0x20];
	(pc) =	sbr.rel @p0 .LBB2_11-.Ltmp4, $4  }
0x154: {  	s30 =	sadd.s32 $0x4, s26;
	vm0 =	vgt.f32 v43, v40  }
0x155: {  	v43 =	vsel vm0, v43, v40;
	v45 =	vsel vm0, s30, v42;
	v40 =	vld [tilespmem:s28+$0x30]  }
0x156: {  	s30 =	sadd.s32 $0x5, s26;
	s28 =	sadd.s32 $0x80, s28;
	vm0 =	vgt.f32 v44, v43  }
0x157: {  	s29 =	sadd.s32 $0x8, s29;
	v42 =	vld [tilespmem:s28+$0xFFFFFFC0];
	v44 =	vsel vm0, v44, v43;
	v43 =	vsel vm0, s30, v45  }
0x158: {  	vm0 =	vgt.f32 v41, v44  }
0x159: {  	v45 =	vld [tilespmem:s28+$0xFFFFFFD0];
	v41 =	vsel vm0, v41, v44  }
0x15a: {  	vm1 =	vgt.f32 v40, v41  }
0x15b: {  	v54 =	vld [tilespmem:s28+$0xFFFFFFE0];
	v40 =	vsel vm1, v40, v41  }
0x15c: {  	vm2 =	vgt.f32 v42, v40  }
0x15d: {  	v55 =	vld [tilespmem:s28+$0xFFFFFFF0];
	v40 =	vsel vm2, v42, v40  }
0x15e: {  	vm3 =	vgt.f32 v45, v40  }
0x15f: {  	v56 =	vld [tilespmem:s28+$0x0];
	v40 =	vsel vm3, v45, v40  }
0x160: {  	vm4 =	vgt.f32 v54, v40  }
0x161: {  	s29 =	sadd.s32 $0x6, s26;
	v57 =	vld [tilespmem:s28+$0x10];
	v40 =	vsel vm4, v54, v40  }
0x162: {  	v43 =	vsel vm0, s29, v43;
	s29 =	sadd.s32 $0x7, s26;
	vm6 =	vgt.f32 v55, v40  }
0x163: {  	v58 =	vld [tilespmem:s28+$0x20];
	v43 =	vsel vm1, s29, v43;
	v40 =	vsel vm6, v55, v40  }
0x164: {  	s30 =	sadd.s32 $0x1, s25;
	v43 =	vsel vm2, s25, v43;
	vm7 =	vgt.f32 v56, v40  }
0x165: {  	s31 =	sadd.s32 $0x2, s25;
	v59 =	vld [tilespmem:s28+$0x30];
	v43 =	vsel vm3, s30, v43;
	v40 =	vsel vm7, v56, v40  }
0x166: {  	s29 =	sadd.s32 $0x3, s25;
	v43 =	vsel vm4, s31, v43;
	vm8 =	vgt.f32 v57, v40  }
0x167: {  	s30 =	sadd.s32 $0x4, s25;
	v43 =	vsel vm6, s29, v43;
	v40 =	vsel vm8, v57, v40  }
0x168: {  	s31 =	sadd.s32 $0x5, s25;
	v43 =	vsel vm7, s30, v43;
	vm9 =	vgt.f32 v58, v40  }
0x169: {  	s28 =	sadd.s32 $0x6, s25;
	v43 =	vsel vm8, s31, v43;
	v40 =	vsel vm9, v58, v40  }
0x16a: {  	s29 =	sadd.s32 $0x7, s25;
	v60 =	vsel vm9, s28, v43;
	vm10 =	vgt.f32 v59, v40  }
0x16b: {  	v40 =	vsel vm10, s29, v60  }
0x16c: {  	v41 =	vmul.u32 $0x220, v40;
	_ =	sdelay $0x1  }
0x16d: {  	v46 =	vor.u32 v0, v41;
	_ =	sdelay $0x1  }
0x16e: {  	v61 =	vadd.s32 $0x11, v46;
	_ =	sdelay $0x1  }
0x16f: {  	v62 =	vadd.s32 $0x22, v46  }
0x170: {  	v47 =	vld.idx.msk [tilespmem:v46+s16+$0x0], $0xffff;
	_ =	sdelay $0x1  }
0x171: {  	v49 =	vimm.s32 $0x0;
	v48 =	vadd.s32 $0x33, v46;
	v51 =	vld.idx.msk [tilespmem:v61+s16+$0x0], $0xffff  }
0x172: {  	v50 =	vimm.f32 $-Inf;
	s30 =	simm.s32 $0x0;
	s31 =	simm.s32 $0x7;
	v41 =	vshll.u32 v40, $0x5;
	v52 =	vadd.s32 $0x44, v46  }
0x173: {  	s29 =	simm.s32 $0x5;
	v53 =	vor.u32 s30, v41;
	v42 =	vor.u32 s31, v41;
	v43 =	vadd.s32 $0x88, v46;
	v54 =	vld.idx.msk [tilespmem:v62+s16+$0x0], $0xffff  }
0x174: {  	v55 =	vadd.s32 $0x55, v46;
	v45 =	vor.u32 s29, v41;
	vm11 =	vgt.f32 v47, v50  }
0x175: {  	s30 =	simm.s32 $0x6;
	s31 =	simm.s32 $0x1;
	v57 =	vadd.s32 $0x66, v46;
	v63 =	vsel vm11, v50, v47;
	v47 =	vsel vm11, v47, v50  }
0x176: {  	v44 =	vor.u32 s30, v41;
	v56 =	vor.u32 s31, v41;
	v58 =	vld.idx.msk [tilespmem:v48+s16+$0x0], $0xffff;
	vm12 =	vgt.f32 v51, v47  }
0x177: {  	v49 =	vsel vm11, v53, v49;
	v53 =	vsel vm12, v47, v51;
	v47 =	vsel vm12, v51, v47  }
0x178: {  	s30 =	simm.s32 $0x3;
	v46 =	vadd.s32 $0x77, v46;
	v52 =	vld.idx.msk [tilespmem:v52+s16+$0x0], $0xffff;
	v48 =	vmax.f32 v50, v63;
	vm13 =	vgt.f32 v54, v47  }
0x179: {  	s31 =	simm.s32 $0x4;
	v60 =	vor.u32 s30, v41;
	v48 =	vmax.f32 v48, v53;
	v51 =	vsel vm13, v47, v54  }
0x17a: {  	s29 =	simm.s32 $0x2;
	v63 =	vor.u32 s31, v41;
	v47 =	vsel vm13, v54, v47;
	v59 =	vmax.f32 v48, v51;
	v48 =	vld.idx.msk [tilespmem:v55+s16+$0x0], $0xffff  }
0x17b: {  	v49 =	vsel vm12, v56, v49;
	v56 =	vor.u32 s29, v41;
	vm14 =	vgt.f32 v58, v47  }
0x17c: {  	v49 =	vsel vm13, v56, v49;
	v61 =	vsel vm14, v47, v58;
	v54 =	vsel vm14, v58, v47;
	v47 =	vld.idx.msk [tilespmem:v57+s16+$0x0], $0xffff  }
0x17d: {  	v62 =	vsel vm14, v60, v49;
	v49 =	vld.idx.msk [tilespmem:v46+s16+$0x0], $0xffff;
	v50 =	vmax.f32 v59, v61;
	vm15 =	vgt.f32 v52, v54  }
0x17e: {  	s26 =	simm.s32 $0x10;
	s25 =	simm.s32 $0x8;
	v46 =	vmovc v43;
	v53 =	vsel vm15, v54, v52;
	v51 =	vsel vm15, v52, v54;
	v52 =	vsel vm15, v63, v62  }
.LBB2_13:
0x17f: {  	p0 =	slt.u32 s26, $0x18;
	v54 =	vadd.s32 $0x11, v43;
	v50 =	vmax.f32 v50, v53;
	vm0 =	vgt.f32 v48, v51  }
0x180: {  	v53 =	vsel vm0, v51, v48;
	v48 =	vsel vm0, v48, v51;
	v45 =	vsel vm0, v45, v52  }
0x181: {  	v51 =	vadd.s32 $0x22, v43;
	v50 =	vmax.f32 v50, v53;
	vm0 =	vgt.f32 v47, v48  }
0x182: {  	v52 =	vld.idx.msk [tilespmem:v43+s16+$0x0], $0xffff;
	v53 =	vsel vm0, v48, v47;
	v47 =	vsel vm0, v47, v48;
	v44 =	vsel vm0, v44, v45  }
0x183: {  	v48 =	vadd.s32 $0x33, v43;
	v45 =	vmax.f32 v50, v53;
	vm0 =	vgt.f32 v49, v47  }
0x184: {  	v50 =	vld.idx.msk [tilespmem:v54+s16+$0x0], $0xffff;
	v53 =	vsel vm0, v47, v49;
	v47 =	vsel vm0, v49, v47;
	v49 =	vsel vm0, v42, v44  }
0x185: {  	s28 =	sadd.s32 $0x7, s25;
	v54 =	vadd.s32 $0x44, v43;
	v53 =	vmax.f32 v45, v53  }
0x186: {  	v55 =	vor.u32 s25, v41;
	s29 =	sadd.s32 $0x5, s25;
	s30 =	sadd.s32 $0x6, s25;
	v42 =	vor.u32 s28, v41;
	v43 =	vadd.s32 $0x88, v43;
	v51 =	vld.idx.msk [tilespmem:v51+s16+$0x0], $0xffff  }
0x187: {  	v56 =	vadd.s32 $0x55, v46;
	s28 =	sadd.s32 $0x1, s25;
	v44 =	vor.u32 s30, v41;
	v45 =	vor.u32 s29, v41  }
0x188: {  	v59 =	vadd.s32 $0x66, v46;
	v57 =	vor.u32 s28, v41;
	vm0 =	vgt.f32 v52, v47;
	v58 =	vld.idx.msk [tilespmem:v48+s16+$0x0], $0xffff  }
0x189: {  	v48 =	vsel vm0, v47, v52;
	v47 =	vsel vm0, v52, v47;
	v49 =	vsel vm0, v55, v49  }
0x18a: {  	v48 =	vmax.f32 v53, v48;
	vm0 =	vgt.f32 v50, v47;
	v53 =	vadd.s32 $0x77, v46;
	v46 =	vmovc v43;
	v52 =	vld.idx.msk [tilespmem:v54+s16+$0x0], $0xffff  }
0x18b: {  	s28 =	sadd.s32 $0x2, s25;
	v54 =	vsel vm0, v47, v50;
	v47 =	vsel vm0, v50, v47;
	v49 =	vsel vm0, v57, v49  }
0x18c: {  	v50 =	vmax.f32 v48, v54;
	vm0 =	vgt.f32 v51, v47;
	v54 =	vor.u32 s28, v41;
	v48 =	vld.idx.msk [tilespmem:v56+s16+$0x0], $0xffff  }
.Ltmp5:
0x18d: {  	s28 =	sadd.s32 $0x3, s25;
	v55 =	vsel vm0, v47, v51;
	v51 =	vsel vm0, v51, v47;
	v49 =	vsel vm0, v54, v49;
	(pc) =	sbr.rel @p0 .LBB2_13-.Ltmp5, $4  }
0x18e: {  	v54 =	vor.u32 s28, v41;
	v50 =	vmax.f32 v50, v55;
	vm0 =	vgt.f32 v58, v51;
	v47 =	vld.idx.msk [tilespmem:v59+s16+$0x0], $0xffff  }
0x18f: {  	s28 =	sadd.s32 $0x4, s25;
	s25 =	smov.u32 s26;
	v55 =	vsel vm0, v51, v58;
	v51 =	vsel vm0, v58, v51;
	v54 =	vsel vm0, v54, v49  }
0x190: {  	v50 =	vmax.f32 v50, v55;
	vm0 =	vgt.f32 v52, v51;
	v55 =	vor.u32 s28, v41;
	v49 =	vld.idx.msk [tilespmem:v53+s16+$0x0], $0xffff  }
0x191: {  	s26 =	sadd.s32 $0x8, s26;
	v53 =	vsel vm0, v51, v52;
	v51 =	vsel vm0, v52, v51;
	v52 =	vsel vm0, v55, v54  }
0x192: {  	_ = 	snop  }
0x193: {  	v54 =	vadd.s32 $0x11, v43;
	_ =	sdelay $0x1  }
0x194: {  	vm2 =	vgt.f32 v48, v51;
	v55 =	vadd.s32 $0x22, v43  }
0x195: {  	v57 =	vld.idx.msk [tilespmem:v43+s16+$0x0], $0xffff;
	v56 =	vsel vm2, v48, v51  }
0x196: {  	v58 =	vadd.s32 $0x33, v43;
	vm3 =	vgt.f32 v47, v56  }
0x197: {  	v59 =	vsel vm3, v47, v56;
	v54 =	vld.idx.msk [tilespmem:v54+s16+$0x0], $0xffff  }
0x198: {  	v43 =	vadd.s32 $0x44, v43;
	vm4 =	vgt.f32 v49, v59  }
0x199: {  	v60 =	vsel vm4, v49, v59;
	v55 =	vld.idx.msk [tilespmem:v55+s16+$0x0], $0xffff  }
0x19a: {  	v61 =	vadd.s32 $0x55, v46;
	vm0 =	vgt.f32 v57, v60  }
0x19b: {  	v58 =	vld.idx.msk [tilespmem:v58+s16+$0x0], $0xffff;
	v62 =	vsel vm0, v57, v60  }
0x19c: {  	v50 =	vmax.f32 v50, v53;
	v53 =	vadd.s32 $0x66, v46;
	vm1 =	vgt.f32 v54, v62  }
0x19d: {  	v46 =	vadd.s32 $0x77, v46;
	v63 =	vsel vm2, v51, v48;
	v43 =	vld.idx.msk [tilespmem:v43+s16+$0x0], $0xffff;
	v51 =	vsel vm1, v54, v62  }
0x19e: {  	v45 =	vsel vm2, v45, v52;
	v48 =	vmax.f32 v50, v63;
	vm13 =	vgt.f32 v55, v51  }
0x19f: {  	v56 =	vsel vm3, v56, v47;
	v44 =	vsel vm3, v44, v45;
	v45 =	vld.idx.msk [tilespmem:v61+s16+$0x0], $0xffff;
	v50 =	vsel vm13, v55, v51  }
0x1a0: {  	v47 =	vmax.f32 v48, v56;
	v48 =	vsel vm4, v59, v49;
	vm14 =	vgt.f32 v58, v50  }
0x1a1: {  	s26 =	sadd.s32 $0x1, s25;
	v42 =	vsel vm4, v42, v44;
	v61 =	vor.u32 s25, v41;
	v49 =	vld.idx.msk [tilespmem:v53+s16+$0x0], $0xffff;
	v52 =	vsel vm14, v58, v50  }
0x1a2: {  	s29 =	sadd.s32 $0x2, s25;
	v63 =	vor.u32 s26, v41;
	v42 =	vsel vm0, v61, v42;
	vm15 =	vgt.f32 v43, v52  }
0x1a3: {  	s30 =	sadd.s32 $0x3, s25;
	v56 =	vor.u32 s29, v41;
	v46 =	vld.idx.msk [tilespmem:v46+s16+$0x0], $0xffff;
	v42 =	vsel vm1, v63, v42;
	v53 =	vsel vm15, v43, v52  }
0x1a4: {  	s31 =	sadd.s32 $0x4, s25;
	v59 =	vor.u32 s30, v41;
	v42 =	vsel vm13, v56, v42;
	vm5 =	vgt.f32 v45, v53  }
0x1a5: {  	s28 =	sadd.s32 $0x5, s25;
	v61 =	vor.u32 s31, v41;
	v42 =	vsel vm14, v59, v42;
	v56 =	vsel vm5, v45, v53  }
0x1a6: {  	s29 =	sadd.s32 $0x6, s25;
	v63 =	vor.u32 s28, v41;
	v42 =	vsel vm15, v61, v42;
	vm6 =	vgt.f32 v49, v56  }
0x1a7: {  	s30 =	sadd.s32 $0x7, s25;
	v61 =	vor.u32 s29, v41;
	v42 =	vsel vm5, v63, v42;
	v59 =	vsel vm6, v49, v56  }
0x1a8: {  	v63 =	vor.u32 s30, v41;
	v42 =	vsel vm6, v61, v42;
	vm7 =	vgt.f32 v46, v59  }
0x1a9: {  	v47 =	vmax.f32 v47, v48;
	v61 =	vsel vm0, v60, v57;
	v41 =	vsel vm7, v63, v42  }
0x1aa: {  	v44 =	vmax.f32 v47, v61;
	v63 =	vsel vm1, v62, v54;
	v54 =	vmul.u32 $0x11, v41  }
0x1ab: {  	v40 =	vshll.u32 v40, $0x4;
	v57 =	vsel vm13, v51, v55;
	v42 =	vmax.f32 v44, v63  }
0x1ac: {  	s31 =	sshll.u32 s24, $0x4;
	s24 =	sadd.s32 $0x1, s24;
	v50 =	vsel vm14, v50, v58;
	v42 =	vmax.f32 v42, v57;
	v60 =	vadd.s32 v0, v54  }
0x1ad: {  	v40 =	vor.u32 v0, v40;
	p0 =	sne.s32 s24, $0x14;
	v43 =	vsel vm15, v52, v43;
	v42 =	vmax.f32 v42, v50  }
.Ltmp6:
0x1ae: {  	v45 =	vsel vm5, v53, v45;
	v42 =	vmax.f32 v42, v43;
	(pc) =	sbr.rel @p0 .LBB2_10-.Ltmp6, $4  }
0x1af: {  	s25 =	sand.u32 $0x3FFFFFF0, s31;
	v61 =	vsel vm6, v56, v49;
	v42 =	vmax.f32 v42, v45  }
0x1b0: {  	v62 =	vsel vm7, v59, v46;
	[tilespmem:s25+$0x9C00] =	vst v41;
	v42 =	vmax.f32 v42, v61  }
0x1b1: {  	v63 =	vmax.f32 v42, v62;
	[tilespmem:v60+s16+$0x0] =	vst.idx.msk $0xffff, v36  }
0x1b2: {  	s25 =	simm.s32 $0x0;
	[tilespmem:v40+s17+$0x0] =	vst.idx.msk $0xffff, v63  }
0x1b3: {  	v40 =	vor.u32 s25, v32  }
0x1b4: {  	v41 =	vor.u32 s25, v37;
	_ =	sdelay $0x3  }
0x1b5: {  	v40 =	vld.idx.msk [tilespmem:v40+s18+$0x0], $0xffff  }
0x1b6: {  	v41 =	vld.idx.msk [tilespmem:v41+s18+$0x0], $0xffff;
	_ =	sdelay $0x3  }
0x1b7: {  	v40 =	vadd.s32 v33, v40  }
0x1b8: {  	s24 =	sadd.s32 $0x1, s25;
	v41 =	vadd.s32 v39, v41  }
0x1b9: {  	v42 =	vor.u32 s24, v32  }
0x1ba: {  	v43 =	vor.u32 s24, v37;
	s24 =	sadd.s32 $0x1, s24  }
.LBB2_16:
0x1bb: {  	p0 =	sne.s32 s24, $0xF  }
0x1bc: {  	[tilespmem:v40+s19+$0x0] =	vst.idx.add.f32.msk $0xffff, v38  }
0x1bd: {  	[tilespmem:v41+s19+$0x0] =	vst.idx.add.f32.msk $0xf, v38  }
0x1be: {  	v40 =	vld.idx.msk [tilespmem:v42+s18+$0x0], $0xffff  }
0x1bf: {  	v41 =	vld.idx.msk [tilespmem:v43+s18+$0x0], $0xffff;
	_ =	sdelay $0x3  }
.Ltmp7:
0x1c0: {  	(pc) =	sbr.rel @p0 .LBB2_16-.Ltmp7, $4  }
0x1c1: {  	v40 =	vadd.s32 v33, v40  }
0x1c2: {  	v41 =	vadd.s32 v39, v41  }
0x1c3: {  	v42 =	vor.u32 s24, v32  }
0x1c4: {  	v43 =	vor.u32 s24, v37;
	s24 =	sadd.s32 $0x1, s24  }
0x1c5: {  	_ =	sdelay $0x3  }
0x1c6: {  	[tilespmem:v40+s19+$0x0] =	vst.idx.add.f32.msk $0xffff, v38  }
0x1c7: {  	[tilespmem:v41+s19+$0x0] =	vst.idx.add.f32.msk $0xf, v38  }
0x1c8: {  	v40 =	vld.idx.msk [tilespmem:v42+s18+$0x0], $0xffff  }
0x1c9: {  	v41 =	vld.idx.msk [tilespmem:v43+s18+$0x0], $0xffff;
	_ =	sdelay $0x3  }
0x1ca: {  	v40 =	vadd.s32 v33, v40  }
0x1cb: {  	v41 =	vadd.s32 v39, v41;
	_ =	sdelay $0x3  }
0x1cc: {  	[tilespmem:v40+s19+$0x0] =	vst.idx.add.f32.msk $0xffff, v38  }
0x1cd: {  	[tilespmem:v41+s19+$0x0] =	vst.idx.add.f32.msk $0xf, v38  }
.LBB2_18:
0x1ce: {  	s24 =	smin.u32 s25, $0x8  }
0x1cf: {  	s24 =	sadd.s32 s4, s24  }
0x1d0: {  	s24 =	sshll.u32 s24, $0x8  }
0x1d1: {  	s24 =	sadd.s32 s24, s6  }
0x1d2: {  	[tilespmem:s15], [sflag:$0x1] =	stream.linear.gather [hbm4b:s24+s2], $0x800, $0x38;
	[tilespmem:$0x1DE00] =	vst v63  }
0x1d3: {  	_ =	swait.ge [sflag:s14], $0x800  }
0x1d4: {  	[sflag:s14] =	ssyncset.done $0x0  }
0x1d5: {  	s24 =	simm.s32 $0x840;
	[sflag:s14] =	ssyncadd.s32 $0xFFFFF800  }
0x1d6: {  	v41 =	vld [tilespmem:s24+$0xFFFFFFC0]  }
0x1d7: {  	s26 =	simm.s32 $0x40  }
0x1d8: {  	v42 =	vld [tilespmem:s26+$0xFFFFFFC0];
	_ =	sdelay $0x1  }
0x1d9: {  	v40 =	vadd.s32 s25, v2  }
0x1da: {  	v41 =	vmul.f32 $5.000000070e-02, v41;
	_ =	sdelay $0x1  }
0x1db: {  	v41 =	vadd.f32 v41, v42;
	_ =	sdelay $0x1  }
0x1dc: {  	[tilespmem:v40+s16+$0x0] =	vst.idx.msk $0xffff, v41  }
0x1dd: {  	v41 =	vld [tilespmem:s24+$0xFFFFFFD0];
	_ =	sdelay $0x1  }
0x1de: {  	v51 =	vld [tilespmem:s26+$0xFFFFFFD0];
	_ =	sdelay $0x1  }
0x1df: {  	v43 =	vadd.s32 $0x110, v40  }
0x1e0: {  	v41 =	vmul.f32 $5.000000070e-02, v41;
	_ =	sdelay $0x1  }
0x1e1: {  	v41 =	vadd.f32 v41, v51;
	_ =	sdelay $0x1  }
0x1e2: {  	[tilespmem:v43+s16+$0x0] =	vst.idx.msk $0xffff, v41  }
0x1e3: {  	v41 =	vld [tilespmem:s24+$0xFFFFFFE0];
	_ =	sdelay $0x1  }
0x1e4: {  	v52 =	vld [tilespmem:s26+$0xFFFFFFE0];
	_ =	sdelay $0x1  }
0x1e5: {  	v53 =	vadd.s32 $0x220, v40  }
0x1e6: {  	v41 =	vmul.f32 $5.000000070e-02, v41;
	_ =	sdelay $0x1  }
0x1e7: {  	v41 =	vadd.f32 v41, v52;
	_ =	sdelay $0x1  }
0x1e8: {  	[tilespmem:v53+s16+$0x0] =	vst.idx.msk $0xffff, v41  }
0x1e9: {  	v41 =	vld [tilespmem:s24+$0xFFFFFFF0];
	_ =	sdelay $0x1  }
0x1ea: {  	v54 =	vld [tilespmem:s26+$0xFFFFFFF0];
	_ =	sdelay $0x1  }
0x1eb: {  	v55 =	vadd.s32 $0x330, v40  }
0x1ec: {  	v41 =	vmul.f32 $5.000000070e-02, v41;
	_ =	sdelay $0x1  }
0x1ed: {  	v41 =	vadd.f32 v41, v54;
	_ =	sdelay $0x1  }
0x1ee: {  	[tilespmem:v55+s16+$0x0] =	vst.idx.msk $0xffff, v41  }
0x1ef: {  	v41 =	vld [tilespmem:s24+$0x0];
	_ =	sdelay $0x1  }
0x1f0: {  	v56 =	vld [tilespmem:s26+$0x0];
	_ =	sdelay $0x1  }
0x1f1: {  	v57 =	vadd.s32 $0x440, v40  }
0x1f2: {  	v41 =	vmul.f32 $5.000000070e-02, v41;
	_ =	sdelay $0x1  }
0x1f3: {  	v41 =	vadd.f32 v41, v56;
	_ =	sdelay $0x1  }
0x1f4: {  	[tilespmem:v57+s16+$0x0] =	vst.idx.msk $0xffff, v41  }
0x1f5: {  	v41 =	vld [tilespmem:s24+$0x10];
	_ =	sdelay $0x1  }
0x1f6: {  	v58 =	vld [tilespmem:s26+$0x10];
	_ =	sdelay $0x1  }
0x1f7: {  	v59 =	vadd.s32 $0x550, v40  }
0x1f8: {  	v41 =	vmul.f32 $5.000000070e-02, v41;
	_ =	sdelay $0x1  }
0x1f9: {  	v41 =	vadd.f32 v41, v58;
	_ =	sdelay $0x1  }
0x1fa: {  	[tilespmem:v59+s16+$0x0] =	vst.idx.msk $0xffff, v41  }
0x1fb: {  	v41 =	vld [tilespmem:s24+$0x20];
	_ =	sdelay $0x1  }
0x1fc: {  	v60 =	vld [tilespmem:s26+$0x20];
	_ =	sdelay $0x1  }
0x1fd: {  	v61 =	vadd.s32 $0x660, v40  }
0x1fe: {  	v41 =	vmul.f32 $5.000000070e-02, v41;
	_ =	sdelay $0x1  }
0x1ff: {  	v41 =	vadd.f32 v41, v60;
	_ =	sdelay $0x1  }
0x200: {  	[tilespmem:v61+s16+$0x0] =	vst.idx.msk $0xffff, v41  }
0x201: {  	v41 =	vld [tilespmem:s24+$0x30];
	_ =	sdelay $0x2  }
0x202: {  	v62 =	vld [tilespmem:s26+$0x30];
	_ =	sdelay $0x1  }
0x203: {  	v63 =	vmul.f32 $5.000000070e-02, v41;
	v41 =	vadd.s32 $0x770, v40;
	_ =	sdelay $0x2  }
0x204: {  	s28 =	simm.s32 $0x0;
	v42 =	vadd.f32 v63, v62  }
.LBB2_19:
0x205: {  	_ = 	snop  }
0x206: {  	s28 =	sadd.s32 $0x8, s28;
	v40 =	vadd.s32 $0x880, v40;
	s26 =	sadd.s32 $0x80, s26;
	s24 =	sadd.s32 $0x80, s24;
	[tilespmem:v41+s16+$0x0] =	vst.idx.msk $0xffff, v42  }
0x207: {  	p0 =	slt.u32 s28, $0x78;
	v41 =	vld [tilespmem:s24+$0xFFFFFFC0];
	_ =	sdelay $0x1  }
0x208: {  	v42 =	vld [tilespmem:s26+$0xFFFFFFC0];
	_ =	sdelay $0x2  }
0x209: {  	v41 =	vmul.f32 $5.000000070e-02, v41;
	_ =	sdelay $0x1  }
0x20a: {  	v41 =	vadd.f32 v41, v42;
	_ =	sdelay $0x1  }
0x20b: {  	[tilespmem:v40+s16+$0x0] =	vst.idx.msk $0xffff, v41  }
0x20c: {  	v41 =	vld [tilespmem:s24+$0xFFFFFFD0];
	_ =	sdelay $0x1  }
0x20d: {  	v42 =	vld [tilespmem:s26+$0xFFFFFFD0];
	_ =	sdelay $0x1  }
0x20e: {  	v43 =	vadd.s32 $0x110, v40  }
0x20f: {  	v41 =	vmul.f32 $5.000000070e-02, v41;
	_ =	sdelay $0x1  }
0x210: {  	v41 =	vadd.f32 v41, v42;
	_ =	sdelay $0x1  }
0x211: {  	[tilespmem:v43+s16+$0x0] =	vst.idx.msk $0xffff, v41  }
0x212: {  	v41 =	vld [tilespmem:s24+$0xFFFFFFE0];
	_ =	sdelay $0x1  }
0x213: {  	v42 =	vld [tilespmem:s26+$0xFFFFFFE0];
	_ =	sdelay $0x1  }
0x214: {  	v43 =	vadd.s32 $0x220, v40  }
0x215: {  	v41 =	vmul.f32 $5.000000070e-02, v41;
	_ =	sdelay $0x1  }
0x216: {  	v41 =	vadd.f32 v41, v42;
	_ =	sdelay $0x1  }
0x217: {  	[tilespmem:v43+s16+$0x0] =	vst.idx.msk $0xffff, v41  }
0x218: {  	v41 =	vld [tilespmem:s24+$0xFFFFFFF0];
	_ =	sdelay $0x1  }
0x219: {  	v42 =	vld [tilespmem:s26+$0xFFFFFFF0];
	_ =	sdelay $0x1  }
0x21a: {  	v43 =	vadd.s32 $0x330, v40  }
0x21b: {  	v41 =	vmul.f32 $5.000000070e-02, v41;
	_ =	sdelay $0x1  }
0x21c: {  	v41 =	vadd.f32 v41, v42;
	_ =	sdelay $0x1  }
0x21d: {  	[tilespmem:v43+s16+$0x0] =	vst.idx.msk $0xffff, v41  }
0x21e: {  	v41 =	vld [tilespmem:s24+$0x0];
	_ =	sdelay $0x1  }
0x21f: {  	v42 =	vld [tilespmem:s26+$0x0];
	_ =	sdelay $0x1  }
0x220: {  	v43 =	vadd.s32 $0x440, v40  }
0x221: {  	v41 =	vmul.f32 $5.000000070e-02, v41;
	_ =	sdelay $0x1  }
0x222: {  	v41 =	vadd.f32 v41, v42;
	_ =	sdelay $0x1  }
0x223: {  	[tilespmem:v43+s16+$0x0] =	vst.idx.msk $0xffff, v41  }
0x224: {  	v41 =	vld [tilespmem:s24+$0x10]  }
0x225: {  	v42 =	vld [tilespmem:s26+$0x10];
	_ =	sdelay $0x2  }
0x226: {  	v43 =	vadd.s32 $0x550, v40  }
0x227: {  	v41 =	vmul.f32 $5.000000070e-02, v41;
	_ =	sdelay $0x1  }
0x228: {  	v41 =	vadd.f32 v41, v42;
	_ =	sdelay $0x1  }
0x229: {  	[tilespmem:v43+s16+$0x0] =	vst.idx.msk $0xffff, v41  }
0x22a: {  	v41 =	vld [tilespmem:s24+$0x20]  }
0x22b: {  	v42 =	vld [tilespmem:s26+$0x20];
	_ =	sdelay $0x2  }
0x22c: {  	v43 =	vadd.s32 $0x660, v40  }
0x22d: {  	v41 =	vmul.f32 $5.000000070e-02, v41;
	_ =	sdelay $0x1  }
0x22e: {  	v41 =	vadd.f32 v41, v42;
	_ =	sdelay $0x1  }
0x22f: {  	[tilespmem:v43+s16+$0x0] =	vst.idx.msk $0xffff, v41  }
0x230: {  	v42 =	vld [tilespmem:s24+$0x30]  }
0x231: {  	v43 =	vld [tilespmem:s26+$0x30];
	_ =	sdelay $0x1  }
.Ltmp8:
0x232: {  	(pc) =	sbr.rel @p0 .LBB2_19-.Ltmp8, $3  }
0x233: {  	v41 =	vadd.s32 $0x770, v40  }
0x234: {  	v42 =	vmul.f32 $5.000000070e-02, v42;
	_ =	sdelay $0x1  }
0x235: {  	v42 =	vadd.f32 v42, v43  }
0x236: {  	s25 =	sadd.s32 $0x1, s25  }
0x237: {  	p0 =	sne.s32 s25, $0x10  }
.Ltmp9:
0x238: {  	_ = 	snop;
	(pc) =	sbr.rel @p0 .LBB2_18-.Ltmp9, $2  }
0x239: {  	_ =	sdelay $0x2  }
0x23a: {  	[tilespmem:v41+s16+$0x0] =	vst.idx.msk $0xffff, v42  }
0x23b: {  	s24 =	simm.s32 $0x0  }
0x23c: {  	v40 =	vadd.s32 s24, v3  }
0x23d: {  	v41 =	vor.u32 s24, v0  }
0x23e: {  	v42 =	vadd.s32 s24, v4  }
0x23f: {  	v43 =	vadd.s32 s24, v5  }
0x240: {  	v44 =	vadd.s32 s24, v6  }
0x241: {  	v45 =	vadd.s32 s24, v7;
	v40 =	vld.idx.msk [tilespmem:v40+s16+$0x0], $0xffff  }
0x242: {  	v46 =	vadd.s32 s24, v8;
	v41 =	vld.idx.msk [tilespmem:v41+s16+$0x0], $0xffff  }
0x243: {  	v47 =	vadd.s32 s24, v9;
	v42 =	vld.idx.msk [tilespmem:v42+s16+$0x0], $0xffff  }
0x244: {  	v48 =	vadd.s32 s24, v10;
	v43 =	vld.idx.msk [tilespmem:v43+s16+$0x0], $0xffff  }
0x245: {  	v49 =	vadd.s32 s24, v11;
	v44 =	vld.idx.msk [tilespmem:v44+s16+$0x0], $0xffff  }
0x246: {  	v50 =	vadd.s32 s24, v12;
	v45 =	vld.idx.msk [tilespmem:v45+s16+$0x0], $0xffff  }
0x247: {  	v51 =	vadd.s32 s24, v13;
	v46 =	vld.idx.msk [tilespmem:v46+s16+$0x0], $0xffff;
	v40 =	vmax.f32 v41, v40  }
0x248: {  	v60 =	vadd.s32 s24, v14;
	v59 =	vld.idx.msk [tilespmem:v47+s16+$0x0], $0xffff;
	v40 =	vmax.f32 v40, v42  }
0x249: {  	v62 =	vadd.s32 s24, v15;
	v61 =	vld.idx.msk [tilespmem:v48+s16+$0x0], $0xffff;
	v40 =	vmax.f32 v40, v43  }
0x24a: {  	v63 =	vadd.s32 s24, v16;
	v43 =	vld.idx.msk [tilespmem:v49+s16+$0x0], $0xffff;
	v40 =	vmax.f32 v40, v44  }
0x24b: {  	v54 =	vadd.s32 s24, v17;
	v44 =	vld.idx.msk [tilespmem:v50+s16+$0x0], $0xffff;
	v40 =	vmax.f32 v40, v45  }
0x24c: {  	v56 =	vadd.s32 s24, v18;
	v55 =	vld.idx.msk [tilespmem:v51+s16+$0x0], $0xffff;
	v40 =	vmax.f32 v40, v46  }
0x24d: {  	v58 =	vadd.s32 s24, v19;
	v57 =	vld.idx.msk [tilespmem:v60+s16+$0x0], $0xffff;
	v40 =	vmax.f32 v40, v59  }
0x24e: {  	v60 =	vadd.s32 s24, v20;
	v59 =	vld.idx.msk [tilespmem:v62+s16+$0x0], $0xffff;
	v40 =	vmax.f32 v40, v61  }
0x24f: {  	v62 =	vadd.s32 s24, v21;
	v61 =	vld.idx.msk [tilespmem:v63+s16+$0x0], $0xffff;
	v40 =	vmax.f32 v40, v43  }
0x250: {  	v63 =	vadd.s32 s24, v22;
	v43 =	vld.idx.msk [tilespmem:v54+s16+$0x0], $0xffff;
	v40 =	vmax.f32 v40, v44  }
0x251: {  	v54 =	vadd.s32 s24, v23;
	v44 =	vld.idx.msk [tilespmem:v56+s16+$0x0], $0xffff;
	v40 =	vmax.f32 v40, v55  }
0x252: {  	v56 =	vadd.s32 s24, v24;
	v55 =	vld.idx.msk [tilespmem:v58+s16+$0x0], $0xffff;
	v40 =	vmax.f32 v40, v57  }
0x253: {  	v58 =	vadd.s32 s24, v25;
	v57 =	vld.idx.msk [tilespmem:v60+s16+$0x0], $0xffff;
	v40 =	vmax.f32 v40, v59  }
0x254: {  	v60 =	vadd.s32 s24, v26;
	v59 =	vld.idx.msk [tilespmem:v62+s16+$0x0], $0xffff;
	v40 =	vmax.f32 v40, v61  }
0x255: {  	v62 =	vadd.s32 s24, v27;
	v61 =	vld.idx.msk [tilespmem:v63+s16+$0x0], $0xffff;
	v40 =	vmax.f32 v40, v43  }
0x256: {  	v63 =	vadd.s32 s24, v28;
	v43 =	vld.idx.msk [tilespmem:v54+s16+$0x0], $0xffff;
	v40 =	vmax.f32 v40, v44  }
0x257: {  	v54 =	vadd.s32 s24, v29;
	v44 =	vld.idx.msk [tilespmem:v56+s16+$0x0], $0xffff;
	v40 =	vmax.f32 v40, v55  }
0x258: {  	v56 =	vadd.s32 s24, v30;
	v55 =	vld.idx.msk [tilespmem:v58+s16+$0x0], $0xffff;
	v40 =	vmax.f32 v40, v57  }
0x259: {  	v58 =	vadd.s32 s24, v31;
	v57 =	vld.idx.msk [tilespmem:v60+s16+$0x0], $0xffff;
	v40 =	vmax.f32 v40, v59  }
0x25a: {  	v60 =	vadd.s32 s24, v34;
	v59 =	vld.idx.msk [tilespmem:v62+s16+$0x0], $0xffff;
	v40 =	vmax.f32 v40, v61  }
0x25b: {  	v62 =	vadd.s32 s24, v35;
	v61 =	vld.idx.msk [tilespmem:v63+s16+$0x0], $0xffff;
	v40 =	vmax.f32 v40, v43  }
0x25c: {  	v63 =	vld.idx.msk [tilespmem:v54+s16+$0x0], $0xffff;
	v40 =	vmax.f32 v40, v44  }
0x25d: {  	v48 =	vld.idx.msk [tilespmem:v56+s16+$0x0], $0xffff;
	v40 =	vmax.f32 v40, v55  }
0x25e: {  	v52 =	vld.idx.msk [tilespmem:v58+s16+$0x0], $0xffff;
	v40 =	vmax.f32 v40, v57  }
0x25f: {  	v53 =	vld.idx.msk [tilespmem:v60+s16+$0x0], $0xffff;
	v40 =	vmax.f32 v40, v59  }
0x260: {  	v54 =	vld.idx.msk [tilespmem:v62+s16+$0x0], $0xffff;
	v40 =	vmax.f32 v40, v61  }
0x261: {  	s26 =	simm.s32 $0x220;
	v40 =	vmax.f32 v40, v63  }
0x262: {  	v55 =	vadd.s32 s26, v3;
	v40 =	vmax.f32 v40, v48  }
0x263: {  	v56 =	vor.u32 s26, v0;
	v40 =	vmax.f32 v40, v52  }
0x264: {  	v57 =	vadd.s32 s26, v4;
	v40 =	vmax.f32 v40, v53  }
0x265: {  	s25 =	simm.s32 $0x9800;
	v58 =	vadd.s32 s26, v5;
	v40 =	vmax.f32 v40, v54  }
0x266: {  	v59 =	vadd.s32 s26, v6;
	[tilespmem:s25+$0x0] =	vst v40  }
0x267: {  	v60 =	vadd.s32 s26, v7;
	v40 =	vld.idx.msk [tilespmem:v55+s16+$0x0], $0xffff  }
0x268: {  	v61 =	vadd.s32 s26, v8;
	v43 =	vld.idx.msk [tilespmem:v56+s16+$0x0], $0xffff  }
0x269: {  	v62 =	vadd.s32 s26, v9;
	v44 =	vld.idx.msk [tilespmem:v57+s16+$0x0], $0xffff  }
0x26a: {  	v63 =	vadd.s32 s26, v10;
	v45 =	vld.idx.msk [tilespmem:v58+s16+$0x0], $0xffff  }
0x26b: {  	v54 =	vadd.s32 s26, v11;
	v41 =	vld.idx.msk [tilespmem:v59+s16+$0x0], $0xffff  }
0x26c: {  	v42 =	vld.idx.msk [tilespmem:v60+s16+$0x0], $0xffff;
	v55 =	vadd.s32 s26, v12  }
0x26d: {  	v46 =	vld.idx.msk [tilespmem:v61+s16+$0x0], $0xffff;
	v56 =	vadd.s32 s26, v13;
	v40 =	vmax.f32 v43, v40  }
0x26e: {  	v57 =	vld.idx.msk [tilespmem:v62+s16+$0x0], $0xffff;
	v58 =	vadd.s32 s26, v14;
	v40 =	vmax.f32 v40, v44  }
0x26f: {  	v59 =	vld.idx.msk [tilespmem:v63+s16+$0x0], $0xffff;
	v60 =	vadd.s32 s26, v15;
	v40 =	vmax.f32 v40, v45  }
0x270: {  	v62 =	vadd.s32 s26, v16;
	v61 =	vld.idx.msk [tilespmem:v54+s16+$0x0], $0xffff;
	v40 =	vmax.f32 v40, v41  }
0x271: {  	v63 =	vadd.s32 s26, v17;
	v41 =	vld.idx.msk [tilespmem:v55+s16+$0x0], $0xffff;
	v40 =	vmax.f32 v40, v42  }
0x272: {  	v54 =	vadd.s32 s26, v18;
	v42 =	vld.idx.msk [tilespmem:v56+s16+$0x0], $0xffff;
	v40 =	vmax.f32 v40, v46  }
0x273: {  	v55 =	vld.idx.msk [tilespmem:v58+s16+$0x0], $0xffff;
	v56 =	vadd.s32 s26, v19;
	v40 =	vmax.f32 v40, v57  }
0x274: {  	v58 =	vadd.s32 s26, v20;
	v57 =	vld.idx.msk [tilespmem:v60+s16+$0x0], $0xffff;
	v40 =	vmax.f32 v40, v59  }
0x275: {  	v60 =	vadd.s32 s26, v21;
	v59 =	vld.idx.msk [tilespmem:v62+s16+$0x0], $0xffff;
	v40 =	vmax.f32 v40, v61  }
0x276: {  	v62 =	vadd.s32 s26, v22;
	v61 =	vld.idx.msk [tilespmem:v63+s16+$0x0], $0xffff;
	v40 =	vmax.f32 v40, v41  }
0x277: {  	v63 =	vadd.s32 s26, v23;
	v41 =	vld.idx.msk [tilespmem:v54+s16+$0x0], $0xffff;
	v40 =	vmax.f32 v40, v42  }
0x278: {  	v54 =	vadd.s32 s26, v24;
	v42 =	vld.idx.msk [tilespmem:v56+s16+$0x0], $0xffff;
	v40 =	vmax.f32 v40, v55  }
0x279: {  	v56 =	vadd.s32 s26, v25;
	v55 =	vld.idx.msk [tilespmem:v58+s16+$0x0], $0xffff;
	v40 =	vmax.f32 v40, v57  }
0x27a: {  	v58 =	vadd.s32 s26, v26;
	v57 =	vld.idx.msk [tilespmem:v60+s16+$0x0], $0xffff;
	v40 =	vmax.f32 v40, v59  }
0x27b: {  	v60 =	vadd.s32 s26, v27;
	v59 =	vld.idx.msk [tilespmem:v62+s16+$0x0], $0xffff;
	v40 =	vmax.f32 v40, v61  }
0x27c: {  	v62 =	vadd.s32 s26, v28;
	v61 =	vld.idx.msk [tilespmem:v63+s16+$0x0], $0xffff;
	v40 =	vmax.f32 v40, v41  }
0x27d: {  	v52 =	vadd.s32 s26, v29;
	v63 =	vld.idx.msk [tilespmem:v54+s16+$0x0], $0xffff;
	v40 =	vmax.f32 v40, v42  }
0x27e: {  	v54 =	vadd.s32 s26, v30;
	v53 =	vld.idx.msk [tilespmem:v56+s16+$0x0], $0xffff;
	v40 =	vmax.f32 v40, v55  }
0x27f: {  	v56 =	vadd.s32 s26, v31;
	v55 =	vld.idx.msk [tilespmem:v58+s16+$0x0], $0xffff;
	v40 =	vmax.f32 v40, v57  }
0x280: {  	v57 =	vld.idx.msk [tilespmem:v60+s16+$0x0], $0xffff;
	v60 =	vadd.s32 s26, v34;
	v40 =	vmax.f32 v40, v59  }
0x281: {  	v58 =	vld.idx.msk [tilespmem:v62+s16+$0x0], $0xffff;
	v62 =	vadd.s32 s26, v35;
	v40 =	vmax.f32 v40, v61  }
0x282: {  	v59 =	vld.idx.msk [tilespmem:v52+s16+$0x0], $0xffff;
	v40 =	vmax.f32 v40, v63  }
0x283: {  	v61 =	vld.idx.msk [tilespmem:v54+s16+$0x0], $0xffff;
	v40 =	vmax.f32 v40, v53  }
0x284: {  	v49 =	vld.idx.msk [tilespmem:v56+s16+$0x0], $0xffff;
	v40 =	vmax.f32 v40, v55  }
0x285: {  	v42 =	vld.idx.msk [tilespmem:v60+s16+$0x0], $0xffff;
	v40 =	vmax.f32 v40, v57  }
0x286: {  	v43 =	vld.idx.msk [tilespmem:v62+s16+$0x0], $0xffff;
	v40 =	vmax.f32 v40, v58  }
0x287: {  	s26 =	simm.s32 $0x440;
	v40 =	vmax.f32 v40, v59  }
0x288: {  	v41 =	vadd.s32 s26, v3;
	v63 =	vmax.f32 v40, v61  }
0x289: {  	s28 =	simm.s32 $0x660;
	v40 =	vor.u32 s26, v0;
	v44 =	vmax.f32 v63, v49  }
.LBB2_22:
0x28a: {  	p0 =	sne.s32 s28, $0x85E0;
	v45 =	vadd.s32 s26, v4;
	v42 =	vmax.f32 v44, v42  }
0x28b: {  	v44 =	vadd.s32 s26, v5;
	s25 =	sadd.s32 $0x10, s25;
	v42 =	vmax.f32 v42, v43  }
0x28c: {  	v43 =	vadd.s32 s26, v6;
	[tilespmem:s25+$0x0] =	vst v42  }
0x28d: {  	v42 =	vadd.s32 s26, v7;
	v41 =	vld.idx.msk [tilespmem:v41+s16+$0x0], $0xffff  }
0x28e: {  	v46 =	vadd.s32 s26, v8;
	v40 =	vld.idx.msk [tilespmem:v40+s16+$0x0], $0xffff  }
0x28f: {  	v47 =	vadd.s32 s26, v9;
	v45 =	vld.idx.msk [tilespmem:v45+s16+$0x0], $0xffff  }
0x290: {  	v48 =	vadd.s32 s26, v10;
	v44 =	vld.idx.msk [tilespmem:v44+s16+$0x0], $0xffff  }
0x291: {  	v49 =	vadd.s32 s26, v11;
	v43 =	vld.idx.msk [tilespmem:v43+s16+$0x0], $0xffff  }
0x292: {  	v50 =	vadd.s32 s26, v12;
	v42 =	vld.idx.msk [tilespmem:v42+s16+$0x0], $0xffff  }
0x293: {  	v51 =	vadd.s32 s26, v13;
	v46 =	vld.idx.msk [tilespmem:v46+s16+$0x0], $0xffff  }
0x294: {  	v40 =	vmax.f32 v40, v41;
	v41 =	vld.idx.msk [tilespmem:v47+s16+$0x0], $0xffff;
	v47 =	vadd.s32 s26, v14  }
0x295: {  	v40 =	vmax.f32 v40, v45;
	v45 =	vld.idx.msk [tilespmem:v48+s16+$0x0], $0xffff;
	v48 =	vadd.s32 s26, v15  }
0x296: {  	v40 =	vmax.f32 v40, v44;
	v44 =	vld.idx.msk [tilespmem:v49+s16+$0x0], $0xffff;
	v49 =	vadd.s32 s26, v16  }
0x297: {  	v40 =	vmax.f32 v40, v43;
	v43 =	vld.idx.msk [tilespmem:v50+s16+$0x0], $0xffff;
	v50 =	vadd.s32 s26, v17  }
0x298: {  	v40 =	vmax.f32 v40, v42;
	v42 =	vld.idx.msk [tilespmem:v51+s16+$0x0], $0xffff;
	v51 =	vadd.s32 s26, v18  }
0x299: {  	v40 =	vmax.f32 v40, v46;
	v46 =	vld.idx.msk [tilespmem:v47+s16+$0x0], $0xffff;
	v47 =	vadd.s32 s26, v19  }
0x29a: {  	v40 =	vmax.f32 v40, v41;
	v41 =	vld.idx.msk [tilespmem:v48+s16+$0x0], $0xffff;
	v48 =	vadd.s32 s26, v20  }
0x29b: {  	v40 =	vmax.f32 v40, v45;
	v45 =	vld.idx.msk [tilespmem:v49+s16+$0x0], $0xffff;
	v49 =	vadd.s32 s26, v21  }
0x29c: {  	v40 =	vmax.f32 v40, v44;
	v44 =	vld.idx.msk [tilespmem:v50+s16+$0x0], $0xffff;
	v50 =	vadd.s32 s26, v22  }
0x29d: {  	v40 =	vmax.f32 v40, v43;
	v43 =	vld.idx.msk [tilespmem:v51+s16+$0x0], $0xffff;
	v51 =	vadd.s32 s26, v23  }
0x29e: {  	v40 =	vmax.f32 v40, v42;
	v42 =	vld.idx.msk [tilespmem:v47+s16+$0x0], $0xffff;
	v47 =	vadd.s32 s26, v24  }
0x29f: {  	v40 =	vmax.f32 v40, v46;
	v46 =	vld.idx.msk [tilespmem:v48+s16+$0x0], $0xffff;
	v48 =	vadd.s32 s26, v25  }
0x2a0: {  	v40 =	vmax.f32 v40, v41;
	v41 =	vld.idx.msk [tilespmem:v49+s16+$0x0], $0xffff;
	v49 =	vadd.s32 s26, v26  }
0x2a1: {  	v40 =	vmax.f32 v40, v45;
	v45 =	vld.idx.msk [tilespmem:v50+s16+$0x0], $0xffff;
	v50 =	vadd.s32 s26, v27  }
0x2a2: {  	v40 =	vmax.f32 v40, v44;
	v44 =	vld.idx.msk [tilespmem:v51+s16+$0x0], $0xffff;
	v51 =	vadd.s32 s26, v28  }
0x2a3: {  	v40 =	vmax.f32 v40, v43;
	v43 =	vld.idx.msk [tilespmem:v47+s16+$0x0], $0xffff;
	v47 =	vadd.s32 s26, v29  }
0x2a4: {  	v40 =	vmax.f32 v40, v42;
	v42 =	vld.idx.msk [tilespmem:v48+s16+$0x0], $0xffff;
	v48 =	vadd.s32 s26, v30  }
0x2a5: {  	v40 =	vmax.f32 v40, v46;
	v46 =	vld.idx.msk [tilespmem:v49+s16+$0x0], $0xffff;
	v49 =	vadd.s32 s26, v31  }
0x2a6: {  	v40 =	vmax.f32 v40, v41;
	v41 =	vld.idx.msk [tilespmem:v50+s16+$0x0], $0xffff;
	v50 =	vadd.s32 s26, v34  }
0x2a7: {  	v40 =	vmax.f32 v40, v45;
	v45 =	vld.idx.msk [tilespmem:v51+s16+$0x0], $0xffff;
	v51 =	vadd.s32 s26, v35;
	s26 =	smov.u32 s28  }
0x2a8: {  	v40 =	vmax.f32 v40, v44;
	v44 =	vld.idx.msk [tilespmem:v47+s16+$0x0], $0xffff  }
0x2a9: {  	v40 =	vmax.f32 v40, v43;
	v47 =	vld.idx.msk [tilespmem:v48+s16+$0x0], $0xffff  }
0x2aa: {  	v40 =	vmax.f32 v40, v42;
	v48 =	vld.idx.msk [tilespmem:v49+s16+$0x0], $0xffff  }
0x2ab: {  	v40 =	vmax.f32 v40, v46;
	v42 =	vld.idx.msk [tilespmem:v50+s16+$0x0], $0xffff  }
.Ltmp10:
0x2ac: {  	v40 =	vmax.f32 v40, v41;
	v43 =	vld.idx.msk [tilespmem:v51+s16+$0x0], $0xffff;
	(pc) =	sbr.rel @p0 .LBB2_22-.Ltmp10, $4  }
0x2ad: {  	v40 =	vmax.f32 v40, v45  }
0x2ae: {  	v40 =	vmax.f32 v40, v44  }
0x2af: {  	v41 =	vadd.s32 s28, v3;
	v44 =	vmax.f32 v40, v47  }
0x2b0: {  	s28 =	sadd.s32 $0x220, s28;
	v40 =	vor.u32 s26, v0;
	v44 =	vmax.f32 v44, v48  }
0x2b1: {  	_ = 	snop  }
0x2b2: {  	v45 =	vadd.s32 s26, v4;
	v42 =	vmax.f32 v44, v42  }
0x2b3: {  	v52 =	vadd.s32 s26, v5;
	s25 =	sadd.s32 $0x10, s25;
	v42 =	vmax.f32 v42, v43  }
0x2b4: {  	v53 =	vadd.s32 s26, v6;
	[tilespmem:s25+$0x0] =	vst v42  }
0x2b5: {  	v54 =	vadd.s32 s26, v7;
	v41 =	vld.idx.msk [tilespmem:v41+s16+$0x0], $0xffff  }
0x2b6: {  	v46 =	vadd.s32 s26, v8;
	v40 =	vld.idx.msk [tilespmem:v40+s16+$0x0], $0xffff  }
0x2b7: {  	v47 =	vadd.s32 s26, v9;
	v45 =	vld.idx.msk [tilespmem:v45+s16+$0x0], $0xffff  }
0x2b8: {  	v48 =	vadd.s32 s26, v10;
	v44 =	vld.idx.msk [tilespmem:v52+s16+$0x0], $0xffff  }
0x2b9: {  	v49 =	vadd.s32 s26, v11;
	v43 =	vld.idx.msk [tilespmem:v53+s16+$0x0], $0xffff  }
0x2ba: {  	v50 =	vadd.s32 s26, v12;
	v42 =	vld.idx.msk [tilespmem:v54+s16+$0x0], $0xffff  }
0x2bb: {  	v51 =	vadd.s32 s26, v13;
	v46 =	vld.idx.msk [tilespmem:v46+s16+$0x0], $0xffff;
	v40 =	vmax.f32 v40, v41  }
0x2bc: {  	v56 =	vadd.s32 s26, v14;
	v55 =	vld.idx.msk [tilespmem:v47+s16+$0x0], $0xffff;
	v40 =	vmax.f32 v40, v45  }
0x2bd: {  	v58 =	vadd.s32 s26, v15;
	v57 =	vld.idx.msk [tilespmem:v48+s16+$0x0], $0xffff;
	v40 =	vmax.f32 v40, v44  }
0x2be: {  	v59 =	vadd.s32 s26, v16;
	v44 =	vld.idx.msk [tilespmem:v49+s16+$0x0], $0xffff;
	v40 =	vmax.f32 v40, v43  }
0x2bf: {  	v60 =	vadd.s32 s26, v17;
	v43 =	vld.idx.msk [tilespmem:v50+s16+$0x0], $0xffff;
	v40 =	vmax.f32 v40, v42  }
0x2c0: {  	v62 =	vadd.s32 s26, v18;
	v61 =	vld.idx.msk [tilespmem:v51+s16+$0x0], $0xffff;
	v40 =	vmax.f32 v40, v46  }
0x2c1: {  	v63 =	vld.idx.msk [tilespmem:v56+s16+$0x0], $0xffff;
	v54 =	vadd.s32 s26, v19;
	v40 =	vmax.f32 v40, v55  }
0x2c2: {  	v56 =	vadd.s32 s26, v20;
	v55 =	vld.idx.msk [tilespmem:v58+s16+$0x0], $0xffff;
	v40 =	vmax.f32 v40, v57  }
0x2c3: {  	v58 =	vadd.s32 s26, v21;
	v57 =	vld.idx.msk [tilespmem:v59+s16+$0x0], $0xffff;
	v40 =	vmax.f32 v40, v44  }
0x2c4: {  	v59 =	vadd.s32 s26, v22;
	v44 =	vld.idx.msk [tilespmem:v60+s16+$0x0], $0xffff;
	v40 =	vmax.f32 v40, v43  }
0x2c5: {  	v60 =	vadd.s32 s26, v23;
	v43 =	vld.idx.msk [tilespmem:v62+s16+$0x0], $0xffff;
	v40 =	vmax.f32 v40, v61  }
0x2c6: {  	v62 =	vadd.s32 s26, v24;
	v61 =	vld.idx.msk [tilespmem:v54+s16+$0x0], $0xffff;
	v40 =	vmax.f32 v40, v63  }
0x2c7: {  	v54 =	vadd.s32 s26, v25;
	v63 =	vld.idx.msk [tilespmem:v56+s16+$0x0], $0xffff;
	v40 =	vmax.f32 v40, v55  }
0x2c8: {  	v56 =	vadd.s32 s26, v26;
	v55 =	vld.idx.msk [tilespmem:v58+s16+$0x0], $0xffff;
	v40 =	vmax.f32 v40, v57  }
0x2c9: {  	v58 =	vadd.s32 s26, v27;
	v57 =	vld.idx.msk [tilespmem:v59+s16+$0x0], $0xffff;
	v40 =	vmax.f32 v40, v44  }
0x2ca: {  	v59 =	vadd.s32 s26, v28;
	v44 =	vld.idx.msk [tilespmem:v60+s16+$0x0], $0xffff;
	v40 =	vmax.f32 v40, v43  }
0x2cb: {  	v60 =	vadd.s32 s26, v29;
	v43 =	vld.idx.msk [tilespmem:v62+s16+$0x0], $0xffff;
	v40 =	vmax.f32 v40, v61  }
0x2cc: {  	v62 =	vadd.s32 s26, v30;
	v61 =	vld.idx.msk [tilespmem:v54+s16+$0x0], $0xffff;
	v40 =	vmax.f32 v40, v63  }
0x2cd: {  	v54 =	vadd.s32 s26, v31;
	v63 =	vld.idx.msk [tilespmem:v56+s16+$0x0], $0xffff;
	v40 =	vmax.f32 v40, v55  }
0x2ce: {  	v56 =	vadd.s32 s26, v34;
	v55 =	vld.idx.msk [tilespmem:v58+s16+$0x0], $0xffff;
	v40 =	vmax.f32 v40, v57  }
0x2cf: {  	v58 =	vadd.s32 s26, v35;
	v57 =	vld.idx.msk [tilespmem:v59+s16+$0x0], $0xffff;
	v40 =	vmax.f32 v40, v44  }
0x2d0: {  	v59 =	vld.idx.msk [tilespmem:v60+s16+$0x0], $0xffff;
	v40 =	vmax.f32 v40, v43  }
0x2d1: {  	v60 =	vld.idx.msk [tilespmem:v62+s16+$0x0], $0xffff;
	v40 =	vmax.f32 v40, v61  }
0x2d2: {  	v61 =	vld.idx.msk [tilespmem:v54+s16+$0x0], $0xffff;
	v40 =	vmax.f32 v40, v63  }
0x2d3: {  	v62 =	vld.idx.msk [tilespmem:v56+s16+$0x0], $0xffff;
	v40 =	vmax.f32 v40, v55  }
0x2d4: {  	v63 =	vld.idx.msk [tilespmem:v58+s16+$0x0], $0xffff;
	v40 =	vmax.f32 v40, v57  }
0x2d5: {  	v40 =	vmax.f32 v40, v59  }
0x2d6: {  	v40 =	vmax.f32 v40, v60  }
0x2d7: {  	v40 =	vmax.f32 v40, v61  }
0x2d8: {  	v40 =	vmax.f32 v40, v62  }
0x2d9: {  	s25 =	sadd.s32 $0x10, s25;
	v40 =	vmax.f32 v40, v63  }
0x2da: {  	[tilespmem:s25+$0x0] =	vst v40  }
.LBB2_24:
0x2db: {  	s25 =	simm.s32 $0x9840  }
0x2dc: {  	v40 =	vld [tilespmem:s25+$0xFFFFFFC0];
	_ =	sdelay $0x1  }
0x2dd: {  	v41 =	vld [tilespmem:s25+$0xFFFFFFD0];
	_ =	sdelay $0x1  }
0x2de: {  	v42 =	vimm.f32 $-Inf;
	v43 =	vld [tilespmem:s25+$0xFFFFFFE0]  }
0x2df: {  	vm0 =	vgt.f32 v40, v42  }
0x2e0: {  	v60 =	vld [tilespmem:s25+$0xFFFFFFF0];
	v40 =	vsel vm0, v40, v42  }
0x2e1: {  	vm1 =	vgt.f32 v41, v40  }
0x2e2: {  	s26 =	simm.s32 $0x0;
	v61 =	vimm.s32 $0x0;
	v44 =	vld [tilespmem:s25+$0x0];
	v40 =	vsel vm1, v41, v40  }
0x2e3: {  	s28 =	simm.s32 $0x1;
	v41 =	vsel vm0, s26, v61;
	vm2 =	vgt.f32 v43, v40  }
0x2e4: {  	v62 =	vld [tilespmem:s25+$0x10];
	v41 =	vsel vm1, s28, v41;
	s28 =	simm.s32 $0x2;
	v40 =	vsel vm2, v43, v40  }
0x2e5: {  	v41 =	vsel vm2, s28, v41;
	s28 =	simm.s32 $0x3;
	vm13 =	vgt.f32 v60, v40  }
0x2e6: {  	v40 =	vsel vm13, v60, v40;
	v63 =	vsel vm13, s28, v41;
	v41 =	vld [tilespmem:s25+$0x20]  }
0x2e7: {  	vm14 =	vgt.f32 v44, v40  }
0x2e8: {  	s28 =	simm.s32 $0x4;
	v44 =	vsel vm14, v44, v40;
	v40 =	vld [tilespmem:s25+$0x30]  }
0x2e9: {  	s30 =	simm.s32 $0x5;
	v45 =	vsel vm14, s28, v63;
	s28 =	simm.s32 $0x98C0;
	vm15 =	vgt.f32 v62, v44  }
0x2ea: {  	s29 =	simm.s32 $0x10;
	s25 =	simm.s32 $0x8;
	v42 =	vld [tilespmem:s28+$0xFFFFFFC0];
	v44 =	vsel vm15, v62, v44;
	v43 =	vsel vm15, s30, v45  }
.LBB2_25:
0x2eb: {  	p0 =	slt.u32 s29, $0x38;
	vm0 =	vgt.f32 v41, v44;
	s30 =	sadd.s32 $0x6, s26  }
0x2ec: {  	v45 =	vld [tilespmem:s28+$0xFFFFFFD0];
	v41 =	vsel vm0, v41, v44;
	v43 =	vsel vm0, s30, v43  }
0x2ed: {  	s30 =	sadd.s32 $0x7, s26;
	s26 =	smov.u32 s25;
	s25 =	smov.u32 s29;
	vm0 =	vgt.f32 v40, v41  }
0x2ee: {  	v44 =	vld [tilespmem:s28+$0xFFFFFFE0];
	v40 =	vsel vm0, v40, v41;
	v41 =	vsel vm0, s30, v43  }
0x2ef: {  	vm0 =	vgt.f32 v42, v40  }
0x2f0: {  	v40 =	vsel vm0, v42, v40;
	v41 =	vsel vm0, s26, v41;
	v42 =	vld [tilespmem:s28+$0xFFFFFFF0]  }
0x2f1: {  	s30 =	sadd.s32 $0x1, s26;
	vm0 =	vgt.f32 v45, v40  }
0x2f2: {  	v40 =	vsel vm0, v45, v40;
	v41 =	vsel vm0, s30, v41;
	v43 =	vld [tilespmem:s28+$0x0]  }
0x2f3: {  	s30 =	sadd.s32 $0x2, s26;
	vm0 =	vgt.f32 v44, v40  }
0x2f4: {  	v40 =	vsel vm0, v44, v40;
	v41 =	vsel vm0, s30, v41;
	v44 =	vld [tilespmem:s28+$0x10]  }
0x2f5: {  	s30 =	sadd.s32 $0x3, s26;
	vm0 =	vgt.f32 v42, v40  }
.Ltmp11:
0x2f6: {  	v40 =	vsel vm0, v42, v40;
	v42 =	vsel vm0, s30, v41;
	v41 =	vld [tilespmem:s28+$0x20];
	(pc) =	sbr.rel @p0 .LBB2_25-.Ltmp11, $4  }
0x2f7: {  	s30 =	sadd.s32 $0x4, s26;
	vm0 =	vgt.f32 v43, v40  }
0x2f8: {  	v43 =	vsel vm0, v43, v40;
	v45 =	vsel vm0, s30, v42;
	v40 =	vld [tilespmem:s28+$0x30]  }
0x2f9: {  	s30 =	sadd.s32 $0x5, s26;
	s28 =	sadd.s32 $0x80, s28;
	vm0 =	vgt.f32 v44, v43  }
0x2fa: {  	s29 =	sadd.s32 $0x8, s29;
	v42 =	vld [tilespmem:s28+$0xFFFFFFC0];
	v44 =	vsel vm0, v44, v43;
	v43 =	vsel vm0, s30, v45  }
0x2fb: {  	vm0 =	vgt.f32 v41, v44  }
0x2fc: {  	v45 =	vld [tilespmem:s28+$0xFFFFFFD0];
	v41 =	vsel vm0, v41, v44  }
0x2fd: {  	vm1 =	vgt.f32 v40, v41  }
0x2fe: {  	v54 =	vld [tilespmem:s28+$0xFFFFFFE0];
	v40 =	vsel vm1, v40, v41  }
0x2ff: {  	vm2 =	vgt.f32 v42, v40  }
0x300: {  	v55 =	vld [tilespmem:s28+$0xFFFFFFF0];
	v40 =	vsel vm2, v42, v40  }
0x301: {  	vm3 =	vgt.f32 v45, v40  }
0x302: {  	v56 =	vld [tilespmem:s28+$0x0];
	v40 =	vsel vm3, v45, v40  }
0x303: {  	vm4 =	vgt.f32 v54, v40  }
0x304: {  	s29 =	sadd.s32 $0x6, s26;
	v57 =	vld [tilespmem:s28+$0x10];
	v40 =	vsel vm4, v54, v40  }
0x305: {  	v43 =	vsel vm0, s29, v43;
	s29 =	sadd.s32 $0x7, s26;
	vm6 =	vgt.f32 v55, v40  }
0x306: {  	v58 =	vld [tilespmem:s28+$0x20];
	v43 =	vsel vm1, s29, v43;
	v40 =	vsel vm6, v55, v40  }
0x307: {  	s30 =	sadd.s32 $0x1, s25;
	v43 =	vsel vm2, s25, v43;
	vm7 =	vgt.f32 v56, v40  }
0x308: {  	s31 =	sadd.s32 $0x2, s25;
	v59 =	vld [tilespmem:s28+$0x30];
	v43 =	vsel vm3, s30, v43;
	v40 =	vsel vm7, v56, v40  }
0x309: {  	s29 =	sadd.s32 $0x3, s25;
	v43 =	vsel vm4, s31, v43;
	vm8 =	vgt.f32 v57, v40  }
0x30a: {  	s30 =	sadd.s32 $0x4, s25;
	v43 =	vsel vm6, s29, v43;
	v40 =	vsel vm8, v57, v40  }
0x30b: {  	s31 =	sadd.s32 $0x5, s25;
	v43 =	vsel vm7, s30, v43;
	vm9 =	vgt.f32 v58, v40  }
0x30c: {  	s28 =	sadd.s32 $0x6, s25;
	v43 =	vsel vm8, s31, v43;
	v40 =	vsel vm9, v58, v40  }
0x30d: {  	s29 =	sadd.s32 $0x7, s25;
	v60 =	vsel vm9, s28, v43;
	vm10 =	vgt.f32 v59, v40  }
0x30e: {  	v40 =	vsel vm10, s29, v60  }
0x30f: {  	v41 =	vmul.u32 $0x220, v40;
	_ =	sdelay $0x1  }
0x310: {  	v46 =	vor.u32 v0, v41;
	_ =	sdelay $0x1  }
0x311: {  	v61 =	vadd.s32 $0x11, v46;
	_ =	sdelay $0x1  }
0x312: {  	v62 =	vadd.s32 $0x22, v46  }
0x313: {  	v47 =	vld.idx.msk [tilespmem:v46+s16+$0x0], $0xffff;
	_ =	sdelay $0x1  }
0x314: {  	v49 =	vimm.s32 $0x0;
	v48 =	vadd.s32 $0x33, v46;
	v51 =	vld.idx.msk [tilespmem:v61+s16+$0x0], $0xffff  }
0x315: {  	v50 =	vimm.f32 $-Inf;
	s30 =	simm.s32 $0x0;
	s31 =	simm.s32 $0x7;
	v41 =	vshll.u32 v40, $0x5;
	v52 =	vadd.s32 $0x44, v46  }
0x316: {  	s29 =	simm.s32 $0x5;
	v53 =	vor.u32 s30, v41;
	v42 =	vor.u32 s31, v41;
	v43 =	vadd.s32 $0x88, v46;
	v54 =	vld.idx.msk [tilespmem:v62+s16+$0x0], $0xffff  }
0x317: {  	v55 =	vadd.s32 $0x55, v46;
	v45 =	vor.u32 s29, v41;
	vm11 =	vgt.f32 v47, v50  }
0x318: {  	s30 =	simm.s32 $0x6;
	s31 =	simm.s32 $0x1;
	v57 =	vadd.s32 $0x66, v46;
	v63 =	vsel vm11, v50, v47;
	v47 =	vsel vm11, v47, v50  }
0x319: {  	v44 =	vor.u32 s30, v41;
	v56 =	vor.u32 s31, v41;
	v58 =	vld.idx.msk [tilespmem:v48+s16+$0x0], $0xffff;
	vm12 =	vgt.f32 v51, v47  }
0x31a: {  	v49 =	vsel vm11, v53, v49;
	v53 =	vsel vm12, v47, v51;
	v47 =	vsel vm12, v51, v47  }
0x31b: {  	s30 =	simm.s32 $0x3;
	v46 =	vadd.s32 $0x77, v46;
	v52 =	vld.idx.msk [tilespmem:v52+s16+$0x0], $0xffff;
	v48 =	vmax.f32 v50, v63;
	vm13 =	vgt.f32 v54, v47  }
0x31c: {  	s31 =	simm.s32 $0x4;
	v60 =	vor.u32 s30, v41;
	v48 =	vmax.f32 v48, v53;
	v51 =	vsel vm13, v47, v54  }
0x31d: {  	s29 =	simm.s32 $0x2;
	v63 =	vor.u32 s31, v41;
	v47 =	vsel vm13, v54, v47;
	v59 =	vmax.f32 v48, v51;
	v48 =	vld.idx.msk [tilespmem:v55+s16+$0x0], $0xffff  }
0x31e: {  	v49 =	vsel vm12, v56, v49;
	v56 =	vor.u32 s29, v41;
	vm14 =	vgt.f32 v58, v47  }
0x31f: {  	v49 =	vsel vm13, v56, v49;
	v61 =	vsel vm14, v47, v58;
	v54 =	vsel vm14, v58, v47;
	v47 =	vld.idx.msk [tilespmem:v57+s16+$0x0], $0xffff  }
0x320: {  	v62 =	vsel vm14, v60, v49;
	v49 =	vld.idx.msk [tilespmem:v46+s16+$0x0], $0xffff;
	v50 =	vmax.f32 v59, v61;
	vm15 =	vgt.f32 v52, v54  }
0x321: {  	s26 =	simm.s32 $0x10;
	s25 =	simm.s32 $0x8;
	v46 =	vmovc v43;
	v53 =	vsel vm15, v54, v52;
	v51 =	vsel vm15, v52, v54;
	v52 =	vsel vm15, v63, v62  }
.LBB2_27:
0x322: {  	p0 =	slt.u32 s26, $0x18;
	v54 =	vadd.s32 $0x11, v43;
	v50 =	vmax.f32 v50, v53;
	vm0 =	vgt.f32 v48, v51  }
0x323: {  	v53 =	vsel vm0, v51, v48;
	v48 =	vsel vm0, v48, v51;
	v45 =	vsel vm0, v45, v52  }
0x324: {  	v51 =	vadd.s32 $0x22, v43;
	v50 =	vmax.f32 v50, v53;
	vm0 =	vgt.f32 v47, v48  }
0x325: {  	v52 =	vld.idx.msk [tilespmem:v43+s16+$0x0], $0xffff;
	v53 =	vsel vm0, v48, v47;
	v47 =	vsel vm0, v47, v48;
	v44 =	vsel vm0, v44, v45  }
0x326: {  	v48 =	vadd.s32 $0x33, v43;
	v45 =	vmax.f32 v50, v53;
	vm0 =	vgt.f32 v49, v47  }
0x327: {  	v50 =	vld.idx.msk [tilespmem:v54+s16+$0x0], $0xffff;
	v53 =	vsel vm0, v47, v49;
	v47 =	vsel vm0, v49, v47;
	v49 =	vsel vm0, v42, v44  }
0x328: {  	s28 =	sadd.s32 $0x7, s25;
	v54 =	vadd.s32 $0x44, v43;
	v53 =	vmax.f32 v45, v53  }
0x329: {  	v55 =	vor.u32 s25, v41;
	s29 =	sadd.s32 $0x5, s25;
	s30 =	sadd.s32 $0x6, s25;
	v42 =	vor.u32 s28, v41;
	v43 =	vadd.s32 $0x88, v43;
	v51 =	vld.idx.msk [tilespmem:v51+s16+$0x0], $0xffff  }
0x32a: {  	v56 =	vadd.s32 $0x55, v46;
	s28 =	sadd.s32 $0x1, s25;
	v44 =	vor.u32 s30, v41;
	v45 =	vor.u32 s29, v41  }
0x32b: {  	v59 =	vadd.s32 $0x66, v46;
	v57 =	vor.u32 s28, v41;
	vm0 =	vgt.f32 v52, v47;
	v58 =	vld.idx.msk [tilespmem:v48+s16+$0x0], $0xffff  }
0x32c: {  	v48 =	vsel vm0, v47, v52;
	v47 =	vsel vm0, v52, v47;
	v49 =	vsel vm0, v55, v49  }
0x32d: {  	v48 =	vmax.f32 v53, v48;
	vm0 =	vgt.f32 v50, v47;
	v53 =	vadd.s32 $0x77, v46;
	v46 =	vmovc v43;
	v52 =	vld.idx.msk [tilespmem:v54+s16+$0x0], $0xffff  }
0x32e: {  	s28 =	sadd.s32 $0x2, s25;
	v54 =	vsel vm0, v47, v50;
	v47 =	vsel vm0, v50, v47;
	v49 =	vsel vm0, v57, v49  }
0x32f: {  	v50 =	vmax.f32 v48, v54;
	vm0 =	vgt.f32 v51, v47;
	v54 =	vor.u32 s28, v41;
	v48 =	vld.idx.msk [tilespmem:v56+s16+$0x0], $0xffff  }
.Ltmp12:
0x330: {  	s28 =	sadd.s32 $0x3, s25;
	v55 =	vsel vm0, v47, v51;
	v51 =	vsel vm0, v51, v47;
	v49 =	vsel vm0, v54, v49;
	(pc) =	sbr.rel @p0 .LBB2_27-.Ltmp12, $4  }
0x331: {  	v54 =	vor.u32 s28, v41;
	v50 =	vmax.f32 v50, v55;
	vm0 =	vgt.f32 v58, v51;
	v47 =	vld.idx.msk [tilespmem:v59+s16+$0x0], $0xffff  }
0x332: {  	s28 =	sadd.s32 $0x4, s25;
	s25 =	smov.u32 s26;
	v55 =	vsel vm0, v51, v58;
	v51 =	vsel vm0, v58, v51;
	v54 =	vsel vm0, v54, v49  }
0x333: {  	v50 =	vmax.f32 v50, v55;
	vm0 =	vgt.f32 v52, v51;
	v55 =	vor.u32 s28, v41;
	v49 =	vld.idx.msk [tilespmem:v53+s16+$0x0], $0xffff  }
0x334: {  	s26 =	sadd.s32 $0x8, s26;
	v53 =	vsel vm0, v51, v52;
	v51 =	vsel vm0, v52, v51;
	v52 =	vsel vm0, v55, v54  }
0x335: {  	_ = 	snop  }
0x336: {  	v54 =	vadd.s32 $0x11, v43;
	_ =	sdelay $0x1  }
0x337: {  	vm2 =	vgt.f32 v48, v51;
	v55 =	vadd.s32 $0x22, v43  }
0x338: {  	v57 =	vld.idx.msk [tilespmem:v43+s16+$0x0], $0xffff;
	v56 =	vsel vm2, v48, v51  }
0x339: {  	v58 =	vadd.s32 $0x33, v43;
	vm3 =	vgt.f32 v47, v56  }
0x33a: {  	v59 =	vsel vm3, v47, v56;
	v54 =	vld.idx.msk [tilespmem:v54+s16+$0x0], $0xffff  }
0x33b: {  	v43 =	vadd.s32 $0x44, v43;
	vm4 =	vgt.f32 v49, v59  }
0x33c: {  	v60 =	vsel vm4, v49, v59;
	v55 =	vld.idx.msk [tilespmem:v55+s16+$0x0], $0xffff  }
0x33d: {  	v61 =	vadd.s32 $0x55, v46;
	vm0 =	vgt.f32 v57, v60  }
0x33e: {  	v58 =	vld.idx.msk [tilespmem:v58+s16+$0x0], $0xffff;
	v62 =	vsel vm0, v57, v60  }
0x33f: {  	v50 =	vmax.f32 v50, v53;
	v53 =	vadd.s32 $0x66, v46;
	vm1 =	vgt.f32 v54, v62  }
0x340: {  	v46 =	vadd.s32 $0x77, v46;
	v63 =	vsel vm2, v51, v48;
	v43 =	vld.idx.msk [tilespmem:v43+s16+$0x0], $0xffff;
	v51 =	vsel vm1, v54, v62  }
0x341: {  	v45 =	vsel vm2, v45, v52;
	v48 =	vmax.f32 v50, v63;
	vm13 =	vgt.f32 v55, v51  }
0x342: {  	v56 =	vsel vm3, v56, v47;
	v44 =	vsel vm3, v44, v45;
	v45 =	vld.idx.msk [tilespmem:v61+s16+$0x0], $0xffff;
	v50 =	vsel vm13, v55, v51  }
0x343: {  	v47 =	vmax.f32 v48, v56;
	v48 =	vsel vm4, v59, v49;
	vm14 =	vgt.f32 v58, v50  }
0x344: {  	s26 =	sadd.s32 $0x1, s25;
	v42 =	vsel vm4, v42, v44;
	v61 =	vor.u32 s25, v41;
	v49 =	vld.idx.msk [tilespmem:v53+s16+$0x0], $0xffff;
	v52 =	vsel vm14, v58, v50  }
0x345: {  	s29 =	sadd.s32 $0x2, s25;
	v63 =	vor.u32 s26, v41;
	v42 =	vsel vm0, v61, v42;
	vm15 =	vgt.f32 v43, v52  }
0x346: {  	s30 =	sadd.s32 $0x3, s25;
	v56 =	vor.u32 s29, v41;
	v46 =	vld.idx.msk [tilespmem:v46+s16+$0x0], $0xffff;
	v42 =	vsel vm1, v63, v42;
	v53 =	vsel vm15, v43, v52  }
0x347: {  	s31 =	sadd.s32 $0x4, s25;
	v59 =	vor.u32 s30, v41;
	v42 =	vsel vm13, v56, v42;
	vm5 =	vgt.f32 v45, v53  }
0x348: {  	s28 =	sadd.s32 $0x5, s25;
	v61 =	vor.u32 s31, v41;
	v42 =	vsel vm14, v59, v42;
	v56 =	vsel vm5, v45, v53  }
0x349: {  	s29 =	sadd.s32 $0x6, s25;
	v63 =	vor.u32 s28, v41;
	v42 =	vsel vm15, v61, v42;
	vm6 =	vgt.f32 v49, v56  }
0x34a: {  	s30 =	sadd.s32 $0x7, s25;
	v61 =	vor.u32 s29, v41;
	v42 =	vsel vm5, v63, v42;
	v59 =	vsel vm6, v49, v56  }
0x34b: {  	v63 =	vor.u32 s30, v41;
	v42 =	vsel vm6, v61, v42;
	vm7 =	vgt.f32 v46, v59  }
0x34c: {  	v47 =	vmax.f32 v47, v48;
	v61 =	vsel vm0, v60, v57;
	v41 =	vsel vm7, v63, v42  }
0x34d: {  	v44 =	vmax.f32 v47, v61;
	v63 =	vsel vm1, v62, v54;
	v54 =	vmul.u32 $0x11, v41  }
0x34e: {  	v40 =	vshll.u32 v40, $0x4;
	v57 =	vsel vm13, v51, v55;
	v42 =	vmax.f32 v44, v63  }
0x34f: {  	s31 =	sshll.u32 s24, $0x4;
	s24 =	sadd.s32 $0x1, s24;
	v50 =	vsel vm14, v50, v58;
	v42 =	vmax.f32 v42, v57;
	v60 =	vadd.s32 v0, v54  }
0x350: {  	v40 =	vor.u32 v0, v40;
	p0 =	sne.s32 s24, $0x14;
	v43 =	vsel vm15, v52, v43;
	v42 =	vmax.f32 v42, v50  }
.Ltmp13:
0x351: {  	v45 =	vsel vm5, v53, v45;
	v42 =	vmax.f32 v42, v43;
	(pc) =	sbr.rel @p0 .LBB2_24-.Ltmp13, $4  }
0x352: {  	s25 =	sand.u32 $0x3FFFFFF0, s31;
	v61 =	vsel vm6, v56, v49;
	v42 =	vmax.f32 v42, v45  }
0x353: {  	v62 =	vsel vm7, v59, v46;
	[tilespmem:s25+$0x9C00] =	vst v41;
	v42 =	vmax.f32 v42, v61  }
0x354: {  	v63 =	vmax.f32 v42, v62;
	[tilespmem:v60+s16+$0x0] =	vst.idx.msk $0xffff, v36  }
0x355: {  	[tilespmem:v40+s17+$0x0] =	vst.idx.msk $0xffff, v63  }
0x356: {  	s24 =	simm.s32 $0x0  }
0x357: {  	v40 =	vor.u32 s24, v32  }
0x358: {  	v41 =	vor.u32 s24, v37;
	_ =	sdelay $0x3  }
0x359: {  	v40 =	vld.idx.msk [tilespmem:v40+s18+$0x0], $0xffff  }
0x35a: {  	v41 =	vld.idx.msk [tilespmem:v41+s18+$0x0], $0xffff;
	_ =	sdelay $0x3  }
0x35b: {  	v40 =	vadd.s32 v33, v40  }
0x35c: {  	s31 =	simm.s32 $0x1;
	v41 =	vadd.s32 v39, v41  }
0x35d: {  	v42 =	vor.u32 s31, v32  }
0x35e: {  	v43 =	vor.u32 s31, v37;
	s24 =	simm.s32 $0x2  }
.LBB2_30:
0x35f: {  	p0 =	sne.s32 s24, $0x8  }
0x360: {  	[tilespmem:v40+s19+$0x0] =	vst.idx.add.f32.msk $0xffff, v38  }
0x361: {  	[tilespmem:v41+s19+$0x0] =	vst.idx.add.f32.msk $0xf, v38  }
0x362: {  	v40 =	vld.idx.msk [tilespmem:v42+s18+$0x0], $0xffff  }
0x363: {  	v41 =	vld.idx.msk [tilespmem:v43+s18+$0x0], $0xffff;
	_ =	sdelay $0x3  }
.Ltmp14:
0x364: {  	(pc) =	sbr.rel @p0 .LBB2_30-.Ltmp14, $4  }
0x365: {  	v40 =	vadd.s32 v33, v40  }
0x366: {  	v41 =	vadd.s32 v39, v41  }
0x367: {  	v42 =	vor.u32 s24, v32  }
0x368: {  	v43 =	vor.u32 s24, v37;
	s24 =	sadd.s32 $0x1, s24  }
0x369: {  	_ =	sdelay $0x3  }
0x36a: {  	[tilespmem:v40+s19+$0x0] =	vst.idx.add.f32.msk $0xffff, v38  }
0x36b: {  	[tilespmem:v41+s19+$0x0] =	vst.idx.add.f32.msk $0xf, v38  }
0x36c: {  	v40 =	vld.idx.msk [tilespmem:v42+s18+$0x0], $0xffff  }
0x36d: {  	v41 =	vld.idx.msk [tilespmem:v43+s18+$0x0], $0xffff;
	_ =	sdelay $0x3  }
0x36e: {  	v40 =	vadd.s32 v33, v40  }
0x36f: {  	v41 =	vadd.s32 v39, v41;
	_ =	sdelay $0x3  }
0x370: {  	[tilespmem:v40+s19+$0x0] =	vst.idx.add.f32.msk $0xffff, v38  }
0x371: {  	s24 =	simm.s32 $0x9E00;
	[tilespmem:v41+s19+$0x0] =	vst.idx.add.f32.msk $0xf, v38  }
0x372: {  	[spmem:s8] =	stream.strided.scatter [tilespmem:s24], [sflag:$0x1], $0xA000, s21, s20, $0x38;
	[tilespmem:$0x1DE00] =	vst v63  }
0x373: {  	_ =	swait.ge [sflag:s14], $0xA000  }
0x374: {  	[sflag:s14] =	ssyncset.done $0x0  }
0x375: {  	[sflag:s14] =	ssyncadd.s32 $0xFFFF6000  }
0x376: {  	[bflag:$0x0] =	sbarrier.arrive $0xFFFF  }
0x377: {  	[tilespmem:s24], [sflag:$0x1] =	stream.strided.gather [spmem:s7], $0x2800, s21, s20, $0x38;
	[tilespmem:$0x1DE00] =	vst v63  }
0x378: {  	_ =	swait.ge [sflag:s14], $0x2800  }
0x379: {  	[sflag:s14] =	ssyncset.done $0x0  }
0x37a: {  	[sflag:s14] =	ssyncadd.s32 $0xFFFFD800  }
0x37b: {  	[tilespmem:s22], [sflag:$0x1] =	stream.strided.gather [spmem:s9], $0x2800, s21, s20, $0x38;
	[tilespmem:$0x1DE00] =	vst v63  }
0x37c: {  	_ =	swait.ge [sflag:s14], $0x2800  }
0x37d: {  	[sflag:s14] =	ssyncset.done $0x0  }
0x37e: {  	[sflag:s14] =	ssyncadd.s32 $0xFFFFD800  }
0x37f: {  	v40 =	vld [tilespmem:s24+$0x2800]  }
0x380: {  	v54 =	vld [tilespmem:s24+$0x2830]  }
0x381: {  	v41 =	vld [tilespmem:s24+$0x2840]  }
0x382: {  	v55 =	vld [tilespmem:s24+$0x30]  }
0x383: {  	v44 =	vld [tilespmem:s24+$0x2820]  }
0x384: {  	v42 =	vld [tilespmem:s24+$0x2850]  }
0x385: {  	v45 =	vld [tilespmem:s24+$0x10]  }
0x386: {  	v43 =	vld [tilespmem:s24+$0x2870]  }
0x387: {  	v50 =	vld [tilespmem:s24+$0x2860]  }
0x388: {  	v46 =	vld [tilespmem:s24+$0x70]  }
0x389: {  	v47 =	vld [tilespmem:s24+$0x50]  }
0x38a: {  	v51 =	vld [tilespmem:s24+$0x60]  }
0x38b: {  	v53 =	vld [tilespmem:s24+$0x20]  }
0x38c: {  	v52 =	vld [tilespmem:s24+$0x2810]  }
0x38d: {  	v48 =	vld [tilespmem:s24+$0x40]  }
0x38e: {  	s25 =	simm.s32 $0x0;
	s26 =	simm.s32 $0x9E80;
	v49 =	vld [tilespmem:s24+$0x0];
	v54 =	vadd.f32 v54, v55  }
.LBB2_32:
0x38f: {  	v55 =	vld [tilespmem:s26+$0x2800];
	s25 =	sadd.s32 $0x8, s25  }
0x390: {  	v56 =	vld [tilespmem:s26+$0x2830];
	p0 =	slt.u32 s25, $0x278;
	v53 =	vadd.f32 v44, v53;
	[tilespmem:s24+$0x30] =	vst v54;
	v44 =	vadd.f32 v50, v51  }
0x391: {  	v50 =	vld [tilespmem:s26+$0x2840];
	v45 =	vadd.f32 v52, v45  }
0x392: {  	v47 =	vadd.f32 v42, v47;
	v46 =	vadd.f32 v43, v46;
	v54 =	vld [tilespmem:s26+$0x30];
	[tilespmem:s24+$0x60] =	vst v44  }
0x393: {  	v48 =	vadd.f32 v41, v48;
	v44 =	vld [tilespmem:s26+$0x2820];
	[tilespmem:s24+$0x20] =	vst v53  }
0x394: {  	v42 =	vld [tilespmem:s26+$0x2850];
	[tilespmem:s24+$0x10] =	vst v45  }
0x395: {  	v49 =	vadd.f32 v40, v49;
	v40 =	vmov v55;
	v45 =	vld [tilespmem:s26+$0x10];
	[tilespmem:s24+$0x50] =	vst v47  }
0x396: {  	v43 =	vld [tilespmem:s26+$0x2870];
	[tilespmem:s24+$0x70] =	vst v46;
	v41 =	vmov v50  }
0x397: {  	v50 =	vld [tilespmem:s26+$0x2860];
	[tilespmem:s24+$0x0] =	vst v49  }
0x398: {  	v46 =	vld [tilespmem:s26+$0x70];
	[tilespmem:s24+$0x40] =	vst v48;
	s24 =	smov.u32 s26  }
0x399: {  	v47 =	vld [tilespmem:s26+$0x50]  }
.Ltmp15:
0x39a: {  	v51 =	vld [tilespmem:s26+$0x60];
	(pc) =	sbr.rel @p0 .LBB2_32-.Ltmp15, $4  }
0x39b: {  	v53 =	vld [tilespmem:s26+$0x20]  }
0x39c: {  	v52 =	vld [tilespmem:s26+$0x2810]  }
0x39d: {  	v48 =	vld [tilespmem:s26+$0x40]  }
0x39e: {  	v54 =	vadd.f32 v56, v54;
	s26 =	sadd.s32 $0x80, s26;
	v49 =	vld [tilespmem:s24+$0x0]  }
0x39f: {  	v50 =	vadd.f32 v50, v51  }
0x3a0: {  	v42 =	vadd.f32 v42, v47;
	[tilespmem:s24+$0x30] =	vst v54  }
0x3a1: {  	v43 =	vadd.f32 v43, v46;
	[tilespmem:s24+$0x60] =	vst v50  }
0x3a2: {  	v44 =	vadd.f32 v44, v53;
	[tilespmem:s24+$0x50] =	vst v42  }
0x3a3: {  	v45 =	vadd.f32 v52, v45;
	[tilespmem:s24+$0x70] =	vst v43  }
0x3a4: {  	[tilespmem:s24+$0x20] =	vst v44;
	v41 =	vadd.f32 v41, v48  }
0x3a5: {  	[tilespmem:s24+$0x10] =	vst v45;
	v40 =	vadd.f32 v40, v49  }
0x3a6: {  	[tilespmem:s24+$0x40] =	vst v41  }
0x3a7: {  	[tilespmem:s24+$0x0] =	vst v40  }
0x3a8: {  	[tilespmem:s22], [sflag:$0x1] =	stream.strided.gather [spmem:s10], $0x2800, s21, s20, $0x38;
	[tilespmem:$0x1DE00] =	vst v63  }
0x3a9: {  	_ =	swait.ge [sflag:s14], $0x2800  }
0x3aa: {  	[sflag:s14] =	ssyncset.done $0x0  }
0x3ab: {  	s24 =	simm.s32 $0x9E00;
	[sflag:s14] =	ssyncadd.s32 $0xFFFFD800  }
0x3ac: {  	v40 =	vld [tilespmem:s24+$0x2800]  }
0x3ad: {  	v63 =	vld [tilespmem:s24+$0x2830]  }
0x3ae: {  	v41 =	vld [tilespmem:s24+$0x2840]  }
0x3af: {  	v55 =	vld [tilespmem:s24+$0x30]  }
0x3b0: {  	v44 =	vld [tilespmem:s24+$0x2820]  }
0x3b1: {  	v42 =	vld [tilespmem:s24+$0x2850]  }
0x3b2: {  	v45 =	vld [tilespmem:s24+$0x10]  }
0x3b3: {  	v43 =	vld [tilespmem:s24+$0x2870]  }
0x3b4: {  	v50 =	vld [tilespmem:s24+$0x2860]  }
0x3b5: {  	v46 =	vld [tilespmem:s24+$0x70]  }
0x3b6: {  	v47 =	vld [tilespmem:s24+$0x50]  }
0x3b7: {  	v51 =	vld [tilespmem:s24+$0x60]  }
0x3b8: {  	v53 =	vld [tilespmem:s24+$0x20]  }
0x3b9: {  	v52 =	vld [tilespmem:s24+$0x2810]  }
0x3ba: {  	v48 =	vld [tilespmem:s24+$0x40]  }
0x3bb: {  	s25 =	simm.s32 $0x0;
	s26 =	simm.s32 $0x9E80;
	v49 =	vld [tilespmem:s24+$0x0];
	v54 =	vadd.f32 v63, v55  }
.LBB2_34:
0x3bc: {  	v55 =	vld [tilespmem:s26+$0x2800];
	s25 =	sadd.s32 $0x8, s25  }
0x3bd: {  	v56 =	vld [tilespmem:s26+$0x2830];
	p0 =	slt.u32 s25, $0x278;
	v53 =	vadd.f32 v44, v53;
	[tilespmem:s24+$0x30] =	vst v54;
	v44 =	vadd.f32 v50, v51  }
0x3be: {  	v50 =	vld [tilespmem:s26+$0x2840];
	v45 =	vadd.f32 v52, v45  }
0x3bf: {  	v47 =	vadd.f32 v42, v47;
	v46 =	vadd.f32 v43, v46;
	v54 =	vld [tilespmem:s26+$0x30];
	[tilespmem:s24+$0x60] =	vst v44  }
0x3c0: {  	v48 =	vadd.f32 v41, v48;
	v44 =	vld [tilespmem:s26+$0x2820];
	[tilespmem:s24+$0x20] =	vst v53  }
0x3c1: {  	v42 =	vld [tilespmem:s26+$0x2850];
	[tilespmem:s24+$0x10] =	vst v45  }
0x3c2: {  	v49 =	vadd.f32 v40, v49;
	v40 =	vmov v55;
	v45 =	vld [tilespmem:s26+$0x10];
	[tilespmem:s24+$0x50] =	vst v47  }
0x3c3: {  	v43 =	vld [tilespmem:s26+$0x2870];
	[tilespmem:s24+$0x70] =	vst v46;
	v41 =	vmov v50  }
0x3c4: {  	v50 =	vld [tilespmem:s26+$0x2860];
	[tilespmem:s24+$0x0] =	vst v49  }
0x3c5: {  	v46 =	vld [tilespmem:s26+$0x70];
	[tilespmem:s24+$0x40] =	vst v48;
	s24 =	smov.u32 s26  }
0x3c6: {  	v47 =	vld [tilespmem:s26+$0x50]  }
.Ltmp16:
0x3c7: {  	v51 =	vld [tilespmem:s26+$0x60];
	(pc) =	sbr.rel @p0 .LBB2_34-.Ltmp16, $4  }
0x3c8: {  	v53 =	vld [tilespmem:s26+$0x20]  }
0x3c9: {  	v52 =	vld [tilespmem:s26+$0x2810]  }
0x3ca: {  	v48 =	vld [tilespmem:s26+$0x40]  }
0x3cb: {  	v54 =	vadd.f32 v56, v54;
	s26 =	sadd.s32 $0x80, s26;
	v49 =	vld [tilespmem:s24+$0x0]  }
0x3cc: {  	v50 =	vadd.f32 v50, v51  }
0x3cd: {  	v42 =	vadd.f32 v42, v47;
	[tilespmem:s24+$0x30] =	vst v54  }
0x3ce: {  	v43 =	vadd.f32 v43, v46;
	[tilespmem:s24+$0x60] =	vst v50  }
0x3cf: {  	v44 =	vadd.f32 v44, v53;
	[tilespmem:s24+$0x50] =	vst v42  }
0x3d0: {  	v45 =	vadd.f32 v52, v45;
	[tilespmem:s24+$0x70] =	vst v43  }
0x3d1: {  	[tilespmem:s24+$0x20] =	vst v44;
	v41 =	vadd.f32 v41, v48  }
0x3d2: {  	[tilespmem:s24+$0x10] =	vst v45;
	v40 =	vadd.f32 v40, v49  }
0x3d3: {  	[tilespmem:s24+$0x40] =	vst v41  }
0x3d4: {  	[tilespmem:s24+$0x0] =	vst v40  }
0x3d5: {  	[tilespmem:s22], [sflag:$0x1] =	stream.strided.gather [spmem:s11], $0x2800, s21, s20, $0x38;
	[tilespmem:$0x1DE00] =	vst v63  }
0x3d6: {  	_ =	swait.ge [sflag:s14], $0x2800  }
0x3d7: {  	[sflag:s14] =	ssyncset.done $0x0  }
0x3d8: {  	s24 =	simm.s32 $0x9E00;
	[sflag:s14] =	ssyncadd.s32 $0xFFFFD800  }
0x3d9: {  	v40 =	vld [tilespmem:s24+$0x2800]  }
0x3da: {  	v63 =	vld [tilespmem:s24+$0x2830]  }
0x3db: {  	v41 =	vld [tilespmem:s24+$0x2840]  }
0x3dc: {  	v55 =	vld [tilespmem:s24+$0x30]  }
0x3dd: {  	v44 =	vld [tilespmem:s24+$0x2820]  }
0x3de: {  	v42 =	vld [tilespmem:s24+$0x2850]  }
0x3df: {  	v45 =	vld [tilespmem:s24+$0x10]  }
0x3e0: {  	v43 =	vld [tilespmem:s24+$0x2870]  }
0x3e1: {  	v50 =	vld [tilespmem:s24+$0x2860]  }
0x3e2: {  	v46 =	vld [tilespmem:s24+$0x70]  }
0x3e3: {  	v47 =	vld [tilespmem:s24+$0x50]  }
0x3e4: {  	v51 =	vld [tilespmem:s24+$0x60]  }
0x3e5: {  	v53 =	vld [tilespmem:s24+$0x20]  }
0x3e6: {  	v52 =	vld [tilespmem:s24+$0x2810]  }
0x3e7: {  	v48 =	vld [tilespmem:s24+$0x40]  }
0x3e8: {  	s25 =	simm.s32 $0x0;
	s26 =	simm.s32 $0x9E80;
	v49 =	vld [tilespmem:s24+$0x0];
	v54 =	vadd.f32 v63, v55  }
.LBB2_36:
0x3e9: {  	v55 =	vld [tilespmem:s26+$0x2800];
	s25 =	sadd.s32 $0x8, s25  }
0x3ea: {  	v56 =	vld [tilespmem:s26+$0x2830];
	p0 =	slt.u32 s25, $0x278;
	v53 =	vadd.f32 v44, v53;
	[tilespmem:s24+$0x30] =	vst v54;
	v44 =	vadd.f32 v50, v51  }
0x3eb: {  	v50 =	vld [tilespmem:s26+$0x2840];
	v45 =	vadd.f32 v52, v45  }
0x3ec: {  	v47 =	vadd.f32 v42, v47;
	v46 =	vadd.f32 v43, v46;
	v54 =	vld [tilespmem:s26+$0x30];
	[tilespmem:s24+$0x60] =	vst v44  }
0x3ed: {  	v48 =	vadd.f32 v41, v48;
	v44 =	vld [tilespmem:s26+$0x2820];
	[tilespmem:s24+$0x20] =	vst v53  }
0x3ee: {  	v42 =	vld [tilespmem:s26+$0x2850];
	[tilespmem:s24+$0x10] =	vst v45  }
0x3ef: {  	v49 =	vadd.f32 v40, v49;
	v40 =	vmov v55;
	v45 =	vld [tilespmem:s26+$0x10];
	[tilespmem:s24+$0x50] =	vst v47  }
0x3f0: {  	v43 =	vld [tilespmem:s26+$0x2870];
	[tilespmem:s24+$0x70] =	vst v46;
	v41 =	vmov v50  }
0x3f1: {  	v50 =	vld [tilespmem:s26+$0x2860];
	[tilespmem:s24+$0x0] =	vst v49  }
0x3f2: {  	v46 =	vld [tilespmem:s26+$0x70];
	[tilespmem:s24+$0x40] =	vst v48;
	s24 =	smov.u32 s26  }
0x3f3: {  	v47 =	vld [tilespmem:s26+$0x50]  }
.Ltmp17:
0x3f4: {  	v51 =	vld [tilespmem:s26+$0x60];
	(pc) =	sbr.rel @p0 .LBB2_36-.Ltmp17, $4  }
0x3f5: {  	v53 =	vld [tilespmem:s26+$0x20]  }
0x3f6: {  	v52 =	vld [tilespmem:s26+$0x2810]  }
0x3f7: {  	v48 =	vld [tilespmem:s26+$0x40]  }
0x3f8: {  	v54 =	vadd.f32 v56, v54;
	s26 =	sadd.s32 $0x80, s26;
	v49 =	vld [tilespmem:s24+$0x0]  }
0x3f9: {  	v50 =	vadd.f32 v50, v51  }
0x3fa: {  	v42 =	vadd.f32 v42, v47;
	[tilespmem:s24+$0x30] =	vst v54  }
0x3fb: {  	v43 =	vadd.f32 v43, v46;
	[tilespmem:s24+$0x60] =	vst v50  }
0x3fc: {  	v44 =	vadd.f32 v44, v53;
	[tilespmem:s24+$0x50] =	vst v42  }
0x3fd: {  	v45 =	vadd.f32 v52, v45;
	[tilespmem:s24+$0x70] =	vst v43  }
0x3fe: {  	[tilespmem:s24+$0x20] =	vst v44;
	v41 =	vadd.f32 v41, v48  }
0x3ff: {  	[tilespmem:s24+$0x10] =	vst v45;
	v40 =	vadd.f32 v40, v49  }
0x400: {  	[tilespmem:s24+$0x40] =	vst v41  }
0x401: {  	s25 =	simm.s32 $0x9E40;
	[tilespmem:s24+$0x0] =	vst v40  }
0x402: {  	v41 =	vld [tilespmem:s25+$0xFFFFFFC0]  }
0x403: {  	v44 =	vld [tilespmem:s25+$0xFFFFFFD0]  }
0x404: {  	v62 =	vld [tilespmem:s25+$0xFFFFFFE0]  }
0x405: {  	v42 =	vld [tilespmem:s25+$0x0]  }
0x406: {  	v40 =	vld [tilespmem:s25+$0x10]  }
0x407: {  	v43 =	vld [tilespmem:s25+$0x20];
	v63 =	vmul.f32 $9.999999770e-03, v41  }
0x408: {  	v41 =	vld [tilespmem:s25+$0x30];
	v45 =	vmul.f32 $9.999999770e-03, v44  }
0x409: {  	s26 =	simm.s32 $0x9EC0;
	s24 =	simm.s32 $0x0;
	v46 =	vmul.f32 $9.999999770e-03, v62;
	v44 =	vld [tilespmem:s25+$0xFFFFFFF0];
	[tilespmem:s25+$0xFFFFFFC0] =	vst v63  }
.LBB2_38:
0x40a: {  	v47 =	vld [tilespmem:s26+$0xFFFFFFC0];
	[tilespmem:s25+$0xFFFFFFD0] =	vst v45;
	v42 =	vmul.f32 $9.999999770e-03, v42  }
0x40b: {  	s24 =	sadd.s32 $0x8, s24;
	v45 =	vld [tilespmem:s26+$0xFFFFFFD0];
	[tilespmem:s25+$0xFFFFFFE0] =	vst v46;
	v40 =	vmul.f32 $9.999999770e-03, v40  }
0x40c: {  	p0 =	slt.u32 s24, $0x278;
	v46 =	vld [tilespmem:s26+$0xFFFFFFE0];
	[tilespmem:s25+$0x0] =	vst v42;
	v43 =	vmul.f32 $9.999999770e-03, v43  }
.Ltmp18:
0x40d: {  	v42 =	vld [tilespmem:s26+$0x0];
	[tilespmem:s25+$0x10] =	vst v40;
	v41 =	vmul.f32 $9.999999770e-03, v41;
	(pc) =	sbr.rel @p0 .LBB2_38-.Ltmp18, $4  }
0x40e: {  	v40 =	vld [tilespmem:s26+$0x10];
	v44 =	vmul.f32 $9.999999770e-03, v44;
	[tilespmem:s25+$0x20] =	vst v43  }
0x40f: {  	v47 =	vmul.f32 $9.999999770e-03, v47;
	v43 =	vld [tilespmem:s26+$0x20];
	[tilespmem:s25+$0x30] =	vst v41  }
0x410: {  	v45 =	vmul.f32 $9.999999770e-03, v45;
	v41 =	vld [tilespmem:s26+$0x30];
	[tilespmem:s25+$0xFFFFFFF0] =	vst v44;
	s25 =	smov.u32 s26  }
0x411: {  	s26 =	sadd.s32 $0x80, s26;
	[tilespmem:s25+$0xFFFFFFC0] =	vst v47;
	v46 =	vmul.f32 $9.999999770e-03, v46;
	v44 =	vld [tilespmem:s25+$0xFFFFFFF0]  }
0x412: {  	[tilespmem:s25+$0xFFFFFFD0] =	vst v45;
	v42 =	vmul.f32 $9.999999770e-03, v42  }
0x413: {  	[tilespmem:s25+$0xFFFFFFE0] =	vst v46;
	v40 =	vmul.f32 $9.999999770e-03, v40  }
0x414: {  	[tilespmem:s25+$0x0] =	vst v42;
	v61 =	vmul.f32 $9.999999770e-03, v43  }
0x415: {  	[tilespmem:s25+$0x10] =	vst v40;
	v62 =	vmul.f32 $9.999999770e-03, v41  }
0x416: {  	s23 =	sadd.s32 $0x1, s23;
	v63 =	vmul.f32 $9.999999770e-03, v44;
	[tilespmem:s25+$0x20] =	vst v61  }
0x417: {  	p0 =	sne.s32 s23, s13;
	[tilespmem:s25+$0x30] =	vst v62  }
.Ltmp19:
0x418: {  	[tilespmem:s25+$0xFFFFFFF0] =	vst v63;
	(pc) =	sbr.rel @p0 .LBB2_1-.Ltmp19, $4  }
0x419: {  	[hbm4b:s12+s2] =	stream.linear.scatter [tilespmem:s19], [sflag:$0x1], $0x2800, $0x38;
	[tilespmem:$0x1DE00] =	vst v63  }
0x41a: {  	_ =	swait.ge [sflag:s14], $0x2800  }
0x41b: {  	[sflag:s14] =	ssyncset.done $0x0  }
0x41c: {  	[sflag:s14] =	ssyncadd.s32 $0xFFFFD800  }
0x41d: {  	_ =	sfence.sel $0x180000  }
0x41e: {  	[bflag:$0x0] =	sbarrier.arrive $0xFFFF  }
0x41f: {  	p0 =	sne.s32 s1, $0x0;
	_ =	strace $0x90000047  }
0x420: {  	s0 =	sadd.s32 @!p0 $0x100000, s0;
	[bflag:$0x2] =	sbarrier.arrive $0xFFFF  }
0x421: {  	[sflag:s0] =	ssyncadd.tile.s32 @!p0 $0x1;
	_ =	shalt  }
.Lfunc_end2:
_tile_overlayer_lowered:
.L_overlay_start_2:
0x422: {  	(tag) =	ssettag $0x2  }
0x423: {  	s0 =	rddreg [dreg:$0x0];
	s2 =	stileid.u32  }
0x424: {  	s1 =	rddreg [dreg:$0x1];
	p0 =	sne.s32 s2, $0x0  }
0x425: {  	s3 =	rddreg [dreg:$0x2];
	[bflag:$0x3] =	sbarrier.arrive $0xFFFF;
	s2 =	simm.s32 @!p0 $0x1C01  }
0x426: {  	[timem:s3], [sflag:s2] =	dma.local @!p0 [hbm:s0], s1  }
0x427: {  	s0 =	simm.s32 @!p0 $0x1  }
0x428: {  	_ =	swait.ge @!p0 [sflag:s0], s1  }
0x429: {  	s1 =	ssub.s32 @!p0 $0x0, s1;
	[sflag:s0] =	ssyncset.done @!p0 $0x0  }
0x42a: {  	[sflag:s0] =	ssyncadd.s32 @!p0 s1  }
0x42b: {  	[bflag:$0x3] =	sbarrier.arrive $0xFFFF  }
0x42c: {  	_ =	shalt  }

</sc_bundles>
